<compile_context>
chip_gen: v7x
topology: tpu7x:2x2x1
jax: 0.10.2.dev20260603
libtpu: 0.0.44.dev20260713+nightly
codegen_flags: <defaults>
</compile_context>

<pallas_src>
import dataclasses

import jax
import jax.numpy as jnp
from jax.experimental import pallas as pl
from jax.experimental.pallas import tpu as pltpu
from jax.experimental.pallas import tpu_sc as plsc

_EMBED_DIM = 64
_NVOCAB = 8
_LANES = 16
_CHUNK = 512


def _expand_kernel(nrows: int, ncols: int):
    mesh = plsc.VectorSubcoreMesh(core_axis_name="core", subcore_axis_name="subcore")
    cp = pltpu.CompilerParams()
    if "needs_layout_passes" in pltpu.CompilerParams.__dataclass_fields__:
        cp = dataclasses.replace(cp, needs_layout_passes=False)

    @pl.kernel(
        out_type=jax.ShapeDtypeStruct((ncols, _EMBED_DIM, nrows), jnp.float32),
        mesh=mesh,
        scratch_types=[pltpu.VMEM((_NVOCAB * _EMBED_DIM,), jnp.float32)],
        compiler_params=cp,
    )
    def kern(tabt_hbm, xt_hbm, out_hbm, tab_vmem):
        pltpu.sync_copy(tabt_hbm, tab_vmem)

        def body(x_vmem, o_vmem):
            @plsc.parallel_loop(0, _CHUNK, step=_LANES)
            def _(g):
                xv = x_vmem[0, pl.ds(g, _LANES)]
                for d in range(_EMBED_DIM):
                    o_vmem[0, d, pl.ds(g, _LANES)] = plsc.load_gather(
                        tab_vmem, [xv + (d * _NVOCAB)]
                    )

        pltpu.emit_pipeline(
            body,
            grid=(ncols, nrows // _CHUNK),
            in_specs=[pl.BlockSpec((1, _CHUNK), index_map=lambda j, b: (j, b))],
            out_specs=[
                pl.BlockSpec(
                    (1, _EMBED_DIM, _CHUNK), index_map=lambda j, b: (j, 0, b)
                )
            ],
            core_axis_name=("core", "subcore"),
            dimension_semantics=(pltpu.PARALLEL, pltpu.PARALLEL),
        )(xt_hbm, out_hbm)

    return kern


def kernel(x, table):
    nrows, ncols = x.shape
    xt = x.astype(jnp.int32).T
    tabt = table.T.reshape(_NVOCAB * _EMBED_DIM)
    out_t = _expand_kernel(nrows, ncols)(tabt, xt)
    return jnp.transpose(out_t, (2, 0, 1))

# --- scband reference (transcript-rebuilt; emitter-appended) ---
"""Pipeline reference for scband-embed-23983097380875 (READ-ONLY COPY).

The authoritative reference and input builder live on the scoring server;
editing this copy changes nothing except your own understanding.
"""

import jax, jax.numpy as jnp
import numpy as np

NUM_EMBEDDINGS = 8
EMBED_DIM = 64


def setup_inputs(seed: int = 0) -> dict:
    key = jax.random.key(seed)
    k_idx, k_tab = jax.random.split(key)
    x = jax.random.randint(k_idx, (16384, 200), 0, NUM_EMBEDDINGS, dtype=jnp.int64 if jax.config.jax_enable_x64 else jnp.int32)
    # nn.Embedding default init: N(0, 1)
    table = jax.random.normal(k_tab, (NUM_EMBEDDINGS, EMBED_DIM), dtype=jnp.float32)
    return {"x": x, "table": table}


def reference(x, table):
    # nn.Embedding forward: gather rows of the weight table by index
    return jnp.take(table, x, axis=0)

if __name__ == "__main__":
    import jax
    _d = setup_inputs()
    print(jax.jit(kernel)(*tuple(_d.values())))

</pallas_src>

<mosaic_0001>
#map = affine_map<(d0, d1) -> (0)>
#map1 = affine_map<(d0, d1) -> (0, 0)>
#map2 = affine_map<(d0, d1) -> (0, 0, 0)>
module attributes {stable_mosaic.version = 14 : i64} {
  func.func @kern(%arg0: i32, %arg1: i32, %arg2: memref<512xf32, #tpu.memory_space<hbm>>, %arg3: memref<200x16384xi32, #tpu.memory_space<hbm>>, %arg4: memref<200x64x16384xf32, #tpu.memory_space<hbm>>, %arg5: memref<512xf32, #tpu.memory_space<vmem>>) attributes {dimension_semantics = [#tpu.dimension_semantics<core_parallel>, #tpu.dimension_semantics<subcore_parallel>], iteration_bounds = array<i64: 2, 16>, scalar_prefetch = 0 : i64, scratch_operands = 1 : i64, tpu.core_type = #tpu.core_type<sc_vector_subcore>, window_params = [{transform_indices = #map}, {transform_indices = #map1}, {transform_indices = #map2}]} {
    "tpu.region"() ({
      %run_scoped3A = tpu.sem_alloc : memref<!tpu.dma_semaphore, #tpu.memory_space<semaphore_mem>>
      tpu.enqueue_dma source(%arg2 : memref<512xf32, #tpu.memory_space<hbm>>) target(%arg5 : memref<512xf32, #tpu.memory_space<vmem>>) target_semaphore(%run_scoped3A : memref<!tpu.dma_semaphore, #tpu.memory_space<semaphore_mem>>)
      tpu.wait_dma2 semaphore(%run_scoped3A : memref<!tpu.dma_semaphore, #tpu.memory_space<semaphore_mem>>) src(%arg2 : memref<512xf32, #tpu.memory_space<hbm>>) dst(%arg5 : memref<512xf32, #tpu.memory_space<vmem>>)
      tpu.yield
    }) : () -> ()
    %mul3A = arith.constant 1 : i32
    %mul3A_0 = arith.muli %arg1, %mul3A : i32
    %add3A = arith.constant 0 : i32
    %add3A_1 = arith.addi %add3A, %mul3A_0 : i32
    %mul3A_2 = arith.constant 16 : i32
    %mul3A_3 = arith.muli %arg0, %mul3A_2 : i32
    %add3A_4 = arith.addi %add3A_1, %mul3A_3 : i32
    %mul3A_5 = arith.constant 1 : i32
    %mul3A_6 = arith.muli %add3A_4, %mul3A_5 : i32
    "tpu.region"() ({
      %run_scoped3A = memref.alloca() : memref<2x1x512xi32, #tpu.memory_space<vmem>>
      %run_scoped3A_7 = tpu.sem_alloc : memref<2x!tpu.dma_semaphore, #tpu.memory_space<semaphore_mem>>
      %run_scoped3A_8 = memref.alloca() : memref<2x1x64x512xf32, #tpu.memory_space<vmem>>
      %run_scoped3A_9 = tpu.sem_alloc : memref<2x!tpu.dma_semaphore, #tpu.memory_space<semaphore_mem>>
      %add3A_10 = arith.constant 0 : i32
      %add3A_11 = arith.addi %add3A_10, %mul3A_6 : i32
      %select_n3A = arith.constant true
      %select_n3A_12 = arith.constant 0 : i32
      %select_n3A_13 = arith.constant -1 : i32
      %select_n3A_14 = arith.select %select_n3A, %select_n3A_13, %select_n3A_12 : i32
      %eq3A = arith.constant -1 : i32
      %eq3A_15 = arith.cmpi eq, %select_n3A_14, %eq3A : i32
      %select_n3A_16 = arith.constant 0 : i32
      %select_n3A_17 = arith.select %eq3A_15, %select_n3A_16, %select_n3A_14 : i32
      %select_n3A_18 = arith.constant 0 : i32
      %select_n3A_19 = arith.constant -1 : i32
      %select_n3A_20 = arith.select %eq3A_15, %select_n3A_19, %select_n3A_18 : i32
      %eq3A_21 = arith.constant -1 : i32
      %eq3A_22 = arith.cmpi eq, %select_n3A_20, %eq3A_21 : i32
      %select_n3A_23 = arith.constant 199 : i32
      %select_n3A_24 = arith.select %eq3A_22, %select_n3A_23, %select_n3A_20 : i32
      %add3A_25 = arith.constant 0 : i32
      %add3A_26 = arith.addi %select_n3A_24, %add3A_25 : i32
      %add3A_27 = arith.constant 0 : i32
      %add3A_28 = arith.addi %add3A_27, %mul3A_6 : i32
      %select_n3A_29 = arith.constant true
      %select_n3A_30 = arith.constant 0 : i32
      %select_n3A_31 = arith.constant 1 : i32
      %select_n3A_32 = arith.select %select_n3A_29, %select_n3A_31, %select_n3A_30 : i32
      %eq3A_33 = arith.constant 1 : i32
      %eq3A_34 = arith.cmpi eq, %select_n3A_32, %eq3A_33 : i32
      %select_n3A_35 = arith.constant 0 : i32
      %select_n3A_36 = arith.select %eq3A_34, %select_n3A_35, %select_n3A_32 : i32
      %select_n3A_37 = arith.constant 0 : i32
      %select_n3A_38 = arith.constant 1 : i32
      %select_n3A_39 = arith.select %eq3A_34, %select_n3A_38, %select_n3A_37 : i32
      %eq3A_40 = arith.constant 200 : i32
      %eq3A_41 = arith.cmpi eq, %select_n3A_39, %eq3A_40 : i32
      %select_n3A_42 = arith.constant 0 : i32
      %select_n3A_43 = arith.select %eq3A_41, %select_n3A_42, %select_n3A_39 : i32
      %add3A_44 = arith.constant 0 : i32
      %add3A_45 = arith.addi %select_n3A_43, %add3A_44 : i32
      %add3A_46 = arith.constant 0 : i32
      %add3A_47 = arith.addi %add3A_46, %mul3A_6 : i32
      %select_n3A_48 = arith.constant true
      %select_n3A_49 = arith.constant 0 : i32
      %select_n3A_50 = arith.constant 1 : i32
      %select_n3A_51 = arith.select %select_n3A_48, %select_n3A_50, %select_n3A_49 : i32
      %eq3A_52 = arith.constant 1 : i32
      %eq3A_53 = arith.cmpi eq, %select_n3A_51, %eq3A_52 : i32
      %select_n3A_54 = arith.constant 0 : i32
      %select_n3A_55 = arith.select %eq3A_53, %select_n3A_54, %select_n3A_51 : i32
      %add3A_56 = arith.constant 1 : i32
      %add3A_57 = arith.addi %select_n3A_43, %add3A_56 : i32
      %select_n3A_58 = arith.select %eq3A_53, %add3A_57, %select_n3A_43 : i32
      %eq3A_59 = arith.constant 200 : i32
      %eq3A_60 = arith.cmpi eq, %select_n3A_58, %eq3A_59 : i32
      %select_n3A_61 = arith.constant 0 : i32
      %select_n3A_62 = arith.select %eq3A_60, %select_n3A_61, %select_n3A_58 : i32
      %add3A_63 = arith.constant 0 : i32
      %add3A_64 = arith.addi %select_n3A_62, %add3A_63 : i32
      %add3A_65 = arith.constant 0 : i32
      %add3A_66 = arith.addi %add3A_65, %mul3A_6 : i32
      "tpu.trace_start"() <{level = 10 : i32, message = "ep_initialize_0"}> : () -> ()
      %rem3A = arith.constant 0 : i32
      %rem3A_67 = arith.constant 2 : i32
      %rem3A_68 = arith.remui %rem3A, %rem3A_67 : i32
      %mul3A_69 = arith.constant 512 : i32
      %mul3A_70 = arith.muli %mul3A_69, %add3A_11 : i32
      %dma_start3A = arith.constant 0 : i32
      %dma_start3A_71 = arith.constant 0 : i32
      %dma_start3A_72 = tpu.memref_slice %run_scoped3A[%rem3A_68, %dma_start3A, %dma_start3A_71] : memref<2x1x512xi32, #tpu.memory_space<vmem>> -> memref<1x1x512xi32, #tpu.memory_space<vmem>>
      %dma_start3A_73 = tpu.memref_squeeze %dma_start3A_72 : memref<1x1x512xi32, #tpu.memory_space<vmem>> -> memref<1x512xi32, #tpu.memory_space<vmem>>
      %dma_start3A_74 = arith.constant 0 : i32
      %dma_start3A_75 = tpu.memref_slice %arg3[%dma_start3A_74, %mul3A_70] : memref<200x16384xi32, #tpu.memory_space<hbm>> -> memref<1x512xi32, #tpu.memory_space<hbm>>
      %dma_start3A_76 = tpu.memref_slice %run_scoped3A_7[%rem3A_68] : memref<2x!tpu.dma_semaphore, #tpu.memory_space<semaphore_mem>> -> memref<1x!tpu.dma_semaphore, #tpu.memory_space<semaphore_mem>>
      %dma_start3A_77 = tpu.memref_squeeze %dma_start3A_76 : memref<1x!tpu.dma_semaphore, #tpu.memory_space<semaphore_mem>> -> memref<!tpu.dma_semaphore, #tpu.memory_space<semaphore_mem>>
      %dma_start3A_78 = arith.constant 0 : i32
      %dma_start3A_79 = arith.constant 0 : i32
      %dma_start3A_80 = tpu.memref_slice %run_scoped3A[%rem3A_68, %dma_start3A_78, %dma_start3A_79] : memref<2x1x512xi32, #tpu.memory_space<vmem>> -> memref<1x1x512xi32, #tpu.memory_space<vmem>>
      %dma_start3A_81 = tpu.memref_squeeze %dma_start3A_80 : memref<1x1x512xi32, #tpu.memory_space<vmem>> -> memref<1x512xi32, #tpu.memory_space<vmem>>
      %dma_start3A_82 = arith.constant 0 : i32
      %dma_start3A_83 = tpu.memref_slice %arg3[%dma_start3A_82, %mul3A_70] : memref<200x16384xi32, #tpu.memory_space<hbm>> -> memref<1x512xi32, #tpu.memory_space<hbm>>
      tpu.enqueue_dma source(%dma_start3A_83 : memref<1x512xi32, #tpu.memory_space<hbm>>) target(%dma_start3A_81 : memref<1x512xi32, #tpu.memory_space<vmem>>) target_semaphore(%dma_start3A_77 : memref<!tpu.dma_semaphore, #tpu.memory_space<semaphore_mem>>)
      %add3A_84 = arith.constant 0 : i32
      %add3A_85 = arith.constant 1 : i32
      %add3A_86 = arith.addi %add3A_84, %add3A_85 : i32
      %select_n3A_87 = arith.constant true
      %select_n3A_88 = arith.constant 0 : i32
      %select_n3A_89 = arith.select %select_n3A_87, %add3A_86, %select_n3A_88 : i32
      "tpu.trace_stop"() : () -> ()
      %scan3A = arith.constant 0 : i32
      %scan3A_90 = arith.constant 0 : i32
      %scan3A_91 = arith.constant 0 : i32
      %scan3A_92 = arith.constant 0 : i32
      %scan3A_93 = arith.constant 0 : i32
      %scan3A_94 = arith.constant 0 : i32
      %scan3A_95 = arith.constant 200 : i32
      %scan3A_96 = arith.addi %scan3A_94, %scan3A_95 : i32
      %scan3A_97 = arith.constant 1 : i32
      %scan3A_98:6 = scf.for %scan3A_196 = %scan3A_94 to %scan3A_96 step %scan3A_97 iter_args(%scan3A_197 = %select_n3A_89, %scan3A_198 = %scan3A, %scan3A_199 = %scan3A_90, %scan3A_200 = %scan3A_91, %scan3A_201 = %scan3A_92, %scan3A_202 = %scan3A_93) -> (i32, i32, i32, i32, i32, i32)  : i32 {
        %eq3A_203 = arith.constant 0 : i32
        %eq3A_204 = arith.cmpi eq, %scan3A_196, %eq3A_203 : i32
        %eq3A_205 = arith.constant 199 : i32
        %eq3A_206 = arith.cmpi eq, %scan3A_196, %eq3A_205 : i32
        %add3A_207 = arith.constant 0 : i32
        %add3A_208 = arith.addi %scan3A_201, %add3A_207 : i32
        %add3A_209 = arith.constant 0 : i32
        %add3A_210 = arith.addi %add3A_209, %mul3A_6 : i32
        %select_n3A_211 = arith.constant true
        %select_n3A_212 = arith.constant 0 : i32
        %select_n3A_213 = arith.constant -1 : i32
        %select_n3A_214 = arith.select %select_n3A_211, %select_n3A_213, %select_n3A_212 : i32
        %eq3A_215 = arith.constant -1 : i32
        %eq3A_216 = arith.cmpi eq, %select_n3A_214, %eq3A_215 : i32
        %select_n3A_217 = arith.constant 0 : i32
        %select_n3A_218 = arith.select %eq3A_216, %select_n3A_217, %select_n3A_214 : i32
        %sub3A_219 = arith.constant 1 : i32
        %sub3A_220 = arith.subi %scan3A_201, %sub3A_219 : i32
        %select_n3A_221 = arith.select %eq3A_216, %sub3A_220, %scan3A_201 : i32
        %eq3A_222 = arith.constant -1 : i32
        %eq3A_223 = arith.cmpi eq, %select_n3A_221, %eq3A_222 : i32
        %select_n3A_224 = arith.constant 199 : i32
        %select_n3A_225 = arith.select %eq3A_223, %select_n3A_224, %select_n3A_221 : i32
        %add3A_226 = arith.constant 0 : i32
        %add3A_227 = arith.addi %select_n3A_225, %add3A_226 : i32
        %add3A_228 = arith.constant 0 : i32
        %add3A_229 = arith.addi %add3A_228, %mul3A_6 : i32
        %select_n3A_230 = arith.constant true
        %select_n3A_231 = arith.constant 0 : i32
        %select_n3A_232 = arith.constant 1 : i32
        %select_n3A_233 = arith.select %select_n3A_230, %select_n3A_232, %select_n3A_231 : i32
        %eq3A_234 = arith.constant 1 : i32
        %eq3A_235 = arith.cmpi eq, %select_n3A_233, %eq3A_234 : i32
        %select_n3A_236 = arith.constant 0 : i32
        %select_n3A_237 = arith.select %eq3A_235, %select_n3A_236, %select_n3A_233 : i32
        %add3A_238 = arith.constant 1 : i32
        %add3A_239 = arith.addi %scan3A_201, %add3A_238 : i32
        %select_n3A_240 = arith.select %eq3A_235, %add3A_239, %scan3A_201 : i32
        %eq3A_241 = arith.constant 200 : i32
        %eq3A_242 = arith.cmpi eq, %select_n3A_240, %eq3A_241 : i32
        %select_n3A_243 = arith.constant 0 : i32
        %select_n3A_244 = arith.select %eq3A_242, %select_n3A_243, %select_n3A_240 : i32
        %add3A_245 = arith.constant 0 : i32
        %add3A_246 = arith.addi %select_n3A_244, %add3A_245 : i32
        %add3A_247 = arith.constant 0 : i32
        %add3A_248 = arith.addi %add3A_247, %mul3A_6 : i32
        %select_n3A_249 = arith.constant true
        %select_n3A_250 = arith.constant 0 : i32
        %select_n3A_251 = arith.constant 1 : i32
        %select_n3A_252 = arith.select %select_n3A_249, %select_n3A_251, %select_n3A_250 : i32
        %eq3A_253 = arith.constant 1 : i32
        %eq3A_254 = arith.cmpi eq, %select_n3A_252, %eq3A_253 : i32
        %select_n3A_255 = arith.constant 0 : i32
        %select_n3A_256 = arith.select %eq3A_254, %select_n3A_255, %select_n3A_252 : i32
        %add3A_257 = arith.constant 1 : i32
        %add3A_258 = arith.addi %select_n3A_244, %add3A_257 : i32
        %select_n3A_259 = arith.select %eq3A_254, %add3A_258, %select_n3A_244 : i32
        %eq3A_260 = arith.constant 200 : i32
        %eq3A_261 = arith.cmpi eq, %select_n3A_259, %eq3A_260 : i32
        %select_n3A_262 = arith.constant 0 : i32
        %select_n3A_263 = arith.select %eq3A_261, %select_n3A_262, %select_n3A_259 : i32
        %add3A_264 = arith.constant 0 : i32
        %add3A_265 = arith.addi %select_n3A_263, %add3A_264 : i32
        %add3A_266 = arith.constant 0 : i32
        %add3A_267 = arith.addi %add3A_266, %mul3A_6 : i32
        %ne3A = arith.cmpi ne, %add3A_208, %add3A_246 : i32
        %ne3A_268 = arith.cmpi ne, %add3A_210, %add3A_248 : i32
        %or3A = arith.constant false
        %or3A_269 = arith.ori %or3A, %ne3A : i1
        %or3A_270 = arith.ori %or3A_269, %ne3A_268 : i1
        %ge3A = arith.constant 199 : i32
        %ge3A_271 = arith.cmpi sge, %scan3A_196, %ge3A : i32
        %not3A = arith.constant true
        %not3A_272 = arith.xori %ge3A_271, %not3A : i1
        %and3A = arith.andi %or3A_270, %not3A_272 : i1
        %convert_element_type3A = arith.extui %and3A : i1 to i32
        %cond3A = arith.constant 0 : i32
        %cond3A_273 = arith.cmpi ne, %convert_element_type3A, %cond3A : i32
        scf.if %cond3A_273 {
          "tpu.trace_start"() <{level = 10 : i32, message = "ep_copy_in"}> : () -> ()
          %rem3A_400 = arith.constant 2 : i32
          %rem3A_401 = arith.remui %scan3A_197, %rem3A_400 : i32
          %mul3A_402 = arith.constant 1 : i32
          %mul3A_403 = arith.muli %mul3A_402, %add3A_246 : i32
          %mul3A_404 = arith.constant 512 : i32
          %mul3A_405 = arith.muli %mul3A_404, %add3A_248 : i32
          %dma_start3A_406 = arith.constant 0 : i32
          %dma_start3A_407 = arith.constant 0 : i32
          %dma_start3A_408 = tpu.memref_slice %run_scoped3A[%rem3A_401, %dma_start3A_406, %dma_start3A_407] : memref<2x1x512xi32, #tpu.memory_space<vmem>> -> memref<1x1x512xi32, #tpu.memory_space<vmem>>
          %dma_start3A_409 = tpu.memref_squeeze %dma_start3A_408 : memref<1x1x512xi32, #tpu.memory_space<vmem>> -> memref<1x512xi32, #tpu.memory_space<vmem>>
          %dma_start3A_410 = tpu.memref_slice %arg3[%mul3A_403, %mul3A_405] : memref<200x16384xi32, #tpu.memory_space<hbm>> -> memref<1x512xi32, #tpu.memory_space<hbm>>
          %dma_start3A_411 = tpu.memref_slice %run_scoped3A_7[%rem3A_401] : memref<2x!tpu.dma_semaphore, #tpu.memory_space<semaphore_mem>> -> memref<1x!tpu.dma_semaphore, #tpu.memory_space<semaphore_mem>>
          %dma_start3A_412 = tpu.memref_squeeze %dma_start3A_411 : memref<1x!tpu.dma_semaphore, #tpu.memory_space<semaphore_mem>> -> memref<!tpu.dma_semaphore, #tpu.memory_space<semaphore_mem>>
          %dma_start3A_413 = arith.constant 0 : i32
          %dma_start3A_414 = arith.constant 0 : i32
          %dma_start3A_415 = tpu.memref_slice %run_scoped3A[%rem3A_401, %dma_start3A_413, %dma_start3A_414] : memref<2x1x512xi32, #tpu.memory_space<vmem>> -> memref<1x1x512xi32, #tpu.memory_space<vmem>>
          %dma_start3A_416 = tpu.memref_squeeze %dma_start3A_415 : memref<1x1x512xi32, #tpu.memory_space<vmem>> -> memref<1x512xi32, #tpu.memory_space<vmem>>
          %dma_start3A_417 = tpu.memref_slice %arg3[%mul3A_403, %mul3A_405] : memref<200x16384xi32, #tpu.memory_space<hbm>> -> memref<1x512xi32, #tpu.memory_space<hbm>>
          tpu.enqueue_dma source(%dma_start3A_417 : memref<1x512xi32, #tpu.memory_space<hbm>>) target(%dma_start3A_416 : memref<1x512xi32, #tpu.memory_space<vmem>>) target_semaphore(%dma_start3A_412 : memref<!tpu.dma_semaphore, #tpu.memory_space<semaphore_mem>>)
          "tpu.trace_stop"() : () -> ()
        } else {
        }
        %and3A_274 = arith.constant true
        %and3A_275 = arith.andi %and3A, %and3A_274 : i1
        %add3A_276 = arith.constant 1 : i32
        %add3A_277 = arith.addi %scan3A_197, %add3A_276 : i32
        %select_n3A_278 = arith.select %and3A_275, %add3A_277, %scan3A_197 : i32
        %ne3A_279 = arith.cmpi ne, %add3A_208, %add3A_246 : i32
        %ne3A_280 = arith.cmpi ne, %add3A_210, %add3A_248 : i32
        %or3A_281 = arith.constant false
        %or3A_282 = arith.ori %or3A_281, %ne3A_279 : i1
        %or3A_283 = arith.constant false
        %or3A_284 = arith.ori %or3A_282, %or3A_283 : i1
        %or3A_285 = arith.ori %or3A_284, %ne3A_280 : i1
        %ge3A_286 = arith.constant 199 : i32
        %ge3A_287 = arith.cmpi sge, %scan3A_196, %ge3A_286 : i32
        %not3A_288 = arith.constant true
        %not3A_289 = arith.xori %ge3A_287, %not3A_288 : i1
        %and3A_290 = arith.andi %or3A_285, %not3A_289 : i1
        %ne3A_291 = arith.cmpi ne, %add3A_208, %add3A_227 : i32
        %ne3A_292 = arith.cmpi ne, %add3A_210, %add3A_229 : i32
        %or3A_293 = arith.constant false
        %or3A_294 = arith.ori %or3A_293, %ne3A_291 : i1
        %or3A_295 = arith.ori %or3A_294, %ne3A_292 : i1
        %or3A_296 = arith.ori %or3A_295, %eq3A_204 : i1
        %convert_element_type3A_297 = arith.extui %or3A_296 : i1 to i32
        %cond3A_298 = arith.constant 0 : i32
        %cond3A_299 = arith.cmpi ne, %convert_element_type3A_297, %cond3A_298 : i32
        scf.if %cond3A_299 {
          "tpu.trace_start"() <{level = 10 : i32, message = "ep_wait_in"}> : () -> ()
          %mul3A_400 = arith.constant 1 : i32
          %mul3A_401 = arith.muli %mul3A_400, %add3A_208 : i32
          %mul3A_402 = arith.constant 512 : i32
          %mul3A_403 = arith.muli %mul3A_402, %add3A_210 : i32
          %rem3A_404 = arith.constant 2 : i32
          %rem3A_405 = arith.remui %scan3A_198, %rem3A_404 : i32
          %dma_wait3A_406 = arith.constant 0 : i32
          %dma_wait3A_407 = arith.constant 0 : i32
          %dma_wait3A_408 = tpu.memref_slice %run_scoped3A[%rem3A_405, %dma_wait3A_406, %dma_wait3A_407] : memref<2x1x512xi32, #tpu.memory_space<vmem>> -> memref<1x1x512xi32, #tpu.memory_space<vmem>>
          %dma_wait3A_409 = tpu.memref_squeeze %dma_wait3A_408 : memref<1x1x512xi32, #tpu.memory_space<vmem>> -> memref<1x512xi32, #tpu.memory_space<vmem>>
          %dma_wait3A_410 = tpu.memref_slice %arg3[%mul3A_401, %mul3A_403] : memref<200x16384xi32, #tpu.memory_space<hbm>> -> memref<1x512xi32, #tpu.memory_space<hbm>>
          %dma_wait3A_411 = tpu.memref_slice %run_scoped3A_7[%rem3A_405] : memref<2x!tpu.dma_semaphore, #tpu.memory_space<semaphore_mem>> -> memref<1x!tpu.dma_semaphore, #tpu.memory_space<semaphore_mem>>
          %dma_wait3A_412 = tpu.memref_squeeze %dma_wait3A_411 : memref<1x!tpu.dma_semaphore, #tpu.memory_space<semaphore_mem>> -> memref<!tpu.dma_semaphore, #tpu.memory_space<semaphore_mem>>
          %dma_wait3A_413 = arith.constant 0 : i32
          %dma_wait3A_414 = arith.constant 0 : i32
          %dma_wait3A_415 = tpu.memref_slice %run_scoped3A[%rem3A_405, %dma_wait3A_413, %dma_wait3A_414] : memref<2x1x512xi32, #tpu.memory_space<vmem>> -> memref<1x1x512xi32, #tpu.memory_space<vmem>>
          %dma_wait3A_416 = tpu.memref_squeeze %dma_wait3A_415 : memref<1x1x512xi32, #tpu.memory_space<vmem>> -> memref<1x512xi32, #tpu.memory_space<vmem>>
          %dma_wait3A_417 = tpu.memref_slice %arg3[%mul3A_401, %mul3A_403] : memref<200x16384xi32, #tpu.memory_space<hbm>> -> memref<1x512xi32, #tpu.memory_space<hbm>>
          tpu.wait_dma2 semaphore(%dma_wait3A_412 : memref<!tpu.dma_semaphore, #tpu.memory_space<semaphore_mem>>) src(%dma_wait3A_417 : memref<1x512xi32, #tpu.memory_space<hbm>>) dst(%dma_wait3A_416 : memref<1x512xi32, #tpu.memory_space<vmem>>)
          "tpu.trace_stop"() : () -> ()
        } else {
        }
        %ne3A_300 = arith.cmpi ne, %add3A_208, %add3A_227 : i32
        %ne3A_301 = arith.cmpi ne, %add3A_210, %add3A_229 : i32
        %or3A_302 = arith.constant false
        %or3A_303 = arith.ori %or3A_302, %ne3A_300 : i1
        %or3A_304 = arith.constant false
        %or3A_305 = arith.ori %or3A_303, %or3A_304 : i1
        %or3A_306 = arith.ori %or3A_305, %ne3A_301 : i1
        %or3A_307 = arith.ori %or3A_306, %eq3A_204 : i1
        %convert_element_type3A_308 = arith.extui %or3A_307 : i1 to i32
        %cond3A_309 = arith.constant 0 : i32
        %cond3A_310 = arith.cmpi ne, %convert_element_type3A_308, %cond3A_309 : i32
        scf.if %cond3A_310 {
        } else {
        }
        %rem3A_311 = arith.constant 2 : i32
        %rem3A_312 = arith.remui %scan3A_198, %rem3A_311 : i32
        %rem3A_313 = arith.constant 2 : i32
        %rem3A_314 = arith.remui %scan3A_199, %rem3A_313 : i32
        %parallel_loop3A = arith.constant 0 : i32
        %parallel_loop3A_315 = arith.constant 512 : i32
        %parallel_loop3A_316 = arith.constant 16 : i32
        "tpu.trace_start"() <{level = 10 : i32, message = "ep_run_kernel"}> : () -> ()
        scf.for %parallel_loop3A_400 = %parallel_loop3A to %parallel_loop3A_315 step %parallel_loop3A_316  : i32 {
          %parallel_loop3A_401 = arith.constant 0 : i32
          %parallel_loop3A_402 = arith.constant 0 : i32
          %parallel_loop3A_403 = arith.constant 0 : i32
          %parallel_loop3A_404 = tpu.memref_slice %run_scoped3A[%rem3A_312, %parallel_loop3A_402, %parallel_loop3A_403] : memref<2x1x512xi32, #tpu.memory_space<vmem>> -> memref<1x1x512xi32, #tpu.memory_space<vmem>>
          %parallel_loop3A_405 = tpu.memref_squeeze %parallel_loop3A_404 : memref<1x1x512xi32, #tpu.memory_space<vmem>> -> memref<1x512xi32, #tpu.memory_space<vmem>>
          %parallel_loop3A_406 = arith.index_cast %parallel_loop3A_401 : i32 to index
          %parallel_loop3A_407 = arith.index_cast %parallel_loop3A_400 : i32 to index
          %parallel_loop3A_408 = tpu.vector_load %parallel_loop3A_405[%parallel_loop3A_406, %parallel_loop3A_407] {strides = array<i32>} : memref<1x512xi32, #tpu.memory_space<vmem>>, vector<16xi32>,
          %parallel_loop3A_409 = arith.constant 0 : i32
          %parallel_loop3A_410 = vector.broadcast %parallel_loop3A_409 : i32 to vector<16xi32>
          %parallel_loop3A_411 = arith.addi %parallel_loop3A_408, %parallel_loop3A_410 : vector<16xi32>
          %parallel_loop3A_412 = tpu.vector_load_idx %arg5[%parallel_loop3A_411] : memref<512xf32, #tpu.memory_space<vmem>>[vector<16xi32>], vector<16xf32>,
          %parallel_loop3A_413 = arith.constant 0 : i32
          %parallel_loop3A_414 = arith.constant 0 : i32
          %parallel_loop3A_415 = arith.constant 0 : i32
          %parallel_loop3A_416 = arith.constant 0 : i32
          %parallel_loop3A_417 = arith.constant 0 : i32
          %parallel_loop3A_418 = tpu.memref_slice %run_scoped3A_8[%rem3A_314, %parallel_loop3A_415, %parallel_loop3A_416, %parallel_loop3A_417] : memref<2x1x64x512xf32, #tpu.memory_space<vmem>> -> memref<1x1x64x512xf32, #tpu.memory_space<vmem>>
          %parallel_loop3A_419 = tpu.memref_squeeze %parallel_loop3A_418 : memref<1x1x64x512xf32, #tpu.memory_space<vmem>> -> memref<1x64x512xf32, #tpu.memory_space<vmem>>
          %parallel_loop3A_420 = arith.index_cast %parallel_loop3A_413 : i32 to index
          %parallel_loop3A_421 = arith.index_cast %parallel_loop3A_414 : i32 to index
          %parallel_loop3A_422 = arith.index_cast %parallel_loop3A_400 : i32 to index
          %parallel_loop3A_423 = tpu.vector_load %parallel_loop3A_419[%parallel_loop3A_420, %parallel_loop3A_421, %parallel_loop3A_422] {strides = array<i32>} : memref<1x64x512xf32, #tpu.memory_space<vmem>>, vector<16xf32>,
          tpu.vector_store %parallel_loop3A_419[%parallel_loop3A_420, %parallel_loop3A_421, %parallel_loop3A_422], %parallel_loop3A_412 {strides = array<i32>} : memref<1x64x512xf32, #tpu.memory_space<vmem>>, vector<16xf32>,
          %parallel_loop3A_424 = arith.constant 8 : i32
          %parallel_loop3A_425 = vector.broadcast %parallel_loop3A_424 : i32 to vector<16xi32>
          %parallel_loop3A_426 = arith.addi %parallel_loop3A_408, %parallel_loop3A_425 : vector<16xi32>
          %parallel_loop3A_427 = tpu.vector_load_idx %arg5[%parallel_loop3A_426] : memref<512xf32, #tpu.memory_space<vmem>>[vector<16xi32>], vector<16xf32>,
          %parallel_loop3A_428 = arith.constant 0 : i32
          %parallel_loop3A_429 = arith.constant 1 : i32
          %parallel_loop3A_430 = arith.constant 0 : i32
          %parallel_loop3A_431 = arith.constant 0 : i32
          %parallel_loop3A_432 = arith.constant 0 : i32
          %parallel_loop3A_433 = tpu.memref_slice %run_scoped3A_8[%rem3A_314, %parallel_loop3A_430, %parallel_loop3A_431, %parallel_loop3A_432] : memref<2x1x64x512xf32, #tpu.memory_space<vmem>> -> memref<1x1x64x512xf32, #tpu.memory_space<vmem>>
          %parallel_loop3A_434 = tpu.memref_squeeze %parallel_loop3A_433 : memref<1x1x64x512xf32, #tpu.memory_space<vmem>> -> memref<1x64x512xf32, #tpu.memory_space<vmem>>
          %parallel_loop3A_435 = arith.index_cast %parallel_loop3A_428 : i32 to index
          %parallel_loop3A_436 = arith.index_cast %parallel_loop3A_429 : i32 to index
          %parallel_loop3A_437 = arith.index_cast %parallel_loop3A_400 : i32 to index
          %parallel_loop3A_438 = tpu.vector_load %parallel_loop3A_434[%parallel_loop3A_435, %parallel_loop3A_436, %parallel_loop3A_437] {strides = array<i32>} : memref<1x64x512xf32, #tpu.memory_space<vmem>>, vector<16xf32>,
          tpu.vector_store %parallel_loop3A_434[%parallel_loop3A_435, %parallel_loop3A_436, %parallel_loop3A_437], %parallel_loop3A_427 {strides = array<i32>} : memref<1x64x512xf32, #tpu.memory_space<vmem>>, vector<16xf32>,
          %parallel_loop3A_439 = arith.constant 16 : i32
          %parallel_loop3A_440 = vector.broadcast %parallel_loop3A_439 : i32 to vector<16xi32>
          %parallel_loop3A_441 = arith.addi %parallel_loop3A_408, %parallel_loop3A_440 : vector<16xi32>
          %parallel_loop3A_442 = tpu.vector_load_idx %arg5[%parallel_loop3A_441] : memref<512xf32, #tpu.memory_space<vmem>>[vector<16xi32>], vector<16xf32>,
          %parallel_loop3A_443 = arith.constant 0 : i32
          %parallel_loop3A_444 = arith.constant 2 : i32
          %parallel_loop3A_445 = arith.constant 0 : i32
          %parallel_loop3A_446 = arith.constant 0 : i32
          %parallel_loop3A_447 = arith.constant 0 : i32
          %parallel_loop3A_448 = tpu.memref_slice %run_scoped3A_8[%rem3A_314, %parallel_loop3A_445, %parallel_loop3A_446, %parallel_loop3A_447] : memref<2x1x64x512xf32, #tpu.memory_space<vmem>> -> memref<1x1x64x512xf32, #tpu.memory_space<vmem>>
          %parallel_loop3A_449 = tpu.memref_squeeze %parallel_loop3A_448 : memref<1x1x64x512xf32, #tpu.memory_space<vmem>> -> memref<1x64x512xf32, #tpu.memory_space<vmem>>
          %parallel_loop3A_450 = arith.index_cast %parallel_loop3A_443 : i32 to index
          %parallel_loop3A_451 = arith.index_cast %parallel_loop3A_444 : i32 to index
          %parallel_loop3A_452 = arith.index_cast %parallel_loop3A_400 : i32 to index
          %parallel_loop3A_453 = tpu.vector_load %parallel_loop3A_449[%parallel_loop3A_450, %parallel_loop3A_451, %parallel_loop3A_452] {strides = array<i32>} : memref<1x64x512xf32, #tpu.memory_space<vmem>>, vector<16xf32>,
          tpu.vector_store %parallel_loop3A_449[%parallel_loop3A_450, %parallel_loop3A_451, %parallel_loop3A_452], %parallel_loop3A_442 {strides = array<i32>} : memref<1x64x512xf32, #tpu.memory_space<vmem>>, vector<16xf32>,
          %parallel_loop3A_454 = arith.constant 24 : i32
          %parallel_loop3A_455 = vector.broadcast %parallel_loop3A_454 : i32 to vector<16xi32>
          %parallel_loop3A_456 = arith.addi %parallel_loop3A_408, %parallel_loop3A_455 : vector<16xi32>
          %parallel_loop3A_457 = tpu.vector_load_idx %arg5[%parallel_loop3A_456] : memref<512xf32, #tpu.memory_space<vmem>>[vector<16xi32>], vector<16xf32>,
          %parallel_loop3A_458 = arith.constant 0 : i32
          %parallel_loop3A_459 = arith.constant 3 : i32
          %parallel_loop3A_460 = arith.constant 0 : i32
          %parallel_loop3A_461 = arith.constant 0 : i32
          %parallel_loop3A_462 = arith.constant 0 : i32
          %parallel_loop3A_463 = tpu.memref_slice %run_scoped3A_8[%rem3A_314, %parallel_loop3A_460, %parallel_loop3A_461, %parallel_loop3A_462] : memref<2x1x64x512xf32, #tpu.memory_space<vmem>> -> memref<1x1x64x512xf32, #tpu.memory_space<vmem>>
          %parallel_loop3A_464 = tpu.memref_squeeze %parallel_loop3A_463 : memref<1x1x64x512xf32, #tpu.memory_space<vmem>> -> memref<1x64x512xf32, #tpu.memory_space<vmem>>
          %parallel_loop3A_465 = arith.index_cast %parallel_loop3A_458 : i32 to index
          %parallel_loop3A_466 = arith.index_cast %parallel_loop3A_459 : i32 to index
          %parallel_loop3A_467 = arith.index_cast %parallel_loop3A_400 : i32 to index
          %parallel_loop3A_468 = tpu.vector_load %parallel_loop3A_464[%parallel_loop3A_465, %parallel_loop3A_466, %parallel_loop3A_467] {strides = array<i32>} : memref<1x64x512xf32, #tpu.memory_space<vmem>>, vector<16xf32>,
          tpu.vector_store %parallel_loop3A_464[%parallel_loop3A_465, %parallel_loop3A_466, %parallel_loop3A_467], %parallel_loop3A_457 {strides = array<i32>} : memref<1x64x512xf32, #tpu.memory_space<vmem>>, vector<16xf32>,
          %parallel_loop3A_469 = arith.constant 32 : i32
          %parallel_loop3A_470 = vector.broadcast %parallel_loop3A_469 : i32 to vector<16xi32>
          %parallel_loop3A_471 = arith.addi %parallel_loop3A_408, %parallel_loop3A_470 : vector<16xi32>
          %parallel_loop3A_472 = tpu.vector_load_idx %arg5[%parallel_loop3A_471] : memref<512xf32, #tpu.memory_space<vmem>>[vector<16xi32>], vector<16xf32>,
          %parallel_loop3A_473 = arith.constant 0 : i32
          %parallel_loop3A_474 = arith.constant 4 : i32
          %parallel_loop3A_475 = arith.constant 0 : i32
          %parallel_loop3A_476 = arith.constant 0 : i32
          %parallel_loop3A_477 = arith.constant 0 : i32
          %parallel_loop3A_478 = tpu.memref_slice %run_scoped3A_8[%rem3A_314, %parallel_loop3A_475, %parallel_loop3A_476, %parallel_loop3A_477] : memref<2x1x64x512xf32, #tpu.memory_space<vmem>> -> memref<1x1x64x512xf32, #tpu.memory_space<vmem>>
          %parallel_loop3A_479 = tpu.memref_squeeze %parallel_loop3A_478 : memref<1x1x64x512xf32, #tpu.memory_space<vmem>> -> memref<1x64x512xf32, #tpu.memory_space<vmem>>
          %parallel_loop3A_480 = arith.index_cast %parallel_loop3A_473 : i32 to index
          %parallel_loop3A_481 = arith.index_cast %parallel_loop3A_474 : i32 to index
          %parallel_loop3A_482 = arith.index_cast %parallel_loop3A_400 : i32 to index
          %parallel_loop3A_483 = tpu.vector_load %parallel_loop3A_479[%parallel_loop3A_480, %parallel_loop3A_481, %parallel_loop3A_482] {strides = array<i32>} : memref<1x64x512xf32, #tpu.memory_space<vmem>>, vector<16xf32>,
          tpu.vector_store %parallel_loop3A_479[%parallel_loop3A_480, %parallel_loop3A_481, %parallel_loop3A_482], %parallel_loop3A_472 {strides = array<i32>} : memref<1x64x512xf32, #tpu.memory_space<vmem>>, vector<16xf32>,
          %parallel_loop3A_484 = arith.constant 40 : i32
          %parallel_loop3A_485 = vector.broadcast %parallel_loop3A_484 : i32 to vector<16xi32>
          %parallel_loop3A_486 = arith.addi %parallel_loop3A_408, %parallel_loop3A_485 : vector<16xi32>
          %parallel_loop3A_487 = tpu.vector_load_idx %arg5[%parallel_loop3A_486] : memref<512xf32, #tpu.memory_space<vmem>>[vector<16xi32>], vector<16xf32>,
          %parallel_loop3A_488 = arith.constant 0 : i32
          %parallel_loop3A_489 = arith.constant 5 : i32
          %parallel_loop3A_490 = arith.constant 0 : i32
          %parallel_loop3A_491 = arith.constant 0 : i32
          %parallel_loop3A_492 = arith.constant 0 : i32
          %parallel_loop3A_493 = tpu.memref_slice %run_scoped3A_8[%rem3A_314, %parallel_loop3A_490, %parallel_loop3A_491, %parallel_loop3A_492] : memref<2x1x64x512xf32, #tpu.memory_space<vmem>> -> memref<1x1x64x512xf32, #tpu.memory_space<vmem>>
          %parallel_loop3A_494 = tpu.memref_squeeze %parallel_loop3A_493 : memref<1x1x64x512xf32, #tpu.memory_space<vmem>> -> memref<1x64x512xf32, #tpu.memory_space<vmem>>
          %parallel_loop3A_495 = arith.index_cast %parallel_loop3A_488 : i32 to index
          %parallel_loop3A_496 = arith.index_cast %parallel_loop3A_489 : i32 to index
          %parallel_loop3A_497 = arith.index_cast %parallel_loop3A_400 : i32 to index
          %parallel_loop3A_498 = tpu.vector_load %parallel_loop3A_494[%parallel_loop3A_495, %parallel_loop3A_496, %parallel_loop3A_497] {strides = array<i32>} : memref<1x64x512xf32, #tpu.memory_space<vmem>>, vector<16xf32>,
          tpu.vector_store %parallel_loop3A_494[%parallel_loop3A_495, %parallel_loop3A_496, %parallel_loop3A_497], %parallel_loop3A_487 {strides = array<i32>} : memref<1x64x512xf32, #tpu.memory_space<vmem>>, vector<16xf32>,
          %parallel_loop3A_499 = arith.constant 48 : i32
          %parallel_loop3A_500 = vector.broadcast %parallel_loop3A_499 : i32 to vector<16xi32>
          %parallel_loop3A_501 = arith.addi %parallel_loop3A_408, %parallel_loop3A_500 : vector<16xi32>
          %parallel_loop3A_502 = tpu.vector_load_idx %arg5[%parallel_loop3A_501] : memref<512xf32, #tpu.memory_space<vmem>>[vector<16xi32>], vector<16xf32>,
          %parallel_loop3A_503 = arith.constant 0 : i32
          %parallel_loop3A_504 = arith.constant 6 : i32
          %parallel_loop3A_505 = arith.constant 0 : i32
          %parallel_loop3A_506 = arith.constant 0 : i32
          %parallel_loop3A_507 = arith.constant 0 : i32
          %parallel_loop3A_508 = tpu.memref_slice %run_scoped3A_8[%rem3A_314, %parallel_loop3A_505, %parallel_loop3A_506, %parallel_loop3A_507] : memref<2x1x64x512xf32, #tpu.memory_space<vmem>> -> memref<1x1x64x512xf32, #tpu.memory_space<vmem>>
          %parallel_loop3A_509 = tpu.memref_squeeze %parallel_loop3A_508 : memref<1x1x64x512xf32, #tpu.memory_space<vmem>> -> memref<1x64x512xf32, #tpu.memory_space<vmem>>
          %parallel_loop3A_510 = arith.index_cast %parallel_loop3A_503 : i32 to index
          %parallel_loop3A_511 = arith.index_cast %parallel_loop3A_504 : i32 to index
          %parallel_loop3A_512 = arith.index_cast %parallel_loop3A_400 : i32 to index
          %parallel_loop3A_513 = tpu.vector_load %parallel_loop3A_509[%parallel_loop3A_510, %parallel_loop3A_511, %parallel_loop3A_512] {strides = array<i32>} : memref<1x64x512xf32, #tpu.memory_space<vmem>>, vector<16xf32>,
          tpu.vector_store %parallel_loop3A_509[%parallel_loop3A_510, %parallel_loop3A_511, %parallel_loop3A_512], %parallel_loop3A_502 {strides = array<i32>} : memref<1x64x512xf32, #tpu.memory_space<vmem>>, vector<16xf32>,
          %parallel_loop3A_514 = arith.constant 56 : i32
          %parallel_loop3A_515 = vector.broadcast %parallel_loop3A_514 : i32 to vector<16xi32>
          %parallel_loop3A_516 = arith.addi %parallel_loop3A_408, %parallel_loop3A_515 : vector<16xi32>
          %parallel_loop3A_517 = tpu.vector_load_idx %arg5[%parallel_loop3A_516] : memref<512xf32, #tpu.memory_space<vmem>>[vector<16xi32>], vector<16xf32>,
          %parallel_loop3A_518 = arith.constant 0 : i32
          %parallel_loop3A_519 = arith.constant 7 : i32
          %parallel_loop3A_520 = arith.constant 0 : i32
          %parallel_loop3A_521 = arith.constant 0 : i32
          %parallel_loop3A_522 = arith.constant 0 : i32
          %parallel_loop3A_523 = tpu.memref_slice %run_scoped3A_8[%rem3A_314, %parallel_loop3A_520, %parallel_loop3A_521, %parallel_loop3A_522] : memref<2x1x64x512xf32, #tpu.memory_space<vmem>> -> memref<1x1x64x512xf32, #tpu.memory_space<vmem>>
          %parallel_loop3A_524 = tpu.memref_squeeze %parallel_loop3A_523 : memref<1x1x64x512xf32, #tpu.memory_space<vmem>> -> memref<1x64x512xf32, #tpu.memory_space<vmem>>
          %parallel_loop3A_525 = arith.index_cast %parallel_loop3A_518 : i32 to index
          %parallel_loop3A_526 = arith.index_cast %parallel_loop3A_519 : i32 to index
          %parallel_loop3A_527 = arith.index_cast %parallel_loop3A_400 : i32 to index
          %parallel_loop3A_528 = tpu.vector_load %parallel_loop3A_524[%parallel_loop3A_525, %parallel_loop3A_526, %parallel_loop3A_527] {strides = array<i32>} : memref<1x64x512xf32, #tpu.memory_space<vmem>>, vector<16xf32>,
          tpu.vector_store %parallel_loop3A_524[%parallel_loop3A_525, %parallel_loop3A_526, %parallel_loop3A_527], %parallel_loop3A_517 {strides = array<i32>} : memref<1x64x512xf32, #tpu.memory_space<vmem>>, vector<16xf32>,
          %parallel_loop3A_529 = arith.constant 64 : i32
          %parallel_loop3A_530 = vector.broadcast %parallel_loop3A_529 : i32 to vector<16xi32>
          %parallel_loop3A_531 = arith.addi %parallel_loop3A_408, %parallel_loop3A_530 : vector<16xi32>
          %parallel_loop3A_532 = tpu.vector_load_idx %arg5[%parallel_loop3A_531] : memref<512xf32, #tpu.memory_space<vmem>>[vector<16xi32>], vector<16xf32>,
          %parallel_loop3A_533 = arith.constant 0 : i32
          %parallel_loop3A_534 = arith.constant 8 : i32
          %parallel_loop3A_535 = arith.constant 0 : i32
          %parallel_loop3A_536 = arith.constant 0 : i32
          %parallel_loop3A_537 = arith.constant 0 : i32
          %parallel_loop3A_538 = tpu.memref_slice %run_scoped3A_8[%rem3A_314, %parallel_loop3A_535, %parallel_loop3A_536, %parallel_loop3A_537] : memref<2x1x64x512xf32, #tpu.memory_space<vmem>> -> memref<1x1x64x512xf32, #tpu.memory_space<vmem>>
          %parallel_loop3A_539 = tpu.memref_squeeze %parallel_loop3A_538 : memref<1x1x64x512xf32, #tpu.memory_space<vmem>> -> memref<1x64x512xf32, #tpu.memory_space<vmem>>
          %parallel_loop3A_540 = arith.index_cast %parallel_loop3A_533 : i32 to index
          %parallel_loop3A_541 = arith.index_cast %parallel_loop3A_534 : i32 to index
          %parallel_loop3A_542 = arith.index_cast %parallel_loop3A_400 : i32 to index
          %parallel_loop3A_543 = tpu.vector_load %parallel_loop3A_539[%parallel_loop3A_540, %parallel_loop3A_541, %parallel_loop3A_542] {strides = array<i32>} : memref<1x64x512xf32, #tpu.memory_space<vmem>>, vector<16xf32>,
          tpu.vector_store %parallel_loop3A_539[%parallel_loop3A_540, %parallel_loop3A_541, %parallel_loop3A_542], %parallel_loop3A_532 {strides = array<i32>} : memref<1x64x512xf32, #tpu.memory_space<vmem>>, vector<16xf32>,
          %parallel_loop3A_544 = arith.constant 72 : i32
          %parallel_loop3A_545 = vector.broadcast %parallel_loop3A_544 : i32 to vector<16xi32>
          %parallel_loop3A_546 = arith.addi %parallel_loop3A_408, %parallel_loop3A_545 : vector<16xi32>
          %parallel_loop3A_547 = tpu.vector_load_idx %arg5[%parallel_loop3A_546] : memref<512xf32, #tpu.memory_space<vmem>>[vector<16xi32>], vector<16xf32>,
          %parallel_loop3A_548 = arith.constant 0 : i32
          %parallel_loop3A_549 = arith.constant 9 : i32
          %parallel_loop3A_550 = arith.constant 0 : i32
          %parallel_loop3A_551 = arith.constant 0 : i32
          %parallel_loop3A_552 = arith.constant 0 : i32
          %parallel_loop3A_553 = tpu.memref_slice %run_scoped3A_8[%rem3A_314, %parallel_loop3A_550, %parallel_loop3A_551, %parallel_loop3A_552] : memref<2x1x64x512xf32, #tpu.memory_space<vmem>> -> memref<1x1x64x512xf32, #tpu.memory_space<vmem>>
          %parallel_loop3A_554 = tpu.memref_squeeze %parallel_loop3A_553 : memref<1x1x64x512xf32, #tpu.memory_space<vmem>> -> memref<1x64x512xf32, #tpu.memory_space<vmem>>
          %parallel_loop3A_555 = arith.index_cast %parallel_loop3A_548 : i32 to index
          %parallel_loop3A_556 = arith.index_cast %parallel_loop3A_549 : i32 to index
          %parallel_loop3A_557 = arith.index_cast %parallel_loop3A_400 : i32 to index
          %parallel_loop3A_558 = tpu.vector_load %parallel_loop3A_554[%parallel_loop3A_555, %parallel_loop3A_556, %parallel_loop3A_557] {strides = array<i32>} : memref<1x64x512xf32, #tpu.memory_space<vmem>>, vector<16xf32>,
          tpu.vector_store %parallel_loop3A_554[%parallel_loop3A_555, %parallel_loop3A_556, %parallel_loop3A_557], %parallel_loop3A_547 {strides = array<i32>} : memref<1x64x512xf32, #tpu.memory_space<vmem>>, vector<16xf32>,
          %parallel_loop3A_559 = arith.constant 80 : i32
          %parallel_loop3A_560 = vector.broadcast %parallel_loop3A_559 : i32 to vector<16xi32>
          %parallel_loop3A_561 = arith.addi %parallel_loop3A_408, %parallel_loop3A_560 : vector<16xi32>
          %parallel_loop3A_562 = tpu.vector_load_idx %arg5[%parallel_loop3A_561] : memref<512xf32, #tpu.memory_space<vmem>>[vector<16xi32>], vector<16xf32>,
          %parallel_loop3A_563 = arith.constant 0 : i32
          %parallel_loop3A_564 = arith.constant 10 : i32
          %parallel_loop3A_565 = arith.constant 0 : i32
          %parallel_loop3A_566 = arith.constant 0 : i32
          %parallel_loop3A_567 = arith.constant 0 : i32
          %parallel_loop3A_568 = tpu.memref_slice %run_scoped3A_8[%rem3A_314, %parallel_loop3A_565, %parallel_loop3A_566, %parallel_loop3A_567] : memref<2x1x64x512xf32, #tpu.memory_space<vmem>> -> memref<1x1x64x512xf32, #tpu.memory_space<vmem>>
          %parallel_loop3A_569 = tpu.memref_squeeze %parallel_loop3A_568 : memref<1x1x64x512xf32, #tpu.memory_space<vmem>> -> memref<1x64x512xf32, #tpu.memory_space<vmem>>
          %parallel_loop3A_570 = arith.index_cast %parallel_loop3A_563 : i32 to index
          %parallel_loop3A_571 = arith.index_cast %parallel_loop3A_564 : i32 to index
          %parallel_loop3A_572 = arith.index_cast %parallel_loop3A_400 : i32 to index
          %parallel_loop3A_573 = tpu.vector_load %parallel_loop3A_569[%parallel_loop3A_570, %parallel_loop3A_571, %parallel_loop3A_572] {strides = array<i32>} : memref<1x64x512xf32, #tpu.memory_space<vmem>>, vector<16xf32>,
          tpu.vector_store %parallel_loop3A_569[%parallel_loop3A_570, %parallel_loop3A_571, %parallel_loop3A_572], %parallel_loop3A_562 {strides = array<i32>} : memref<1x64x512xf32, #tpu.memory_space<vmem>>, vector<16xf32>,
          %parallel_loop3A_574 = arith.constant 88 : i32
          %parallel_loop3A_575 = vector.broadcast %parallel_loop3A_574 : i32 to vector<16xi32>
          %parallel_loop3A_576 = arith.addi %parallel_loop3A_408, %parallel_loop3A_575 : vector<16xi32>
          %parallel_loop3A_577 = tpu.vector_load_idx %arg5[%parallel_loop3A_576] : memref<512xf32, #tpu.memory_space<vmem>>[vector<16xi32>], vector<16xf32>,
          %parallel_loop3A_578 = arith.constant 0 : i32
          %parallel_loop3A_579 = arith.constant 11 : i32
          %parallel_loop3A_580 = arith.constant 0 : i32
          %parallel_loop3A_581 = arith.constant 0 : i32
          %parallel_loop3A_582 = arith.constant 0 : i32
          %parallel_loop3A_583 = tpu.memref_slice %run_scoped3A_8[%rem3A_314, %parallel_loop3A_580, %parallel_loop3A_581, %parallel_loop3A_582] : memref<2x1x64x512xf32, #tpu.memory_space<vmem>> -> memref<1x1x64x512xf32, #tpu.memory_space<vmem>>
          %parallel_loop3A_584 = tpu.memref_squeeze %parallel_loop3A_583 : memref<1x1x64x512xf32, #tpu.memory_space<vmem>> -> memref<1x64x512xf32, #tpu.memory_space<vmem>>
          %parallel_loop3A_585 = arith.index_cast %parallel_loop3A_578 : i32 to index
          %parallel_loop3A_586 = arith.index_cast %parallel_loop3A_579 : i32 to index
          %parallel_loop3A_587 = arith.index_cast %parallel_loop3A_400 : i32 to index
          %parallel_loop3A_588 = tpu.vector_load %parallel_loop3A_584[%parallel_loop3A_585, %parallel_loop3A_586, %parallel_loop3A_587] {strides = array<i32>} : memref<1x64x512xf32, #tpu.memory_space<vmem>>, vector<16xf32>,
          tpu.vector_store %parallel_loop3A_584[%parallel_loop3A_585, %parallel_loop3A_586, %parallel_loop3A_587], %parallel_loop3A_577 {strides = array<i32>} : memref<1x64x512xf32, #tpu.memory_space<vmem>>, vector<16xf32>,
          %parallel_loop3A_589 = arith.constant 96 : i32
          %parallel_loop3A_590 = vector.broadcast %parallel_loop3A_589 : i32 to vector<16xi32>
          %parallel_loop3A_591 = arith.addi %parallel_loop3A_408, %parallel_loop3A_590 : vector<16xi32>
          %parallel_loop3A_592 = tpu.vector_load_idx %arg5[%parallel_loop3A_591] : memref<512xf32, #tpu.memory_space<vmem>>[vector<16xi32>], vector<16xf32>,
          %parallel_loop3A_593 = arith.constant 0 : i32
          %parallel_loop3A_594 = arith.constant 12 : i32
          %parallel_loop3A_595 = arith.constant 0 : i32
          %parallel_loop3A_596 = arith.constant 0 : i32
          %parallel_loop3A_597 = arith.constant 0 : i32
          %parallel_loop3A_598 = tpu.memref_slice %run_scoped3A_8[%rem3A_314, %parallel_loop3A_595, %parallel_loop3A_596, %parallel_loop3A_597] : memref<2x1x64x512xf32, #tpu.memory_space<vmem>> -> memref<1x1x64x512xf32, #tpu.memory_space<vmem>>
          %parallel_loop3A_599 = tpu.memref_squeeze %parallel_loop3A_598 : memref<1x1x64x512xf32, #tpu.memory_space<vmem>> -> memref<1x64x512xf32, #tpu.memory_space<vmem>>
          %parallel_loop3A_600 = arith.index_cast %parallel_loop3A_593 : i32 to index
          %parallel_loop3A_601 = arith.index_cast %parallel_loop3A_594 : i32 to index
          %parallel_loop3A_602 = arith.index_cast %parallel_loop3A_400 : i32 to index
          %parallel_loop3A_603 = tpu.vector_load %parallel_loop3A_599[%parallel_loop3A_600, %parallel_loop3A_601, %parallel_loop3A_602] {strides = array<i32>} : memref<1x64x512xf32, #tpu.memory_space<vmem>>, vector<16xf32>,
          tpu.vector_store %parallel_loop3A_599[%parallel_loop3A_600, %parallel_loop3A_601, %parallel_loop3A_602], %parallel_loop3A_592 {strides = array<i32>} : memref<1x64x512xf32, #tpu.memory_space<vmem>>, vector<16xf32>,
          %parallel_loop3A_604 = arith.constant 104 : i32
          %parallel_loop3A_605 = vector.broadcast %parallel_loop3A_604 : i32 to vector<16xi32>
          %parallel_loop3A_606 = arith.addi %parallel_loop3A_408, %parallel_loop3A_605 : vector<16xi32>
          %parallel_loop3A_607 = tpu.vector_load_idx %arg5[%parallel_loop3A_606] : memref<512xf32, #tpu.memory_space<vmem>>[vector<16xi32>], vector<16xf32>,
          %parallel_loop3A_608 = arith.constant 0 : i32
          %parallel_loop3A_609 = arith.constant 13 : i32
          %parallel_loop3A_610 = arith.constant 0 : i32
          %parallel_loop3A_611 = arith.constant 0 : i32
          %parallel_loop3A_612 = arith.constant 0 : i32
          %parallel_loop3A_613 = tpu.memref_slice %run_scoped3A_8[%rem3A_314, %parallel_loop3A_610, %parallel_loop3A_611, %parallel_loop3A_612] : memref<2x1x64x512xf32, #tpu.memory_space<vmem>> -> memref<1x1x64x512xf32, #tpu.memory_space<vmem>>
          %parallel_loop3A_614 = tpu.memref_squeeze %parallel_loop3A_613 : memref<1x1x64x512xf32, #tpu.memory_space<vmem>> -> memref<1x64x512xf32, #tpu.memory_space<vmem>>
          %parallel_loop3A_615 = arith.index_cast %parallel_loop3A_608 : i32 to index
          %parallel_loop3A_616 = arith.index_cast %parallel_loop3A_609 : i32 to index
          %parallel_loop3A_617 = arith.index_cast %parallel_loop3A_400 : i32 to index
          %parallel_loop3A_618 = tpu.vector_load %parallel_loop3A_614[%parallel_loop3A_615, %parallel_loop3A_616, %parallel_loop3A_617] {strides = array<i32>} : memref<1x64x512xf32, #tpu.memory_space<vmem>>, vector<16xf32>,
          tpu.vector_store %parallel_loop3A_614[%parallel_loop3A_615, %parallel_loop3A_616, %parallel_loop3A_617], %parallel_loop3A_607 {strides = array<i32>} : memref<1x64x512xf32, #tpu.memory_space<vmem>>, vector<16xf32>,
          %parallel_loop3A_619 = arith.constant 112 : i32
          %parallel_loop3A_620 = vector.broadcast %parallel_loop3A_619 : i32 to vector<16xi32>
          %parallel_loop3A_621 = arith.addi %parallel_loop3A_408, %parallel_loop3A_620 : vector<16xi32>
          %parallel_loop3A_622 = tpu.vector_load_idx %arg5[%parallel_loop3A_621] : memref<512xf32, #tpu.memory_space<vmem>>[vector<16xi32>], vector<16xf32>,
          %parallel_loop3A_623 = arith.constant 0 : i32
          %parallel_loop3A_624 = arith.constant 14 : i32
          %parallel_loop3A_625 = arith.constant 0 : i32
          %parallel_loop3A_626 = arith.constant 0 : i32
          %parallel_loop3A_627 = arith.constant 0 : i32
          %parallel_loop3A_628 = tpu.memref_slice %run_scoped3A_8[%rem3A_314, %parallel_loop3A_625, %parallel_loop3A_626, %parallel_loop3A_627] : memref<2x1x64x512xf32, #tpu.memory_space<vmem>> -> memref<1x1x64x512xf32, #tpu.memory_space<vmem>>
          %parallel_loop3A_629 = tpu.memref_squeeze %parallel_loop3A_628 : memref<1x1x64x512xf32, #tpu.memory_space<vmem>> -> memref<1x64x512xf32, #tpu.memory_space<vmem>>
          %parallel_loop3A_630 = arith.index_cast %parallel_loop3A_623 : i32 to index
          %parallel_loop3A_631 = arith.index_cast %parallel_loop3A_624 : i32 to index
          %parallel_loop3A_632 = arith.index_cast %parallel_loop3A_400 : i32 to index
          %parallel_loop3A_633 = tpu.vector_load %parallel_loop3A_629[%parallel_loop3A_630, %parallel_loop3A_631, %parallel_loop3A_632] {strides = array<i32>} : memref<1x64x512xf32, #tpu.memory_space<vmem>>, vector<16xf32>,
          tpu.vector_store %parallel_loop3A_629[%parallel_loop3A_630, %parallel_loop3A_631, %parallel_loop3A_632], %parallel_loop3A_622 {strides = array<i32>} : memref<1x64x512xf32, #tpu.memory_space<vmem>>, vector<16xf32>,
          %parallel_loop3A_634 = arith.constant 120 : i32
          %parallel_loop3A_635 = vector.broadcast %parallel_loop3A_634 : i32 to vector<16xi32>
          %parallel_loop3A_636 = arith.addi %parallel_loop3A_408, %parallel_loop3A_635 : vector<16xi32>
          %parallel_loop3A_637 = tpu.vector_load_idx %arg5[%parallel_loop3A_636] : memref<512xf32, #tpu.memory_space<vmem>>[vector<16xi32>], vector<16xf32>,
          %parallel_loop3A_638 = arith.constant 0 : i32
          %parallel_loop3A_639 = arith.constant 15 : i32
          %parallel_loop3A_640 = arith.constant 0 : i32
          %parallel_loop3A_641 = arith.constant 0 : i32
          %parallel_loop3A_642 = arith.constant 0 : i32
          %parallel_loop3A_643 = tpu.memref_slice %run_scoped3A_8[%rem3A_314, %parallel_loop3A_640, %parallel_loop3A_641, %parallel_loop3A_642] : memref<2x1x64x512xf32, #tpu.memory_space<vmem>> -> memref<1x1x64x512xf32, #tpu.memory_space<vmem>>
          %parallel_loop3A_644 = tpu.memref_squeeze %parallel_loop3A_643 : memref<1x1x64x512xf32, #tpu.memory_space<vmem>> -> memref<1x64x512xf32, #tpu.memory_space<vmem>>
          %parallel_loop3A_645 = arith.index_cast %parallel_loop3A_638 : i32 to index
          %parallel_loop3A_646 = arith.index_cast %parallel_loop3A_639 : i32 to index
          %parallel_loop3A_647 = arith.index_cast %parallel_loop3A_400 : i32 to index
          %parallel_loop3A_648 = tpu.vector_load %parallel_loop3A_644[%parallel_loop3A_645, %parallel_loop3A_646, %parallel_loop3A_647] {strides = array<i32>} : memref<1x64x512xf32, #tpu.memory_space<vmem>>, vector<16xf32>,
          tpu.vector_store %parallel_loop3A_644[%parallel_loop3A_645, %parallel_loop3A_646, %parallel_loop3A_647], %parallel_loop3A_637 {strides = array<i32>} : memref<1x64x512xf32, #tpu.memory_space<vmem>>, vector<16xf32>,
          %parallel_loop3A_649 = arith.constant 128 : i32
          %parallel_loop3A_650 = vector.broadcast %parallel_loop3A_649 : i32 to vector<16xi32>
          %parallel_loop3A_651 = arith.addi %parallel_loop3A_408, %parallel_loop3A_650 : vector<16xi32>
          %parallel_loop3A_652 = tpu.vector_load_idx %arg5[%parallel_loop3A_651] : memref<512xf32, #tpu.memory_space<vmem>>[vector<16xi32>], vector<16xf32>,
          %parallel_loop3A_653 = arith.constant 0 : i32
          %parallel_loop3A_654 = arith.constant 16 : i32
          %parallel_loop3A_655 = arith.constant 0 : i32
          %parallel_loop3A_656 = arith.constant 0 : i32
          %parallel_loop3A_657 = arith.constant 0 : i32
          %parallel_loop3A_658 = tpu.memref_slice %run_scoped3A_8[%rem3A_314, %parallel_loop3A_655, %parallel_loop3A_656, %parallel_loop3A_657] : memref<2x1x64x512xf32, #tpu.memory_space<vmem>> -> memref<1x1x64x512xf32, #tpu.memory_space<vmem>>
          %parallel_loop3A_659 = tpu.memref_squeeze %parallel_loop3A_658 : memref<1x1x64x512xf32, #tpu.memory_space<vmem>> -> memref<1x64x512xf32, #tpu.memory_space<vmem>>
          %parallel_loop3A_660 = arith.index_cast %parallel_loop3A_653 : i32 to index
          %parallel_loop3A_661 = arith.index_cast %parallel_loop3A_654 : i32 to index
          %parallel_loop3A_662 = arith.index_cast %parallel_loop3A_400 : i32 to index
          %parallel_loop3A_663 = tpu.vector_load %parallel_loop3A_659[%parallel_loop3A_660, %parallel_loop3A_661, %parallel_loop3A_662] {strides = array<i32>} : memref<1x64x512xf32, #tpu.memory_space<vmem>>, vector<16xf32>,
          tpu.vector_store %parallel_loop3A_659[%parallel_loop3A_660, %parallel_loop3A_661, %parallel_loop3A_662], %parallel_loop3A_652 {strides = array<i32>} : memref<1x64x512xf32, #tpu.memory_space<vmem>>, vector<16xf32>,
          %parallel_loop3A_664 = arith.constant 136 : i32
          %parallel_loop3A_665 = vector.broadcast %parallel_loop3A_664 : i32 to vector<16xi32>
          %parallel_loop3A_666 = arith.addi %parallel_loop3A_408, %parallel_loop3A_665 : vector<16xi32>
          %parallel_loop3A_667 = tpu.vector_load_idx %arg5[%parallel_loop3A_666] : memref<512xf32, #tpu.memory_space<vmem>>[vector<16xi32>], vector<16xf32>,
          %parallel_loop3A_668 = arith.constant 0 : i32
          %parallel_loop3A_669 = arith.constant 17 : i32
          %parallel_loop3A_670 = arith.constant 0 : i32
          %parallel_loop3A_671 = arith.constant 0 : i32
          %parallel_loop3A_672 = arith.constant 0 : i32
          %parallel_loop3A_673 = tpu.memref_slice %run_scoped3A_8[%rem3A_314, %parallel_loop3A_670, %parallel_loop3A_671, %parallel_loop3A_672] : memref<2x1x64x512xf32, #tpu.memory_space<vmem>> -> memref<1x1x64x512xf32, #tpu.memory_space<vmem>>
          %parallel_loop3A_674 = tpu.memref_squeeze %parallel_loop3A_673 : memref<1x1x64x512xf32, #tpu.memory_space<vmem>> -> memref<1x64x512xf32, #tpu.memory_space<vmem>>
          %parallel_loop3A_675 = arith.index_cast %parallel_loop3A_668 : i32 to index
          %parallel_loop3A_676 = arith.index_cast %parallel_loop3A_669 : i32 to index
          %parallel_loop3A_677 = arith.index_cast %parallel_loop3A_400 : i32 to index
          %parallel_loop3A_678 = tpu.vector_load %parallel_loop3A_674[%parallel_loop3A_675, %parallel_loop3A_676, %parallel_loop3A_677] {strides = array<i32>} : memref<1x64x512xf32, #tpu.memory_space<vmem>>, vector<16xf32>,
          tpu.vector_store %parallel_loop3A_674[%parallel_loop3A_675, %parallel_loop3A_676, %parallel_loop3A_677], %parallel_loop3A_667 {strides = array<i32>} : memref<1x64x512xf32, #tpu.memory_space<vmem>>, vector<16xf32>,
          %parallel_loop3A_679 = arith.constant 144 : i32
          %parallel_loop3A_680 = vector.broadcast %parallel_loop3A_679 : i32 to vector<16xi32>
          %parallel_loop3A_681 = arith.addi %parallel_loop3A_408, %parallel_loop3A_680 : vector<16xi32>
          %parallel_loop3A_682 = tpu.vector_load_idx %arg5[%parallel_loop3A_681] : memref<512xf32, #tpu.memory_space<vmem>>[vector<16xi32>], vector<16xf32>,
          %parallel_loop3A_683 = arith.constant 0 : i32
          %parallel_loop3A_684 = arith.constant 18 : i32
          %parallel_loop3A_685 = arith.constant 0 : i32
          %parallel_loop3A_686 = arith.constant 0 : i32
          %parallel_loop3A_687 = arith.constant 0 : i32
          %parallel_loop3A_688 = tpu.memref_slice %run_scoped3A_8[%rem3A_314, %parallel_loop3A_685, %parallel_loop3A_686, %parallel_loop3A_687] : memref<2x1x64x512xf32, #tpu.memory_space<vmem>> -> memref<1x1x64x512xf32, #tpu.memory_space<vmem>>
          %parallel_loop3A_689 = tpu.memref_squeeze %parallel_loop3A_688 : memref<1x1x64x512xf32, #tpu.memory_space<vmem>> -> memref<1x64x512xf32, #tpu.memory_space<vmem>>
          %parallel_loop3A_690 = arith.index_cast %parallel_loop3A_683 : i32 to index
          %parallel_loop3A_691 = arith.index_cast %parallel_loop3A_684 : i32 to index
          %parallel_loop3A_692 = arith.index_cast %parallel_loop3A_400 : i32 to index
          %parallel_loop3A_693 = tpu.vector_load %parallel_loop3A_689[%parallel_loop3A_690, %parallel_loop3A_691, %parallel_loop3A_692] {strides = array<i32>} : memref<1x64x512xf32, #tpu.memory_space<vmem>>, vector<16xf32>,
          tpu.vector_store %parallel_loop3A_689[%parallel_loop3A_690, %parallel_loop3A_691, %parallel_loop3A_692], %parallel_loop3A_682 {strides = array<i32>} : memref<1x64x512xf32, #tpu.memory_space<vmem>>, vector<16xf32>,
          %parallel_loop3A_694 = arith.constant 152 : i32
          %parallel_loop3A_695 = vector.broadcast %parallel_loop3A_694 : i32 to vector<16xi32>
          %parallel_loop3A_696 = arith.addi %parallel_loop3A_408, %parallel_loop3A_695 : vector<16xi32>
          %parallel_loop3A_697 = tpu.vector_load_idx %arg5[%parallel_loop3A_696] : memref<512xf32, #tpu.memory_space<vmem>>[vector<16xi32>], vector<16xf32>,
          %parallel_loop3A_698 = arith.constant 0 : i32
          %parallel_loop3A_699 = arith.constant 19 : i32
          %parallel_loop3A_700 = arith.constant 0 : i32
          %parallel_loop3A_701 = arith.constant 0 : i32
          %parallel_loop3A_702 = arith.constant 0 : i32
          %parallel_loop3A_703 = tpu.memref_slice %run_scoped3A_8[%rem3A_314, %parallel_loop3A_700, %parallel_loop3A_701, %parallel_loop3A_702] : memref<2x1x64x512xf32, #tpu.memory_space<vmem>> -> memref<1x1x64x512xf32, #tpu.memory_space<vmem>>
          %parallel_loop3A_704 = tpu.memref_squeeze %parallel_loop3A_703 : memref<1x1x64x512xf32, #tpu.memory_space<vmem>> -> memref<1x64x512xf32, #tpu.memory_space<vmem>>
          %parallel_loop3A_705 = arith.index_cast %parallel_loop3A_698 : i32 to index
          %parallel_loop3A_706 = arith.index_cast %parallel_loop3A_699 : i32 to index
          %parallel_loop3A_707 = arith.index_cast %parallel_loop3A_400 : i32 to index
          %parallel_loop3A_708 = tpu.vector_load %parallel_loop3A_704[%parallel_loop3A_705, %parallel_loop3A_706, %parallel_loop3A_707] {strides = array<i32>} : memref<1x64x512xf32, #tpu.memory_space<vmem>>, vector<16xf32>,
          tpu.vector_store %parallel_loop3A_704[%parallel_loop3A_705, %parallel_loop3A_706, %parallel_loop3A_707], %parallel_loop3A_697 {strides = array<i32>} : memref<1x64x512xf32, #tpu.memory_space<vmem>>, vector<16xf32>,
          %parallel_loop3A_709 = arith.constant 160 : i32
          %parallel_loop3A_710 = vector.broadcast %parallel_loop3A_709 : i32 to vector<16xi32>
          %parallel_loop3A_711 = arith.addi %parallel_loop3A_408, %parallel_loop3A_710 : vector<16xi32>
          %parallel_loop3A_712 = tpu.vector_load_idx %arg5[%parallel_loop3A_711] : memref<512xf32, #tpu.memory_space<vmem>>[vector<16xi32>], vector<16xf32>,
          %parallel_loop3A_713 = arith.constant 0 : i32
          %parallel_loop3A_714 = arith.constant 20 : i32
          %parallel_loop3A_715 = arith.constant 0 : i32
          %parallel_loop3A_716 = arith.constant 0 : i32
          %parallel_loop3A_717 = arith.constant 0 : i32
          %parallel_loop3A_718 = tpu.memref_slice %run_scoped3A_8[%rem3A_314, %parallel_loop3A_715, %parallel_loop3A_716, %parallel_loop3A_717] : memref<2x1x64x512xf32, #tpu.memory_space<vmem>> -> memref<1x1x64x512xf32, #tpu.memory_space<vmem>>
          %parallel_loop3A_719 = tpu.memref_squeeze %parallel_loop3A_718 : memref<1x1x64x512xf32, #tpu.memory_space<vmem>> -> memref<1x64x512xf32, #tpu.memory_space<vmem>>
          %parallel_loop3A_720 = arith.index_cast %parallel_loop3A_713 : i32 to index
          %parallel_loop3A_721 = arith.index_cast %parallel_loop3A_714 : i32 to index
          %parallel_loop3A_722 = arith.index_cast %parallel_loop3A_400 : i32 to index
          %parallel_loop3A_723 = tpu.vector_load %parallel_loop3A_719[%parallel_loop3A_720, %parallel_loop3A_721, %parallel_loop3A_722] {strides = array<i32>} : memref<1x64x512xf32, #tpu.memory_space<vmem>>, vector<16xf32>,
          tpu.vector_store %parallel_loop3A_719[%parallel_loop3A_720, %parallel_loop3A_721, %parallel_loop3A_722], %parallel_loop3A_712 {strides = array<i32>} : memref<1x64x512xf32, #tpu.memory_space<vmem>>, vector<16xf32>,
          %parallel_loop3A_724 = arith.constant 168 : i32
          %parallel_loop3A_725 = vector.broadcast %parallel_loop3A_724 : i32 to vector<16xi32>
          %parallel_loop3A_726 = arith.addi %parallel_loop3A_408, %parallel_loop3A_725 : vector<16xi32>
          %parallel_loop3A_727 = tpu.vector_load_idx %arg5[%parallel_loop3A_726] : memref<512xf32, #tpu.memory_space<vmem>>[vector<16xi32>], vector<16xf32>,
          %parallel_loop3A_728 = arith.constant 0 : i32
          %parallel_loop3A_729 = arith.constant 21 : i32
          %parallel_loop3A_730 = arith.constant 0 : i32
          %parallel_loop3A_731 = arith.constant 0 : i32
          %parallel_loop3A_732 = arith.constant 0 : i32
          %parallel_loop3A_733 = tpu.memref_slice %run_scoped3A_8[%rem3A_314, %parallel_loop3A_730, %parallel_loop3A_731, %parallel_loop3A_732] : memref<2x1x64x512xf32, #tpu.memory_space<vmem>> -> memref<1x1x64x512xf32, #tpu.memory_space<vmem>>
          %parallel_loop3A_734 = tpu.memref_squeeze %parallel_loop3A_733 : memref<1x1x64x512xf32, #tpu.memory_space<vmem>> -> memref<1x64x512xf32, #tpu.memory_space<vmem>>
          %parallel_loop3A_735 = arith.index_cast %parallel_loop3A_728 : i32 to index
          %parallel_loop3A_736 = arith.index_cast %parallel_loop3A_729 : i32 to index
          %parallel_loop3A_737 = arith.index_cast %parallel_loop3A_400 : i32 to index
          %parallel_loop3A_738 = tpu.vector_load %parallel_loop3A_734[%parallel_loop3A_735, %parallel_loop3A_736, %parallel_loop3A_737] {strides = array<i32>} : memref<1x64x512xf32, #tpu.memory_space<vmem>>, vector<16xf32>,
          tpu.vector_store %parallel_loop3A_734[%parallel_loop3A_735, %parallel_loop3A_736, %parallel_loop3A_737], %parallel_loop3A_727 {strides = array<i32>} : memref<1x64x512xf32, #tpu.memory_space<vmem>>, vector<16xf32>,
          %parallel_loop3A_739 = arith.constant 176 : i32
          %parallel_loop3A_740 = vector.broadcast %parallel_loop3A_739 : i32 to vector<16xi32>
          %parallel_loop3A_741 = arith.addi %parallel_loop3A_408, %parallel_loop3A_740 : vector<16xi32>
          %parallel_loop3A_742 = tpu.vector_load_idx %arg5[%parallel_loop3A_741] : memref<512xf32, #tpu.memory_space<vmem>>[vector<16xi32>], vector<16xf32>,
          %parallel_loop3A_743 = arith.constant 0 : i32
          %parallel_loop3A_744 = arith.constant 22 : i32
          %parallel_loop3A_745 = arith.constant 0 : i32
          %parallel_loop3A_746 = arith.constant 0 : i32
          %parallel_loop3A_747 = arith.constant 0 : i32
          %parallel_loop3A_748 = tpu.memref_slice %run_scoped3A_8[%rem3A_314, %parallel_loop3A_745, %parallel_loop3A_746, %parallel_loop3A_747] : memref<2x1x64x512xf32, #tpu.memory_space<vmem>> -> memref<1x1x64x512xf32, #tpu.memory_space<vmem>>
          %parallel_loop3A_749 = tpu.memref_squeeze %parallel_loop3A_748 : memref<1x1x64x512xf32, #tpu.memory_space<vmem>> -> memref<1x64x512xf32, #tpu.memory_space<vmem>>
          %parallel_loop3A_750 = arith.index_cast %parallel_loop3A_743 : i32 to index
          %parallel_loop3A_751 = arith.index_cast %parallel_loop3A_744 : i32 to index
          %parallel_loop3A_752 = arith.index_cast %parallel_loop3A_400 : i32 to index
          %parallel_loop3A_753 = tpu.vector_load %parallel_loop3A_749[%parallel_loop3A_750, %parallel_loop3A_751, %parallel_loop3A_752] {strides = array<i32>} : memref<1x64x512xf32, #tpu.memory_space<vmem>>, vector<16xf32>,
          tpu.vector_store %parallel_loop3A_749[%parallel_loop3A_750, %parallel_loop3A_751, %parallel_loop3A_752], %parallel_loop3A_742 {strides = array<i32>} : memref<1x64x512xf32, #tpu.memory_space<vmem>>, vector<16xf32>,
          %parallel_loop3A_754 = arith.constant 184 : i32
          %parallel_loop3A_755 = vector.broadcast %parallel_loop3A_754 : i32 to vector<16xi32>
          %parallel_loop3A_756 = arith.addi %parallel_loop3A_408, %parallel_loop3A_755 : vector<16xi32>
          %parallel_loop3A_757 = tpu.vector_load_idx %arg5[%parallel_loop3A_756] : memref<512xf32, #tpu.memory_space<vmem>>[vector<16xi32>], vector<16xf32>,
          %parallel_loop3A_758 = arith.constant 0 : i32
          %parallel_loop3A_759 = arith.constant 23 : i32
          %parallel_loop3A_760 = arith.constant 0 : i32
          %parallel_loop3A_761 = arith.constant 0 : i32
          %parallel_loop3A_762 = arith.constant 0 : i32
          %parallel_loop3A_763 = tpu.memref_slice %run_scoped3A_8[%rem3A_314, %parallel_loop3A_760, %parallel_loop3A_761, %parallel_loop3A_762] : memref<2x1x64x512xf32, #tpu.memory_space<vmem>> -> memref<1x1x64x512xf32, #tpu.memory_space<vmem>>
          %parallel_loop3A_764 = tpu.memref_squeeze %parallel_loop3A_763 : memref<1x1x64x512xf32, #tpu.memory_space<vmem>> -> memref<1x64x512xf32, #tpu.memory_space<vmem>>
          %parallel_loop3A_765 = arith.index_cast %parallel_loop3A_758 : i32 to index
          %parallel_loop3A_766 = arith.index_cast %parallel_loop3A_759 : i32 to index
          %parallel_loop3A_767 = arith.index_cast %parallel_loop3A_400 : i32 to index
          %parallel_loop3A_768 = tpu.vector_load %parallel_loop3A_764[%parallel_loop3A_765, %parallel_loop3A_766, %parallel_loop3A_767] {strides = array<i32>} : memref<1x64x512xf32, #tpu.memory_space<vmem>>, vector<16xf32>,
          tpu.vector_store %parallel_loop3A_764[%parallel_loop3A_765, %parallel_loop3A_766, %parallel_loop3A_767], %parallel_loop3A_757 {strides = array<i32>} : memref<1x64x512xf32, #tpu.memory_space<vmem>>, vector<16xf32>,
          %parallel_loop3A_769 = arith.constant 192 : i32
          %parallel_loop3A_770 = vector.broadcast %parallel_loop3A_769 : i32 to vector<16xi32>
          %parallel_loop3A_771 = arith.addi %parallel_loop3A_408, %parallel_loop3A_770 : vector<16xi32>
          %parallel_loop3A_772 = tpu.vector_load_idx %arg5[%parallel_loop3A_771] : memref<512xf32, #tpu.memory_space<vmem>>[vector<16xi32>], vector<16xf32>,
          %parallel_loop3A_773 = arith.constant 0 : i32
          %parallel_loop3A_774 = arith.constant 24 : i32
          %parallel_loop3A_775 = arith.constant 0 : i32
          %parallel_loop3A_776 = arith.constant 0 : i32
          %parallel_loop3A_777 = arith.constant 0 : i32
          %parallel_loop3A_778 = tpu.memref_slice %run_scoped3A_8[%rem3A_314, %parallel_loop3A_775, %parallel_loop3A_776, %parallel_loop3A_777] : memref<2x1x64x512xf32, #tpu.memory_space<vmem>> -> memref<1x1x64x512xf32, #tpu.memory_space<vmem>>
          %parallel_loop3A_779 = tpu.memref_squeeze %parallel_loop3A_778 : memref<1x1x64x512xf32, #tpu.memory_space<vmem>> -> memref<1x64x512xf32, #tpu.memory_space<vmem>>
          %parallel_loop3A_780 = arith.index_cast %parallel_loop3A_773 : i32 to index
          %parallel_loop3A_781 = arith.index_cast %parallel_loop3A_774 : i32 to index
          %parallel_loop3A_782 = arith.index_cast %parallel_loop3A_400 : i32 to index
          %parallel_loop3A_783 = tpu.vector_load %parallel_loop3A_779[%parallel_loop3A_780, %parallel_loop3A_781, %parallel_loop3A_782] {strides = array<i32>} : memref<1x64x512xf32, #tpu.memory_space<vmem>>, vector<16xf32>,
          tpu.vector_store %parallel_loop3A_779[%parallel_loop3A_780, %parallel_loop3A_781, %parallel_loop3A_782], %parallel_loop3A_772 {strides = array<i32>} : memref<1x64x512xf32, #tpu.memory_space<vmem>>, vector<16xf32>,
          %parallel_loop3A_784 = arith.constant 200 : i32
          %parallel_loop3A_785 = vector.broadcast %parallel_loop3A_784 : i32 to vector<16xi32>
          %parallel_loop3A_786 = arith.addi %parallel_loop3A_408, %parallel_loop3A_785 : vector<16xi32>
          %parallel_loop3A_787 = tpu.vector_load_idx %arg5[%parallel_loop3A_786] : memref<512xf32, #tpu.memory_space<vmem>>[vector<16xi32>], vector<16xf32>,
          %parallel_loop3A_788 = arith.constant 0 : i32
          %parallel_loop3A_789 = arith.constant 25 : i32
          %parallel_loop3A_790 = arith.constant 0 : i32
          %parallel_loop3A_791 = arith.constant 0 : i32
          %parallel_loop3A_792 = arith.constant 0 : i32
          %parallel_loop3A_793 = tpu.memref_slice %run_scoped3A_8[%rem3A_314, %parallel_loop3A_790, %parallel_loop3A_791, %parallel_loop3A_792] : memref<2x1x64x512xf32, #tpu.memory_space<vmem>> -> memref<1x1x64x512xf32, #tpu.memory_space<vmem>>
          %parallel_loop3A_794 = tpu.memref_squeeze %parallel_loop3A_793 : memref<1x1x64x512xf32, #tpu.memory_space<vmem>> -> memref<1x64x512xf32, #tpu.memory_space<vmem>>
          %parallel_loop3A_795 = arith.index_cast %parallel_loop3A_788 : i32 to index
          %parallel_loop3A_796 = arith.index_cast %parallel_loop3A_789 : i32 to index
          %parallel_loop3A_797 = arith.index_cast %parallel_loop3A_400 : i32 to index
          %parallel_loop3A_798 = tpu.vector_load %parallel_loop3A_794[%parallel_loop3A_795, %parallel_loop3A_796, %parallel_loop3A_797] {strides = array<i32>} : memref<1x64x512xf32, #tpu.memory_space<vmem>>, vector<16xf32>,
          tpu.vector_store %parallel_loop3A_794[%parallel_loop3A_795, %parallel_loop3A_796, %parallel_loop3A_797], %parallel_loop3A_787 {strides = array<i32>} : memref<1x64x512xf32, #tpu.memory_space<vmem>>, vector<16xf32>,
          %parallel_loop3A_799 = arith.constant 208 : i32
          %parallel_loop3A_800 = vector.broadcast %parallel_loop3A_799 : i32 to vector<16xi32>
          %parallel_loop3A_801 = arith.addi %parallel_loop3A_408, %parallel_loop3A_800 : vector<16xi32>
          %parallel_loop3A_802 = tpu.vector_load_idx %arg5[%parallel_loop3A_801] : memref<512xf32, #tpu.memory_space<vmem>>[vector<16xi32>], vector<16xf32>,
          %parallel_loop3A_803 = arith.constant 0 : i32
          %parallel_loop3A_804 = arith.constant 26 : i32
          %parallel_loop3A_805 = arith.constant 0 : i32
          %parallel_loop3A_806 = arith.constant 0 : i32
          %parallel_loop3A_807 = arith.constant 0 : i32
          %parallel_loop3A_808 = tpu.memref_slice %run_scoped3A_8[%rem3A_314, %parallel_loop3A_805, %parallel_loop3A_806, %parallel_loop3A_807] : memref<2x1x64x512xf32, #tpu.memory_space<vmem>> -> memref<1x1x64x512xf32, #tpu.memory_space<vmem>>
          %parallel_loop3A_809 = tpu.memref_squeeze %parallel_loop3A_808 : memref<1x1x64x512xf32, #tpu.memory_space<vmem>> -> memref<1x64x512xf32, #tpu.memory_space<vmem>>
          %parallel_loop3A_810 = arith.index_cast %parallel_loop3A_803 : i32 to index
          %parallel_loop3A_811 = arith.index_cast %parallel_loop3A_804 : i32 to index
          %parallel_loop3A_812 = arith.index_cast %parallel_loop3A_400 : i32 to index
          %parallel_loop3A_813 = tpu.vector_load %parallel_loop3A_809[%parallel_loop3A_810, %parallel_loop3A_811, %parallel_loop3A_812] {strides = array<i32>} : memref<1x64x512xf32, #tpu.memory_space<vmem>>, vector<16xf32>,
          tpu.vector_store %parallel_loop3A_809[%parallel_loop3A_810, %parallel_loop3A_811, %parallel_loop3A_812], %parallel_loop3A_802 {strides = array<i32>} : memref<1x64x512xf32, #tpu.memory_space<vmem>>, vector<16xf32>,
          %parallel_loop3A_814 = arith.constant 216 : i32
          %parallel_loop3A_815 = vector.broadcast %parallel_loop3A_814 : i32 to vector<16xi32>
          %parallel_loop3A_816 = arith.addi %parallel_loop3A_408, %parallel_loop3A_815 : vector<16xi32>
          %parallel_loop3A_817 = tpu.vector_load_idx %arg5[%parallel_loop3A_816] : memref<512xf32, #tpu.memory_space<vmem>>[vector<16xi32>], vector<16xf32>,
          %parallel_loop3A_818 = arith.constant 0 : i32
          %parallel_loop3A_819 = arith.constant 27 : i32
          %parallel_loop3A_820 = arith.constant 0 : i32
          %parallel_loop3A_821 = arith.constant 0 : i32
          %parallel_loop3A_822 = arith.constant 0 : i32
          %parallel_loop3A_823 = tpu.memref_slice %run_scoped3A_8[%rem3A_314, %parallel_loop3A_820, %parallel_loop3A_821, %parallel_loop3A_822] : memref<2x1x64x512xf32, #tpu.memory_space<vmem>> -> memref<1x1x64x512xf32, #tpu.memory_space<vmem>>
          %parallel_loop3A_824 = tpu.memref_squeeze %parallel_loop3A_823 : memref<1x1x64x512xf32, #tpu.memory_space<vmem>> -> memref<1x64x512xf32, #tpu.memory_space<vmem>>
          %parallel_loop3A_825 = arith.index_cast %parallel_loop3A_818 : i32 to index
          %parallel_loop3A_826 = arith.index_cast %parallel_loop3A_819 : i32 to index
          %parallel_loop3A_827 = arith.index_cast %parallel_loop3A_400 : i32 to index
          %parallel_loop3A_828 = tpu.vector_load %parallel_loop3A_824[%parallel_loop3A_825, %parallel_loop3A_826, %parallel_loop3A_827] {strides = array<i32>} : memref<1x64x512xf32, #tpu.memory_space<vmem>>, vector<16xf32>,
          tpu.vector_store %parallel_loop3A_824[%parallel_loop3A_825, %parallel_loop3A_826, %parallel_loop3A_827], %parallel_loop3A_817 {strides = array<i32>} : memref<1x64x512xf32, #tpu.memory_space<vmem>>, vector<16xf32>,
          %parallel_loop3A_829 = arith.constant 224 : i32
          %parallel_loop3A_830 = vector.broadcast %parallel_loop3A_829 : i32 to vector<16xi32>
          %parallel_loop3A_831 = arith.addi %parallel_loop3A_408, %parallel_loop3A_830 : vector<16xi32>
          %parallel_loop3A_832 = tpu.vector_load_idx %arg5[%parallel_loop3A_831] : memref<512xf32, #tpu.memory_space<vmem>>[vector<16xi32>], vector<16xf32>,
          %parallel_loop3A_833 = arith.constant 0 : i32
          %parallel_loop3A_834 = arith.constant 28 : i32
          %parallel_loop3A_835 = arith.constant 0 : i32
          %parallel_loop3A_836 = arith.constant 0 : i32
          %parallel_loop3A_837 = arith.constant 0 : i32
          %parallel_loop3A_838 = tpu.memref_slice %run_scoped3A_8[%rem3A_314, %parallel_loop3A_835, %parallel_loop3A_836, %parallel_loop3A_837] : memref<2x1x64x512xf32, #tpu.memory_space<vmem>> -> memref<1x1x64x512xf32, #tpu.memory_space<vmem>>
          %parallel_loop3A_839 = tpu.memref_squeeze %parallel_loop3A_838 : memref<1x1x64x512xf32, #tpu.memory_space<vmem>> -> memref<1x64x512xf32, #tpu.memory_space<vmem>>
          %parallel_loop3A_840 = arith.index_cast %parallel_loop3A_833 : i32 to index
          %parallel_loop3A_841 = arith.index_cast %parallel_loop3A_834 : i32 to index
          %parallel_loop3A_842 = arith.index_cast %parallel_loop3A_400 : i32 to index
          %parallel_loop3A_843 = tpu.vector_load %parallel_loop3A_839[%parallel_loop3A_840, %parallel_loop3A_841, %parallel_loop3A_842] {strides = array<i32>} : memref<1x64x512xf32, #tpu.memory_space<vmem>>, vector<16xf32>,
          tpu.vector_store %parallel_loop3A_839[%parallel_loop3A_840, %parallel_loop3A_841, %parallel_loop3A_842], %parallel_loop3A_832 {strides = array<i32>} : memref<1x64x512xf32, #tpu.memory_space<vmem>>, vector<16xf32>,
          %parallel_loop3A_844 = arith.constant 232 : i32
          %parallel_loop3A_845 = vector.broadcast %parallel_loop3A_844 : i32 to vector<16xi32>
          %parallel_loop3A_846 = arith.addi %parallel_loop3A_408, %parallel_loop3A_845 : vector<16xi32>
          %parallel_loop3A_847 = tpu.vector_load_idx %arg5[%parallel_loop3A_846] : memref<512xf32, #tpu.memory_space<vmem>>[vector<16xi32>], vector<16xf32>,
          %parallel_loop3A_848 = arith.constant 0 : i32
          %parallel_loop3A_849 = arith.constant 29 : i32
          %parallel_loop3A_850 = arith.constant 0 : i32
          %parallel_loop3A_851 = arith.constant 0 : i32
          %parallel_loop3A_852 = arith.constant 0 : i32
          %parallel_loop3A_853 = tpu.memref_slice %run_scoped3A_8[%rem3A_314, %parallel_loop3A_850, %parallel_loop3A_851, %parallel_loop3A_852] : memref<2x1x64x512xf32, #tpu.memory_space<vmem>> -> memref<1x1x64x512xf32, #tpu.memory_space<vmem>>
          %parallel_loop3A_854 = tpu.memref_squeeze %parallel_loop3A_853 : memref<1x1x64x512xf32, #tpu.memory_space<vmem>> -> memref<1x64x512xf32, #tpu.memory_space<vmem>>
          %parallel_loop3A_855 = arith.index_cast %parallel_loop3A_848 : i32 to index
          %parallel_loop3A_856 = arith.index_cast %parallel_loop3A_849 : i32 to index
          %parallel_loop3A_857 = arith.index_cast %parallel_loop3A_400 : i32 to index
          %parallel_loop3A_858 = tpu.vector_load %parallel_loop3A_854[%parallel_loop3A_855, %parallel_loop3A_856, %parallel_loop3A_857] {strides = array<i32>} : memref<1x64x512xf32, #tpu.memory_space<vmem>>, vector<16xf32>,
          tpu.vector_store %parallel_loop3A_854[%parallel_loop3A_855, %parallel_loop3A_856, %parallel_loop3A_857], %parallel_loop3A_847 {strides = array<i32>} : memref<1x64x512xf32, #tpu.memory_space<vmem>>, vector<16xf32>,
          %parallel_loop3A_859 = arith.constant 240 : i32
          %parallel_loop3A_860 = vector.broadcast %parallel_loop3A_859 : i32 to vector<16xi32>
          %parallel_loop3A_861 = arith.addi %parallel_loop3A_408, %parallel_loop3A_860 : vector<16xi32>
          %parallel_loop3A_862 = tpu.vector_load_idx %arg5[%parallel_loop3A_861] : memref<512xf32, #tpu.memory_space<vmem>>[vector<16xi32>], vector<16xf32>,
          %parallel_loop3A_863 = arith.constant 0 : i32
          %parallel_loop3A_864 = arith.constant 30 : i32
          %parallel_loop3A_865 = arith.constant 0 : i32
          %parallel_loop3A_866 = arith.constant 0 : i32
          %parallel_loop3A_867 = arith.constant 0 : i32
          %parallel_loop3A_868 = tpu.memref_slice %run_scoped3A_8[%rem3A_314, %parallel_loop3A_865, %parallel_loop3A_866, %parallel_loop3A_867] : memref<2x1x64x512xf32, #tpu.memory_space<vmem>> -> memref<1x1x64x512xf32, #tpu.memory_space<vmem>>
          %parallel_loop3A_869 = tpu.memref_squeeze %parallel_loop3A_868 : memref<1x1x64x512xf32, #tpu.memory_space<vmem>> -> memref<1x64x512xf32, #tpu.memory_space<vmem>>
          %parallel_loop3A_870 = arith.index_cast %parallel_loop3A_863 : i32 to index
          %parallel_loop3A_871 = arith.index_cast %parallel_loop3A_864 : i32 to index
          %parallel_loop3A_872 = arith.index_cast %parallel_loop3A_400 : i32 to index
          %parallel_loop3A_873 = tpu.vector_load %parallel_loop3A_869[%parallel_loop3A_870, %parallel_loop3A_871, %parallel_loop3A_872] {strides = array<i32>} : memref<1x64x512xf32, #tpu.memory_space<vmem>>, vector<16xf32>,
          tpu.vector_store %parallel_loop3A_869[%parallel_loop3A_870, %parallel_loop3A_871, %parallel_loop3A_872], %parallel_loop3A_862 {strides = array<i32>} : memref<1x64x512xf32, #tpu.memory_space<vmem>>, vector<16xf32>,
          %parallel_loop3A_874 = arith.constant 248 : i32
          %parallel_loop3A_875 = vector.broadcast %parallel_loop3A_874 : i32 to vector<16xi32>
          %parallel_loop3A_876 = arith.addi %parallel_loop3A_408, %parallel_loop3A_875 : vector<16xi32>
          %parallel_loop3A_877 = tpu.vector_load_idx %arg5[%parallel_loop3A_876] : memref<512xf32, #tpu.memory_space<vmem>>[vector<16xi32>], vector<16xf32>,
          %parallel_loop3A_878 = arith.constant 0 : i32
          %parallel_loop3A_879 = arith.constant 31 : i32
          %parallel_loop3A_880 = arith.constant 0 : i32
          %parallel_loop3A_881 = arith.constant 0 : i32
          %parallel_loop3A_882 = arith.constant 0 : i32
          %parallel_loop3A_883 = tpu.memref_slice %run_scoped3A_8[%rem3A_314, %parallel_loop3A_880, %parallel_loop3A_881, %parallel_loop3A_882] : memref<2x1x64x512xf32, #tpu.memory_space<vmem>> -> memref<1x1x64x512xf32, #tpu.memory_space<vmem>>
          %parallel_loop3A_884 = tpu.memref_squeeze %parallel_loop3A_883 : memref<1x1x64x512xf32, #tpu.memory_space<vmem>> -> memref<1x64x512xf32, #tpu.memory_space<vmem>>
          %parallel_loop3A_885 = arith.index_cast %parallel_loop3A_878 : i32 to index
          %parallel_loop3A_886 = arith.index_cast %parallel_loop3A_879 : i32 to index
          %parallel_loop3A_887 = arith.index_cast %parallel_loop3A_400 : i32 to index
          %parallel_loop3A_888 = tpu.vector_load %parallel_loop3A_884[%parallel_loop3A_885, %parallel_loop3A_886, %parallel_loop3A_887] {strides = array<i32>} : memref<1x64x512xf32, #tpu.memory_space<vmem>>, vector<16xf32>,
          tpu.vector_store %parallel_loop3A_884[%parallel_loop3A_885, %parallel_loop3A_886, %parallel_loop3A_887], %parallel_loop3A_877 {strides = array<i32>} : memref<1x64x512xf32, #tpu.memory_space<vmem>>, vector<16xf32>,
          %parallel_loop3A_889 = arith.constant 256 : i32
          %parallel_loop3A_890 = vector.broadcast %parallel_loop3A_889 : i32 to vector<16xi32>
          %parallel_loop3A_891 = arith.addi %parallel_loop3A_408, %parallel_loop3A_890 : vector<16xi32>
          %parallel_loop3A_892 = tpu.vector_load_idx %arg5[%parallel_loop3A_891] : memref<512xf32, #tpu.memory_space<vmem>>[vector<16xi32>], vector<16xf32>,
          %parallel_loop3A_893 = arith.constant 0 : i32
          %parallel_loop3A_894 = arith.constant 32 : i32
          %parallel_loop3A_895 = arith.constant 0 : i32
          %parallel_loop3A_896 = arith.constant 0 : i32
          %parallel_loop3A_897 = arith.constant 0 : i32
          %parallel_loop3A_898 = tpu.memref_slice %run_scoped3A_8[%rem3A_314, %parallel_loop3A_895, %parallel_loop3A_896, %parallel_loop3A_897] : memref<2x1x64x512xf32, #tpu.memory_space<vmem>> -> memref<1x1x64x512xf32, #tpu.memory_space<vmem>>
          %parallel_loop3A_899 = tpu.memref_squeeze %parallel_loop3A_898 : memref<1x1x64x512xf32, #tpu.memory_space<vmem>> -> memref<1x64x512xf32, #tpu.memory_space<vmem>>
          %parallel_loop3A_900 = arith.index_cast %parallel_loop3A_893 : i32 to index
          %parallel_loop3A_901 = arith.index_cast %parallel_loop3A_894 : i32 to index
          %parallel_loop3A_902 = arith.index_cast %parallel_loop3A_400 : i32 to index
          %parallel_loop3A_903 = tpu.vector_load %parallel_loop3A_899[%parallel_loop3A_900, %parallel_loop3A_901, %parallel_loop3A_902] {strides = array<i32>} : memref<1x64x512xf32, #tpu.memory_space<vmem>>, vector<16xf32>,
          tpu.vector_store %parallel_loop3A_899[%parallel_loop3A_900, %parallel_loop3A_901, %parallel_loop3A_902], %parallel_loop3A_892 {strides = array<i32>} : memref<1x64x512xf32, #tpu.memory_space<vmem>>, vector<16xf32>,
          %parallel_loop3A_904 = arith.constant 264 : i32
          %parallel_loop3A_905 = vector.broadcast %parallel_loop3A_904 : i32 to vector<16xi32>
          %parallel_loop3A_906 = arith.addi %parallel_loop3A_408, %parallel_loop3A_905 : vector<16xi32>
          %parallel_loop3A_907 = tpu.vector_load_idx %arg5[%parallel_loop3A_906] : memref<512xf32, #tpu.memory_space<vmem>>[vector<16xi32>], vector<16xf32>,
          %parallel_loop3A_908 = arith.constant 0 : i32
          %parallel_loop3A_909 = arith.constant 33 : i32
          %parallel_loop3A_910 = arith.constant 0 : i32
          %parallel_loop3A_911 = arith.constant 0 : i32
          %parallel_loop3A_912 = arith.constant 0 : i32
          %parallel_loop3A_913 = tpu.memref_slice %run_scoped3A_8[%rem3A_314, %parallel_loop3A_910, %parallel_loop3A_911, %parallel_loop3A_912] : memref<2x1x64x512xf32, #tpu.memory_space<vmem>> -> memref<1x1x64x512xf32, #tpu.memory_space<vmem>>
          %parallel_loop3A_914 = tpu.memref_squeeze %parallel_loop3A_913 : memref<1x1x64x512xf32, #tpu.memory_space<vmem>> -> memref<1x64x512xf32, #tpu.memory_space<vmem>>
          %parallel_loop3A_915 = arith.index_cast %parallel_loop3A_908 : i32 to index
          %parallel_loop3A_916 = arith.index_cast %parallel_loop3A_909 : i32 to index
          %parallel_loop3A_917 = arith.index_cast %parallel_loop3A_400 : i32 to index
          %parallel_loop3A_918 = tpu.vector_load %parallel_loop3A_914[%parallel_loop3A_915, %parallel_loop3A_916, %parallel_loop3A_917] {strides = array<i32>} : memref<1x64x512xf32, #tpu.memory_space<vmem>>, vector<16xf32>,
          tpu.vector_store %parallel_loop3A_914[%parallel_loop3A_915, %parallel_loop3A_916, %parallel_loop3A_917], %parallel_loop3A_907 {strides = array<i32>} : memref<1x64x512xf32, #tpu.memory_space<vmem>>, vector<16xf32>,
          %parallel_loop3A_919 = arith.constant 272 : i32
          %parallel_loop3A_920 = vector.broadcast %parallel_loop3A_919 : i32 to vector<16xi32>
          %parallel_loop3A_921 = arith.addi %parallel_loop3A_408, %parallel_loop3A_920 : vector<16xi32>
          %parallel_loop3A_922 = tpu.vector_load_idx %arg5[%parallel_loop3A_921] : memref<512xf32, #tpu.memory_space<vmem>>[vector<16xi32>], vector<16xf32>,
          %parallel_loop3A_923 = arith.constant 0 : i32
          %parallel_loop3A_924 = arith.constant 34 : i32
          %parallel_loop3A_925 = arith.constant 0 : i32
          %parallel_loop3A_926 = arith.constant 0 : i32
          %parallel_loop3A_927 = arith.constant 0 : i32
          %parallel_loop3A_928 = tpu.memref_slice %run_scoped3A_8[%rem3A_314, %parallel_loop3A_925, %parallel_loop3A_926, %parallel_loop3A_927] : memref<2x1x64x512xf32, #tpu.memory_space<vmem>> -> memref<1x1x64x512xf32, #tpu.memory_space<vmem>>
          %parallel_loop3A_929 = tpu.memref_squeeze %parallel_loop3A_928 : memref<1x1x64x512xf32, #tpu.memory_space<vmem>> -> memref<1x64x512xf32, #tpu.memory_space<vmem>>
          %parallel_loop3A_930 = arith.index_cast %parallel_loop3A_923 : i32 to index
          %parallel_loop3A_931 = arith.index_cast %parallel_loop3A_924 : i32 to index
          %parallel_loop3A_932 = arith.index_cast %parallel_loop3A_400 : i32 to index
          %parallel_loop3A_933 = tpu.vector_load %parallel_loop3A_929[%parallel_loop3A_930, %parallel_loop3A_931, %parallel_loop3A_932] {strides = array<i32>} : memref<1x64x512xf32, #tpu.memory_space<vmem>>, vector<16xf32>,
          tpu.vector_store %parallel_loop3A_929[%parallel_loop3A_930, %parallel_loop3A_931, %parallel_loop3A_932], %parallel_loop3A_922 {strides = array<i32>} : memref<1x64x512xf32, #tpu.memory_space<vmem>>, vector<16xf32>,
          %parallel_loop3A_934 = arith.constant 280 : i32
          %parallel_loop3A_935 = vector.broadcast %parallel_loop3A_934 : i32 to vector<16xi32>
          %parallel_loop3A_936 = arith.addi %parallel_loop3A_408, %parallel_loop3A_935 : vector<16xi32>
          %parallel_loop3A_937 = tpu.vector_load_idx %arg5[%parallel_loop3A_936] : memref<512xf32, #tpu.memory_space<vmem>>[vector<16xi32>], vector<16xf32>,
          %parallel_loop3A_938 = arith.constant 0 : i32
          %parallel_loop3A_939 = arith.constant 35 : i32
          %parallel_loop3A_940 = arith.constant 0 : i32
          %parallel_loop3A_941 = arith.constant 0 : i32
          %parallel_loop3A_942 = arith.constant 0 : i32
          %parallel_loop3A_943 = tpu.memref_slice %run_scoped3A_8[%rem3A_314, %parallel_loop3A_940, %parallel_loop3A_941, %parallel_loop3A_942] : memref<2x1x64x512xf32, #tpu.memory_space<vmem>> -> memref<1x1x64x512xf32, #tpu.memory_space<vmem>>
          %parallel_loop3A_944 = tpu.memref_squeeze %parallel_loop3A_943 : memref<1x1x64x512xf32, #tpu.memory_space<vmem>> -> memref<1x64x512xf32, #tpu.memory_space<vmem>>
          %parallel_loop3A_945 = arith.index_cast %parallel_loop3A_938 : i32 to index
          %parallel_loop3A_946 = arith.index_cast %parallel_loop3A_939 : i32 to index
          %parallel_loop3A_947 = arith.index_cast %parallel_loop3A_400 : i32 to index
          %parallel_loop3A_948 = tpu.vector_load %parallel_loop3A_944[%parallel_loop3A_945, %parallel_loop3A_946, %parallel_loop3A_947] {strides = array<i32>} : memref<1x64x512xf32, #tpu.memory_space<vmem>>, vector<16xf32>,
          tpu.vector_store %parallel_loop3A_944[%parallel_loop3A_945, %parallel_loop3A_946, %parallel_loop3A_947], %parallel_loop3A_937 {strides = array<i32>} : memref<1x64x512xf32, #tpu.memory_space<vmem>>, vector<16xf32>,
          %parallel_loop3A_949 = arith.constant 288 : i32
          %parallel_loop3A_950 = vector.broadcast %parallel_loop3A_949 : i32 to vector<16xi32>
          %parallel_loop3A_951 = arith.addi %parallel_loop3A_408, %parallel_loop3A_950 : vector<16xi32>
          %parallel_loop3A_952 = tpu.vector_load_idx %arg5[%parallel_loop3A_951] : memref<512xf32, #tpu.memory_space<vmem>>[vector<16xi32>], vector<16xf32>,
          %parallel_loop3A_953 = arith.constant 0 : i32
          %parallel_loop3A_954 = arith.constant 36 : i32
          %parallel_loop3A_955 = arith.constant 0 : i32
          %parallel_loop3A_956 = arith.constant 0 : i32
          %parallel_loop3A_957 = arith.constant 0 : i32
          %parallel_loop3A_958 = tpu.memref_slice %run_scoped3A_8[%rem3A_314, %parallel_loop3A_955, %parallel_loop3A_956, %parallel_loop3A_957] : memref<2x1x64x512xf32, #tpu.memory_space<vmem>> -> memref<1x1x64x512xf32, #tpu.memory_space<vmem>>
          %parallel_loop3A_959 = tpu.memref_squeeze %parallel_loop3A_958 : memref<1x1x64x512xf32, #tpu.memory_space<vmem>> -> memref<1x64x512xf32, #tpu.memory_space<vmem>>
          %parallel_loop3A_960 = arith.index_cast %parallel_loop3A_953 : i32 to index
          %parallel_loop3A_961 = arith.index_cast %parallel_loop3A_954 : i32 to index
          %parallel_loop3A_962 = arith.index_cast %parallel_loop3A_400 : i32 to index
          %parallel_loop3A_963 = tpu.vector_load %parallel_loop3A_959[%parallel_loop3A_960, %parallel_loop3A_961, %parallel_loop3A_962] {strides = array<i32>} : memref<1x64x512xf32, #tpu.memory_space<vmem>>, vector<16xf32>,
          tpu.vector_store %parallel_loop3A_959[%parallel_loop3A_960, %parallel_loop3A_961, %parallel_loop3A_962], %parallel_loop3A_952 {strides = array<i32>} : memref<1x64x512xf32, #tpu.memory_space<vmem>>, vector<16xf32>,
          %parallel_loop3A_964 = arith.constant 296 : i32
          %parallel_loop3A_965 = vector.broadcast %parallel_loop3A_964 : i32 to vector<16xi32>
          %parallel_loop3A_966 = arith.addi %parallel_loop3A_408, %parallel_loop3A_965 : vector<16xi32>
          %parallel_loop3A_967 = tpu.vector_load_idx %arg5[%parallel_loop3A_966] : memref<512xf32, #tpu.memory_space<vmem>>[vector<16xi32>], vector<16xf32>,
          %parallel_loop3A_968 = arith.constant 0 : i32
          %parallel_loop3A_969 = arith.constant 37 : i32
          %parallel_loop3A_970 = arith.constant 0 : i32
          %parallel_loop3A_971 = arith.constant 0 : i32
          %parallel_loop3A_972 = arith.constant 0 : i32
          %parallel_loop3A_973 = tpu.memref_slice %run_scoped3A_8[%rem3A_314, %parallel_loop3A_970, %parallel_loop3A_971, %parallel_loop3A_972] : memref<2x1x64x512xf32, #tpu.memory_space<vmem>> -> memref<1x1x64x512xf32, #tpu.memory_space<vmem>>
          %parallel_loop3A_974 = tpu.memref_squeeze %parallel_loop3A_973 : memref<1x1x64x512xf32, #tpu.memory_space<vmem>> -> memref<1x64x512xf32, #tpu.memory_space<vmem>>
          %parallel_loop3A_975 = arith.index_cast %parallel_loop3A_968 : i32 to index
          %parallel_loop3A_976 = arith.index_cast %parallel_loop3A_969 : i32 to index
          %parallel_loop3A_977 = arith.index_cast %parallel_loop3A_400 : i32 to index
          %parallel_loop3A_978 = tpu.vector_load %parallel_loop3A_974[%parallel_loop3A_975, %parallel_loop3A_976, %parallel_loop3A_977] {strides = array<i32>} : memref<1x64x512xf32, #tpu.memory_space<vmem>>, vector<16xf32>,
          tpu.vector_store %parallel_loop3A_974[%parallel_loop3A_975, %parallel_loop3A_976, %parallel_loop3A_977], %parallel_loop3A_967 {strides = array<i32>} : memref<1x64x512xf32, #tpu.memory_space<vmem>>, vector<16xf32>,
          %parallel_loop3A_979 = arith.constant 304 : i32
          %parallel_loop3A_980 = vector.broadcast %parallel_loop3A_979 : i32 to vector<16xi32>
          %parallel_loop3A_981 = arith.addi %parallel_loop3A_408, %parallel_loop3A_980 : vector<16xi32>
          %parallel_loop3A_982 = tpu.vector_load_idx %arg5[%parallel_loop3A_981] : memref<512xf32, #tpu.memory_space<vmem>>[vector<16xi32>], vector<16xf32>,
          %parallel_loop3A_983 = arith.constant 0 : i32
          %parallel_loop3A_984 = arith.constant 38 : i32
          %parallel_loop3A_985 = arith.constant 0 : i32
          %parallel_loop3A_986 = arith.constant 0 : i32
          %parallel_loop3A_987 = arith.constant 0 : i32
          %parallel_loop3A_988 = tpu.memref_slice %run_scoped3A_8[%rem3A_314, %parallel_loop3A_985, %parallel_loop3A_986, %parallel_loop3A_987] : memref<2x1x64x512xf32, #tpu.memory_space<vmem>> -> memref<1x1x64x512xf32, #tpu.memory_space<vmem>>
          %parallel_loop3A_989 = tpu.memref_squeeze %parallel_loop3A_988 : memref<1x1x64x512xf32, #tpu.memory_space<vmem>> -> memref<1x64x512xf32, #tpu.memory_space<vmem>>
          %parallel_loop3A_990 = arith.index_cast %parallel_loop3A_983 : i32 to index
          %parallel_loop3A_991 = arith.index_cast %parallel_loop3A_984 : i32 to index
          %parallel_loop3A_992 = arith.index_cast %parallel_loop3A_400 : i32 to index
          %parallel_loop3A_993 = tpu.vector_load %parallel_loop3A_989[%parallel_loop3A_990, %parallel_loop3A_991, %parallel_loop3A_992] {strides = array<i32>} : memref<1x64x512xf32, #tpu.memory_space<vmem>>, vector<16xf32>,
          tpu.vector_store %parallel_loop3A_989[%parallel_loop3A_990, %parallel_loop3A_991, %parallel_loop3A_992], %parallel_loop3A_982 {strides = array<i32>} : memref<1x64x512xf32, #tpu.memory_space<vmem>>, vector<16xf32>,
          %parallel_loop3A_994 = arith.constant 312 : i32
          %parallel_loop3A_995 = vector.broadcast %parallel_loop3A_994 : i32 to vector<16xi32>
          %parallel_loop3A_996 = arith.addi %parallel_loop3A_408, %parallel_loop3A_995 : vector<16xi32>
          %parallel_loop3A_997 = tpu.vector_load_idx %arg5[%parallel_loop3A_996] : memref<512xf32, #tpu.memory_space<vmem>>[vector<16xi32>], vector<16xf32>,
          %parallel_loop3A_998 = arith.constant 0 : i32
          %parallel_loop3A_999 = arith.constant 39 : i32
          %parallel_loop3A_1000 = arith.constant 0 : i32
          %parallel_loop3A_1001 = arith.constant 0 : i32
          %parallel_loop3A_1002 = arith.constant 0 : i32
          %parallel_loop3A_1003 = tpu.memref_slice %run_scoped3A_8[%rem3A_314, %parallel_loop3A_1000, %parallel_loop3A_1001, %parallel_loop3A_1002] : memref<2x1x64x512xf32, #tpu.memory_space<vmem>> -> memref<1x1x64x512xf32, #tpu.memory_space<vmem>>
          %parallel_loop3A_1004 = tpu.memref_squeeze %parallel_loop3A_1003 : memref<1x1x64x512xf32, #tpu.memory_space<vmem>> -> memref<1x64x512xf32, #tpu.memory_space<vmem>>
          %parallel_loop3A_1005 = arith.index_cast %parallel_loop3A_998 : i32 to index
          %parallel_loop3A_1006 = arith.index_cast %parallel_loop3A_999 : i32 to index
          %parallel_loop3A_1007 = arith.index_cast %parallel_loop3A_400 : i32 to index
          %parallel_loop3A_1008 = tpu.vector_load %parallel_loop3A_1004[%parallel_loop3A_1005, %parallel_loop3A_1006, %parallel_loop3A_1007] {strides = array<i32>} : memref<1x64x512xf32, #tpu.memory_space<vmem>>, vector<16xf32>,
          tpu.vector_store %parallel_loop3A_1004[%parallel_loop3A_1005, %parallel_loop3A_1006, %parallel_loop3A_1007], %parallel_loop3A_997 {strides = array<i32>} : memref<1x64x512xf32, #tpu.memory_space<vmem>>, vector<16xf32>,
          %parallel_loop3A_1009 = arith.constant 320 : i32
          %parallel_loop3A_1010 = vector.broadcast %parallel_loop3A_1009 : i32 to vector<16xi32>
          %parallel_loop3A_1011 = arith.addi %parallel_loop3A_408, %parallel_loop3A_1010 : vector<16xi32>
          %parallel_loop3A_1012 = tpu.vector_load_idx %arg5[%parallel_loop3A_1011] : memref<512xf32, #tpu.memory_space<vmem>>[vector<16xi32>], vector<16xf32>,
          %parallel_loop3A_1013 = arith.constant 0 : i32
          %parallel_loop3A_1014 = arith.constant 40 : i32
          %parallel_loop3A_1015 = arith.constant 0 : i32
          %parallel_loop3A_1016 = arith.constant 0 : i32
          %parallel_loop3A_1017 = arith.constant 0 : i32
          %parallel_loop3A_1018 = tpu.memref_slice %run_scoped3A_8[%rem3A_314, %parallel_loop3A_1015, %parallel_loop3A_1016, %parallel_loop3A_1017] : memref<2x1x64x512xf32, #tpu.memory_space<vmem>> -> memref<1x1x64x512xf32, #tpu.memory_space<vmem>>
          %parallel_loop3A_1019 = tpu.memref_squeeze %parallel_loop3A_1018 : memref<1x1x64x512xf32, #tpu.memory_space<vmem>> -> memref<1x64x512xf32, #tpu.memory_space<vmem>>
          %parallel_loop3A_1020 = arith.index_cast %parallel_loop3A_1013 : i32 to index
          %parallel_loop3A_1021 = arith.index_cast %parallel_loop3A_1014 : i32 to index
          %parallel_loop3A_1022 = arith.index_cast %parallel_loop3A_400 : i32 to index
          %parallel_loop3A_1023 = tpu.vector_load %parallel_loop3A_1019[%parallel_loop3A_1020, %parallel_loop3A_1021, %parallel_loop3A_1022] {strides = array<i32>} : memref<1x64x512xf32, #tpu.memory_space<vmem>>, vector<16xf32>,
          tpu.vector_store %parallel_loop3A_1019[%parallel_loop3A_1020, %parallel_loop3A_1021, %parallel_loop3A_1022], %parallel_loop3A_1012 {strides = array<i32>} : memref<1x64x512xf32, #tpu.memory_space<vmem>>, vector<16xf32>,
          %parallel_loop3A_1024 = arith.constant 328 : i32
          %parallel_loop3A_1025 = vector.broadcast %parallel_loop3A_1024 : i32 to vector<16xi32>
          %parallel_loop3A_1026 = arith.addi %parallel_loop3A_408, %parallel_loop3A_1025 : vector<16xi32>
          %parallel_loop3A_1027 = tpu.vector_load_idx %arg5[%parallel_loop3A_1026] : memref<512xf32, #tpu.memory_space<vmem>>[vector<16xi32>], vector<16xf32>,
          %parallel_loop3A_1028 = arith.constant 0 : i32
          %parallel_loop3A_1029 = arith.constant 41 : i32
          %parallel_loop3A_1030 = arith.constant 0 : i32
          %parallel_loop3A_1031 = arith.constant 0 : i32
          %parallel_loop3A_1032 = arith.constant 0 : i32
          %parallel_loop3A_1033 = tpu.memref_slice %run_scoped3A_8[%rem3A_314, %parallel_loop3A_1030, %parallel_loop3A_1031, %parallel_loop3A_1032] : memref<2x1x64x512xf32, #tpu.memory_space<vmem>> -> memref<1x1x64x512xf32, #tpu.memory_space<vmem>>
          %parallel_loop3A_1034 = tpu.memref_squeeze %parallel_loop3A_1033 : memref<1x1x64x512xf32, #tpu.memory_space<vmem>> -> memref<1x64x512xf32, #tpu.memory_space<vmem>>
          %parallel_loop3A_1035 = arith.index_cast %parallel_loop3A_1028 : i32 to index
          %parallel_loop3A_1036 = arith.index_cast %parallel_loop3A_1029 : i32 to index
          %parallel_loop3A_1037 = arith.index_cast %parallel_loop3A_400 : i32 to index
          %parallel_loop3A_1038 = tpu.vector_load %parallel_loop3A_1034[%parallel_loop3A_1035, %parallel_loop3A_1036, %parallel_loop3A_1037] {strides = array<i32>} : memref<1x64x512xf32, #tpu.memory_space<vmem>>, vector<16xf32>,
          tpu.vector_store %parallel_loop3A_1034[%parallel_loop3A_1035, %parallel_loop3A_1036, %parallel_loop3A_1037], %parallel_loop3A_1027 {strides = array<i32>} : memref<1x64x512xf32, #tpu.memory_space<vmem>>, vector<16xf32>,
          %parallel_loop3A_1039 = arith.constant 336 : i32
          %parallel_loop3A_1040 = vector.broadcast %parallel_loop3A_1039 : i32 to vector<16xi32>
          %parallel_loop3A_1041 = arith.addi %parallel_loop3A_408, %parallel_loop3A_1040 : vector<16xi32>
          %parallel_loop3A_1042 = tpu.vector_load_idx %arg5[%parallel_loop3A_1041] : memref<512xf32, #tpu.memory_space<vmem>>[vector<16xi32>], vector<16xf32>,
          %parallel_loop3A_1043 = arith.constant 0 : i32
          %parallel_loop3A_1044 = arith.constant 42 : i32
          %parallel_loop3A_1045 = arith.constant 0 : i32
          %parallel_loop3A_1046 = arith.constant 0 : i32
          %parallel_loop3A_1047 = arith.constant 0 : i32
          %parallel_loop3A_1048 = tpu.memref_slice %run_scoped3A_8[%rem3A_314, %parallel_loop3A_1045, %parallel_loop3A_1046, %parallel_loop3A_1047] : memref<2x1x64x512xf32, #tpu.memory_space<vmem>> -> memref<1x1x64x512xf32, #tpu.memory_space<vmem>>
          %parallel_loop3A_1049 = tpu.memref_squeeze %parallel_loop3A_1048 : memref<1x1x64x512xf32, #tpu.memory_space<vmem>> -> memref<1x64x512xf32, #tpu.memory_space<vmem>>
          %parallel_loop3A_1050 = arith.index_cast %parallel_loop3A_1043 : i32 to index
          %parallel_loop3A_1051 = arith.index_cast %parallel_loop3A_1044 : i32 to index
          %parallel_loop3A_1052 = arith.index_cast %parallel_loop3A_400 : i32 to index
          %parallel_loop3A_1053 = tpu.vector_load %parallel_loop3A_1049[%parallel_loop3A_1050, %parallel_loop3A_1051, %parallel_loop3A_1052] {strides = array<i32>} : memref<1x64x512xf32, #tpu.memory_space<vmem>>, vector<16xf32>,
          tpu.vector_store %parallel_loop3A_1049[%parallel_loop3A_1050, %parallel_loop3A_1051, %parallel_loop3A_1052], %parallel_loop3A_1042 {strides = array<i32>} : memref<1x64x512xf32, #tpu.memory_space<vmem>>, vector<16xf32>,
          %parallel_loop3A_1054 = arith.constant 344 : i32
          %parallel_loop3A_1055 = vector.broadcast %parallel_loop3A_1054 : i32 to vector<16xi32>
          %parallel_loop3A_1056 = arith.addi %parallel_loop3A_408, %parallel_loop3A_1055 : vector<16xi32>
          %parallel_loop3A_1057 = tpu.vector_load_idx %arg5[%parallel_loop3A_1056] : memref<512xf32, #tpu.memory_space<vmem>>[vector<16xi32>], vector<16xf32>,
          %parallel_loop3A_1058 = arith.constant 0 : i32
          %parallel_loop3A_1059 = arith.constant 43 : i32
          %parallel_loop3A_1060 = arith.constant 0 : i32
          %parallel_loop3A_1061 = arith.constant 0 : i32
          %parallel_loop3A_1062 = arith.constant 0 : i32
          %parallel_loop3A_1063 = tpu.memref_slice %run_scoped3A_8[%rem3A_314, %parallel_loop3A_1060, %parallel_loop3A_1061, %parallel_loop3A_1062] : memref<2x1x64x512xf32, #tpu.memory_space<vmem>> -> memref<1x1x64x512xf32, #tpu.memory_space<vmem>>
          %parallel_loop3A_1064 = tpu.memref_squeeze %parallel_loop3A_1063 : memref<1x1x64x512xf32, #tpu.memory_space<vmem>> -> memref<1x64x512xf32, #tpu.memory_space<vmem>>
          %parallel_loop3A_1065 = arith.index_cast %parallel_loop3A_1058 : i32 to index
          %parallel_loop3A_1066 = arith.index_cast %parallel_loop3A_1059 : i32 to index
          %parallel_loop3A_1067 = arith.index_cast %parallel_loop3A_400 : i32 to index
          %parallel_loop3A_1068 = tpu.vector_load %parallel_loop3A_1064[%parallel_loop3A_1065, %parallel_loop3A_1066, %parallel_loop3A_1067] {strides = array<i32>} : memref<1x64x512xf32, #tpu.memory_space<vmem>>, vector<16xf32>,
          tpu.vector_store %parallel_loop3A_1064[%parallel_loop3A_1065, %parallel_loop3A_1066, %parallel_loop3A_1067], %parallel_loop3A_1057 {strides = array<i32>} : memref<1x64x512xf32, #tpu.memory_space<vmem>>, vector<16xf32>,
          %parallel_loop3A_1069 = arith.constant 352 : i32
          %parallel_loop3A_1070 = vector.broadcast %parallel_loop3A_1069 : i32 to vector<16xi32>
          %parallel_loop3A_1071 = arith.addi %parallel_loop3A_408, %parallel_loop3A_1070 : vector<16xi32>
          %parallel_loop3A_1072 = tpu.vector_load_idx %arg5[%parallel_loop3A_1071] : memref<512xf32, #tpu.memory_space<vmem>>[vector<16xi32>], vector<16xf32>,
          %parallel_loop3A_1073 = arith.constant 0 : i32
          %parallel_loop3A_1074 = arith.constant 44 : i32
          %parallel_loop3A_1075 = arith.constant 0 : i32
          %parallel_loop3A_1076 = arith.constant 0 : i32
          %parallel_loop3A_1077 = arith.constant 0 : i32
          %parallel_loop3A_1078 = tpu.memref_slice %run_scoped3A_8[%rem3A_314, %parallel_loop3A_1075, %parallel_loop3A_1076, %parallel_loop3A_1077] : memref<2x1x64x512xf32, #tpu.memory_space<vmem>> -> memref<1x1x64x512xf32, #tpu.memory_space<vmem>>
          %parallel_loop3A_1079 = tpu.memref_squeeze %parallel_loop3A_1078 : memref<1x1x64x512xf32, #tpu.memory_space<vmem>> -> memref<1x64x512xf32, #tpu.memory_space<vmem>>
          %parallel_loop3A_1080 = arith.index_cast %parallel_loop3A_1073 : i32 to index
          %parallel_loop3A_1081 = arith.index_cast %parallel_loop3A_1074 : i32 to index
          %parallel_loop3A_1082 = arith.index_cast %parallel_loop3A_400 : i32 to index
          %parallel_loop3A_1083 = tpu.vector_load %parallel_loop3A_1079[%parallel_loop3A_1080, %parallel_loop3A_1081, %parallel_loop3A_1082] {strides = array<i32>} : memref<1x64x512xf32, #tpu.memory_space<vmem>>, vector<16xf32>,
          tpu.vector_store %parallel_loop3A_1079[%parallel_loop3A_1080, %parallel_loop3A_1081, %parallel_loop3A_1082], %parallel_loop3A_1072 {strides = array<i32>} : memref<1x64x512xf32, #tpu.memory_space<vmem>>, vector<16xf32>,
          %parallel_loop3A_1084 = arith.constant 360 : i32
          %parallel_loop3A_1085 = vector.broadcast %parallel_loop3A_1084 : i32 to vector<16xi32>
          %parallel_loop3A_1086 = arith.addi %parallel_loop3A_408, %parallel_loop3A_1085 : vector<16xi32>
          %parallel_loop3A_1087 = tpu.vector_load_idx %arg5[%parallel_loop3A_1086] : memref<512xf32, #tpu.memory_space<vmem>>[vector<16xi32>], vector<16xf32>,
          %parallel_loop3A_1088 = arith.constant 0 : i32
          %parallel_loop3A_1089 = arith.constant 45 : i32
          %parallel_loop3A_1090 = arith.constant 0 : i32
          %parallel_loop3A_1091 = arith.constant 0 : i32
          %parallel_loop3A_1092 = arith.constant 0 : i32
          %parallel_loop3A_1093 = tpu.memref_slice %run_scoped3A_8[%rem3A_314, %parallel_loop3A_1090, %parallel_loop3A_1091, %parallel_loop3A_1092] : memref<2x1x64x512xf32, #tpu.memory_space<vmem>> -> memref<1x1x64x512xf32, #tpu.memory_space<vmem>>
          %parallel_loop3A_1094 = tpu.memref_squeeze %parallel_loop3A_1093 : memref<1x1x64x512xf32, #tpu.memory_space<vmem>> -> memref<1x64x512xf32, #tpu.memory_space<vmem>>
          %parallel_loop3A_1095 = arith.index_cast %parallel_loop3A_1088 : i32 to index
          %parallel_loop3A_1096 = arith.index_cast %parallel_loop3A_1089 : i32 to index
          %parallel_loop3A_1097 = arith.index_cast %parallel_loop3A_400 : i32 to index
          %parallel_loop3A_1098 = tpu.vector_load %parallel_loop3A_1094[%parallel_loop3A_1095, %parallel_loop3A_1096, %parallel_loop3A_1097] {strides = array<i32>} : memref<1x64x512xf32, #tpu.memory_space<vmem>>, vector<16xf32>,
          tpu.vector_store %parallel_loop3A_1094[%parallel_loop3A_1095, %parallel_loop3A_1096, %parallel_loop3A_1097], %parallel_loop3A_1087 {strides = array<i32>} : memref<1x64x512xf32, #tpu.memory_space<vmem>>, vector<16xf32>,
          %parallel_loop3A_1099 = arith.constant 368 : i32
          %parallel_loop3A_1100 = vector.broadcast %parallel_loop3A_1099 : i32 to vector<16xi32>
          %parallel_loop3A_1101 = arith.addi %parallel_loop3A_408, %parallel_loop3A_1100 : vector<16xi32>
          %parallel_loop3A_1102 = tpu.vector_load_idx %arg5[%parallel_loop3A_1101] : memref<512xf32, #tpu.memory_space<vmem>>[vector<16xi32>], vector<16xf32>,
          %parallel_loop3A_1103 = arith.constant 0 : i32
          %parallel_loop3A_1104 = arith.constant 46 : i32
          %parallel_loop3A_1105 = arith.constant 0 : i32
          %parallel_loop3A_1106 = arith.constant 0 : i32
          %parallel_loop3A_1107 = arith.constant 0 : i32
          %parallel_loop3A_1108 = tpu.memref_slice %run_scoped3A_8[%rem3A_314, %parallel_loop3A_1105, %parallel_loop3A_1106, %parallel_loop3A_1107] : memref<2x1x64x512xf32, #tpu.memory_space<vmem>> -> memref<1x1x64x512xf32, #tpu.memory_space<vmem>>
          %parallel_loop3A_1109 = tpu.memref_squeeze %parallel_loop3A_1108 : memref<1x1x64x512xf32, #tpu.memory_space<vmem>> -> memref<1x64x512xf32, #tpu.memory_space<vmem>>
          %parallel_loop3A_1110 = arith.index_cast %parallel_loop3A_1103 : i32 to index
          %parallel_loop3A_1111 = arith.index_cast %parallel_loop3A_1104 : i32 to index
          %parallel_loop3A_1112 = arith.index_cast %parallel_loop3A_400 : i32 to index
          %parallel_loop3A_1113 = tpu.vector_load %parallel_loop3A_1109[%parallel_loop3A_1110, %parallel_loop3A_1111, %parallel_loop3A_1112] {strides = array<i32>} : memref<1x64x512xf32, #tpu.memory_space<vmem>>, vector<16xf32>,
          tpu.vector_store %parallel_loop3A_1109[%parallel_loop3A_1110, %parallel_loop3A_1111, %parallel_loop3A_1112], %parallel_loop3A_1102 {strides = array<i32>} : memref<1x64x512xf32, #tpu.memory_space<vmem>>, vector<16xf32>,
          %parallel_loop3A_1114 = arith.constant 376 : i32
          %parallel_loop3A_1115 = vector.broadcast %parallel_loop3A_1114 : i32 to vector<16xi32>
          %parallel_loop3A_1116 = arith.addi %parallel_loop3A_408, %parallel_loop3A_1115 : vector<16xi32>
          %parallel_loop3A_1117 = tpu.vector_load_idx %arg5[%parallel_loop3A_1116] : memref<512xf32, #tpu.memory_space<vmem>>[vector<16xi32>], vector<16xf32>,
          %parallel_loop3A_1118 = arith.constant 0 : i32
          %parallel_loop3A_1119 = arith.constant 47 : i32
          %parallel_loop3A_1120 = arith.constant 0 : i32
          %parallel_loop3A_1121 = arith.constant 0 : i32
          %parallel_loop3A_1122 = arith.constant 0 : i32
          %parallel_loop3A_1123 = tpu.memref_slice %run_scoped3A_8[%rem3A_314, %parallel_loop3A_1120, %parallel_loop3A_1121, %parallel_loop3A_1122] : memref<2x1x64x512xf32, #tpu.memory_space<vmem>> -> memref<1x1x64x512xf32, #tpu.memory_space<vmem>>
          %parallel_loop3A_1124 = tpu.memref_squeeze %parallel_loop3A_1123 : memref<1x1x64x512xf32, #tpu.memory_space<vmem>> -> memref<1x64x512xf32, #tpu.memory_space<vmem>>
          %parallel_loop3A_1125 = arith.index_cast %parallel_loop3A_1118 : i32 to index
          %parallel_loop3A_1126 = arith.index_cast %parallel_loop3A_1119 : i32 to index
          %parallel_loop3A_1127 = arith.index_cast %parallel_loop3A_400 : i32 to index
          %parallel_loop3A_1128 = tpu.vector_load %parallel_loop3A_1124[%parallel_loop3A_1125, %parallel_loop3A_1126, %parallel_loop3A_1127] {strides = array<i32>} : memref<1x64x512xf32, #tpu.memory_space<vmem>>, vector<16xf32>,
          tpu.vector_store %parallel_loop3A_1124[%parallel_loop3A_1125, %parallel_loop3A_1126, %parallel_loop3A_1127], %parallel_loop3A_1117 {strides = array<i32>} : memref<1x64x512xf32, #tpu.memory_space<vmem>>, vector<16xf32>,
          %parallel_loop3A_1129 = arith.constant 384 : i32
          %parallel_loop3A_1130 = vector.broadcast %parallel_loop3A_1129 : i32 to vector<16xi32>
          %parallel_loop3A_1131 = arith.addi %parallel_loop3A_408, %parallel_loop3A_1130 : vector<16xi32>
          %parallel_loop3A_1132 = tpu.vector_load_idx %arg5[%parallel_loop3A_1131] : memref<512xf32, #tpu.memory_space<vmem>>[vector<16xi32>], vector<16xf32>,
          %parallel_loop3A_1133 = arith.constant 0 : i32
          %parallel_loop3A_1134 = arith.constant 48 : i32
          %parallel_loop3A_1135 = arith.constant 0 : i32
          %parallel_loop3A_1136 = arith.constant 0 : i32
          %parallel_loop3A_1137 = arith.constant 0 : i32
          %parallel_loop3A_1138 = tpu.memref_slice %run_scoped3A_8[%rem3A_314, %parallel_loop3A_1135, %parallel_loop3A_1136, %parallel_loop3A_1137] : memref<2x1x64x512xf32, #tpu.memory_space<vmem>> -> memref<1x1x64x512xf32, #tpu.memory_space<vmem>>
          %parallel_loop3A_1139 = tpu.memref_squeeze %parallel_loop3A_1138 : memref<1x1x64x512xf32, #tpu.memory_space<vmem>> -> memref<1x64x512xf32, #tpu.memory_space<vmem>>
          %parallel_loop3A_1140 = arith.index_cast %parallel_loop3A_1133 : i32 to index
          %parallel_loop3A_1141 = arith.index_cast %parallel_loop3A_1134 : i32 to index
          %parallel_loop3A_1142 = arith.index_cast %parallel_loop3A_400 : i32 to index
          %parallel_loop3A_1143 = tpu.vector_load %parallel_loop3A_1139[%parallel_loop3A_1140, %parallel_loop3A_1141, %parallel_loop3A_1142] {strides = array<i32>} : memref<1x64x512xf32, #tpu.memory_space<vmem>>, vector<16xf32>,
          tpu.vector_store %parallel_loop3A_1139[%parallel_loop3A_1140, %parallel_loop3A_1141, %parallel_loop3A_1142], %parallel_loop3A_1132 {strides = array<i32>} : memref<1x64x512xf32, #tpu.memory_space<vmem>>, vector<16xf32>,
          %parallel_loop3A_1144 = arith.constant 392 : i32
          %parallel_loop3A_1145 = vector.broadcast %parallel_loop3A_1144 : i32 to vector<16xi32>
          %parallel_loop3A_1146 = arith.addi %parallel_loop3A_408, %parallel_loop3A_1145 : vector<16xi32>
          %parallel_loop3A_1147 = tpu.vector_load_idx %arg5[%parallel_loop3A_1146] : memref<512xf32, #tpu.memory_space<vmem>>[vector<16xi32>], vector<16xf32>,
          %parallel_loop3A_1148 = arith.constant 0 : i32
          %parallel_loop3A_1149 = arith.constant 49 : i32
          %parallel_loop3A_1150 = arith.constant 0 : i32
          %parallel_loop3A_1151 = arith.constant 0 : i32
          %parallel_loop3A_1152 = arith.constant 0 : i32
          %parallel_loop3A_1153 = tpu.memref_slice %run_scoped3A_8[%rem3A_314, %parallel_loop3A_1150, %parallel_loop3A_1151, %parallel_loop3A_1152] : memref<2x1x64x512xf32, #tpu.memory_space<vmem>> -> memref<1x1x64x512xf32, #tpu.memory_space<vmem>>
          %parallel_loop3A_1154 = tpu.memref_squeeze %parallel_loop3A_1153 : memref<1x1x64x512xf32, #tpu.memory_space<vmem>> -> memref<1x64x512xf32, #tpu.memory_space<vmem>>
          %parallel_loop3A_1155 = arith.index_cast %parallel_loop3A_1148 : i32 to index
          %parallel_loop3A_1156 = arith.index_cast %parallel_loop3A_1149 : i32 to index
          %parallel_loop3A_1157 = arith.index_cast %parallel_loop3A_400 : i32 to index
          %parallel_loop3A_1158 = tpu.vector_load %parallel_loop3A_1154[%parallel_loop3A_1155, %parallel_loop3A_1156, %parallel_loop3A_1157] {strides = array<i32>} : memref<1x64x512xf32, #tpu.memory_space<vmem>>, vector<16xf32>,
          tpu.vector_store %parallel_loop3A_1154[%parallel_loop3A_1155, %parallel_loop3A_1156, %parallel_loop3A_1157], %parallel_loop3A_1147 {strides = array<i32>} : memref<1x64x512xf32, #tpu.memory_space<vmem>>, vector<16xf32>,
          %parallel_loop3A_1159 = arith.constant 400 : i32
          %parallel_loop3A_1160 = vector.broadcast %parallel_loop3A_1159 : i32 to vector<16xi32>
          %parallel_loop3A_1161 = arith.addi %parallel_loop3A_408, %parallel_loop3A_1160 : vector<16xi32>
          %parallel_loop3A_1162 = tpu.vector_load_idx %arg5[%parallel_loop3A_1161] : memref<512xf32, #tpu.memory_space<vmem>>[vector<16xi32>], vector<16xf32>,
          %parallel_loop3A_1163 = arith.constant 0 : i32
          %parallel_loop3A_1164 = arith.constant 50 : i32
          %parallel_loop3A_1165 = arith.constant 0 : i32
          %parallel_loop3A_1166 = arith.constant 0 : i32
          %parallel_loop3A_1167 = arith.constant 0 : i32
          %parallel_loop3A_1168 = tpu.memref_slice %run_scoped3A_8[%rem3A_314, %parallel_loop3A_1165, %parallel_loop3A_1166, %parallel_loop3A_1167] : memref<2x1x64x512xf32, #tpu.memory_space<vmem>> -> memref<1x1x64x512xf32, #tpu.memory_space<vmem>>
          %parallel_loop3A_1169 = tpu.memref_squeeze %parallel_loop3A_1168 : memref<1x1x64x512xf32, #tpu.memory_space<vmem>> -> memref<1x64x512xf32, #tpu.memory_space<vmem>>
          %parallel_loop3A_1170 = arith.index_cast %parallel_loop3A_1163 : i32 to index
          %parallel_loop3A_1171 = arith.index_cast %parallel_loop3A_1164 : i32 to index
          %parallel_loop3A_1172 = arith.index_cast %parallel_loop3A_400 : i32 to index
          %parallel_loop3A_1173 = tpu.vector_load %parallel_loop3A_1169[%parallel_loop3A_1170, %parallel_loop3A_1171, %parallel_loop3A_1172] {strides = array<i32>} : memref<1x64x512xf32, #tpu.memory_space<vmem>>, vector<16xf32>,
          tpu.vector_store %parallel_loop3A_1169[%parallel_loop3A_1170, %parallel_loop3A_1171, %parallel_loop3A_1172], %parallel_loop3A_1162 {strides = array<i32>} : memref<1x64x512xf32, #tpu.memory_space<vmem>>, vector<16xf32>,
          %parallel_loop3A_1174 = arith.constant 408 : i32
          %parallel_loop3A_1175 = vector.broadcast %parallel_loop3A_1174 : i32 to vector<16xi32>
          %parallel_loop3A_1176 = arith.addi %parallel_loop3A_408, %parallel_loop3A_1175 : vector<16xi32>
          %parallel_loop3A_1177 = tpu.vector_load_idx %arg5[%parallel_loop3A_1176] : memref<512xf32, #tpu.memory_space<vmem>>[vector<16xi32>], vector<16xf32>,
          %parallel_loop3A_1178 = arith.constant 0 : i32
          %parallel_loop3A_1179 = arith.constant 51 : i32
          %parallel_loop3A_1180 = arith.constant 0 : i32
          %parallel_loop3A_1181 = arith.constant 0 : i32
          %parallel_loop3A_1182 = arith.constant 0 : i32
          %parallel_loop3A_1183 = tpu.memref_slice %run_scoped3A_8[%rem3A_314, %parallel_loop3A_1180, %parallel_loop3A_1181, %parallel_loop3A_1182] : memref<2x1x64x512xf32, #tpu.memory_space<vmem>> -> memref<1x1x64x512xf32, #tpu.memory_space<vmem>>
          %parallel_loop3A_1184 = tpu.memref_squeeze %parallel_loop3A_1183 : memref<1x1x64x512xf32, #tpu.memory_space<vmem>> -> memref<1x64x512xf32, #tpu.memory_space<vmem>>
          %parallel_loop3A_1185 = arith.index_cast %parallel_loop3A_1178 : i32 to index
          %parallel_loop3A_1186 = arith.index_cast %parallel_loop3A_1179 : i32 to index
          %parallel_loop3A_1187 = arith.index_cast %parallel_loop3A_400 : i32 to index
          %parallel_loop3A_1188 = tpu.vector_load %parallel_loop3A_1184[%parallel_loop3A_1185, %parallel_loop3A_1186, %parallel_loop3A_1187] {strides = array<i32>} : memref<1x64x512xf32, #tpu.memory_space<vmem>>, vector<16xf32>,
          tpu.vector_store %parallel_loop3A_1184[%parallel_loop3A_1185, %parallel_loop3A_1186, %parallel_loop3A_1187], %parallel_loop3A_1177 {strides = array<i32>} : memref<1x64x512xf32, #tpu.memory_space<vmem>>, vector<16xf32>,
          %parallel_loop3A_1189 = arith.constant 416 : i32
          %parallel_loop3A_1190 = vector.broadcast %parallel_loop3A_1189 : i32 to vector<16xi32>
          %parallel_loop3A_1191 = arith.addi %parallel_loop3A_408, %parallel_loop3A_1190 : vector<16xi32>
          %parallel_loop3A_1192 = tpu.vector_load_idx %arg5[%parallel_loop3A_1191] : memref<512xf32, #tpu.memory_space<vmem>>[vector<16xi32>], vector<16xf32>,
          %parallel_loop3A_1193 = arith.constant 0 : i32
          %parallel_loop3A_1194 = arith.constant 52 : i32
          %parallel_loop3A_1195 = arith.constant 0 : i32
          %parallel_loop3A_1196 = arith.constant 0 : i32
          %parallel_loop3A_1197 = arith.constant 0 : i32
          %parallel_loop3A_1198 = tpu.memref_slice %run_scoped3A_8[%rem3A_314, %parallel_loop3A_1195, %parallel_loop3A_1196, %parallel_loop3A_1197] : memref<2x1x64x512xf32, #tpu.memory_space<vmem>> -> memref<1x1x64x512xf32, #tpu.memory_space<vmem>>
          %parallel_loop3A_1199 = tpu.memref_squeeze %parallel_loop3A_1198 : memref<1x1x64x512xf32, #tpu.memory_space<vmem>> -> memref<1x64x512xf32, #tpu.memory_space<vmem>>
          %parallel_loop3A_1200 = arith.index_cast %parallel_loop3A_1193 : i32 to index
          %parallel_loop3A_1201 = arith.index_cast %parallel_loop3A_1194 : i32 to index
          %parallel_loop3A_1202 = arith.index_cast %parallel_loop3A_400 : i32 to index
          %parallel_loop3A_1203 = tpu.vector_load %parallel_loop3A_1199[%parallel_loop3A_1200, %parallel_loop3A_1201, %parallel_loop3A_1202] {strides = array<i32>} : memref<1x64x512xf32, #tpu.memory_space<vmem>>, vector<16xf32>,
          tpu.vector_store %parallel_loop3A_1199[%parallel_loop3A_1200, %parallel_loop3A_1201, %parallel_loop3A_1202], %parallel_loop3A_1192 {strides = array<i32>} : memref<1x64x512xf32, #tpu.memory_space<vmem>>, vector<16xf32>,
          %parallel_loop3A_1204 = arith.constant 424 : i32
          %parallel_loop3A_1205 = vector.broadcast %parallel_loop3A_1204 : i32 to vector<16xi32>
          %parallel_loop3A_1206 = arith.addi %parallel_loop3A_408, %parallel_loop3A_1205 : vector<16xi32>
          %parallel_loop3A_1207 = tpu.vector_load_idx %arg5[%parallel_loop3A_1206] : memref<512xf32, #tpu.memory_space<vmem>>[vector<16xi32>], vector<16xf32>,
          %parallel_loop3A_1208 = arith.constant 0 : i32
          %parallel_loop3A_1209 = arith.constant 53 : i32
          %parallel_loop3A_1210 = arith.constant 0 : i32
          %parallel_loop3A_1211 = arith.constant 0 : i32
          %parallel_loop3A_1212 = arith.constant 0 : i32
          %parallel_loop3A_1213 = tpu.memref_slice %run_scoped3A_8[%rem3A_314, %parallel_loop3A_1210, %parallel_loop3A_1211, %parallel_loop3A_1212] : memref<2x1x64x512xf32, #tpu.memory_space<vmem>> -> memref<1x1x64x512xf32, #tpu.memory_space<vmem>>
          %parallel_loop3A_1214 = tpu.memref_squeeze %parallel_loop3A_1213 : memref<1x1x64x512xf32, #tpu.memory_space<vmem>> -> memref<1x64x512xf32, #tpu.memory_space<vmem>>
          %parallel_loop3A_1215 = arith.index_cast %parallel_loop3A_1208 : i32 to index
          %parallel_loop3A_1216 = arith.index_cast %parallel_loop3A_1209 : i32 to index
          %parallel_loop3A_1217 = arith.index_cast %parallel_loop3A_400 : i32 to index
          %parallel_loop3A_1218 = tpu.vector_load %parallel_loop3A_1214[%parallel_loop3A_1215, %parallel_loop3A_1216, %parallel_loop3A_1217] {strides = array<i32>} : memref<1x64x512xf32, #tpu.memory_space<vmem>>, vector<16xf32>,
          tpu.vector_store %parallel_loop3A_1214[%parallel_loop3A_1215, %parallel_loop3A_1216, %parallel_loop3A_1217], %parallel_loop3A_1207 {strides = array<i32>} : memref<1x64x512xf32, #tpu.memory_space<vmem>>, vector<16xf32>,
          %parallel_loop3A_1219 = arith.constant 432 : i32
          %parallel_loop3A_1220 = vector.broadcast %parallel_loop3A_1219 : i32 to vector<16xi32>
          %parallel_loop3A_1221 = arith.addi %parallel_loop3A_408, %parallel_loop3A_1220 : vector<16xi32>
          %parallel_loop3A_1222 = tpu.vector_load_idx %arg5[%parallel_loop3A_1221] : memref<512xf32, #tpu.memory_space<vmem>>[vector<16xi32>], vector<16xf32>,
          %parallel_loop3A_1223 = arith.constant 0 : i32
          %parallel_loop3A_1224 = arith.constant 54 : i32
          %parallel_loop3A_1225 = arith.constant 0 : i32
          %parallel_loop3A_1226 = arith.constant 0 : i32
          %parallel_loop3A_1227 = arith.constant 0 : i32
          %parallel_loop3A_1228 = tpu.memref_slice %run_scoped3A_8[%rem3A_314, %parallel_loop3A_1225, %parallel_loop3A_1226, %parallel_loop3A_1227] : memref<2x1x64x512xf32, #tpu.memory_space<vmem>> -> memref<1x1x64x512xf32, #tpu.memory_space<vmem>>
          %parallel_loop3A_1229 = tpu.memref_squeeze %parallel_loop3A_1228 : memref<1x1x64x512xf32, #tpu.memory_space<vmem>> -> memref<1x64x512xf32, #tpu.memory_space<vmem>>
          %parallel_loop3A_1230 = arith.index_cast %parallel_loop3A_1223 : i32 to index
          %parallel_loop3A_1231 = arith.index_cast %parallel_loop3A_1224 : i32 to index
          %parallel_loop3A_1232 = arith.index_cast %parallel_loop3A_400 : i32 to index
          %parallel_loop3A_1233 = tpu.vector_load %parallel_loop3A_1229[%parallel_loop3A_1230, %parallel_loop3A_1231, %parallel_loop3A_1232] {strides = array<i32>} : memref<1x64x512xf32, #tpu.memory_space<vmem>>, vector<16xf32>,
          tpu.vector_store %parallel_loop3A_1229[%parallel_loop3A_1230, %parallel_loop3A_1231, %parallel_loop3A_1232], %parallel_loop3A_1222 {strides = array<i32>} : memref<1x64x512xf32, #tpu.memory_space<vmem>>, vector<16xf32>,
          %parallel_loop3A_1234 = arith.constant 440 : i32
          %parallel_loop3A_1235 = vector.broadcast %parallel_loop3A_1234 : i32 to vector<16xi32>
          %parallel_loop3A_1236 = arith.addi %parallel_loop3A_408, %parallel_loop3A_1235 : vector<16xi32>
          %parallel_loop3A_1237 = tpu.vector_load_idx %arg5[%parallel_loop3A_1236] : memref<512xf32, #tpu.memory_space<vmem>>[vector<16xi32>], vector<16xf32>,
          %parallel_loop3A_1238 = arith.constant 0 : i32
          %parallel_loop3A_1239 = arith.constant 55 : i32
          %parallel_loop3A_1240 = arith.constant 0 : i32
          %parallel_loop3A_1241 = arith.constant 0 : i32
          %parallel_loop3A_1242 = arith.constant 0 : i32
          %parallel_loop3A_1243 = tpu.memref_slice %run_scoped3A_8[%rem3A_314, %parallel_loop3A_1240, %parallel_loop3A_1241, %parallel_loop3A_1242] : memref<2x1x64x512xf32, #tpu.memory_space<vmem>> -> memref<1x1x64x512xf32, #tpu.memory_space<vmem>>
          %parallel_loop3A_1244 = tpu.memref_squeeze %parallel_loop3A_1243 : memref<1x1x64x512xf32, #tpu.memory_space<vmem>> -> memref<1x64x512xf32, #tpu.memory_space<vmem>>
          %parallel_loop3A_1245 = arith.index_cast %parallel_loop3A_1238 : i32 to index
          %parallel_loop3A_1246 = arith.index_cast %parallel_loop3A_1239 : i32 to index
          %parallel_loop3A_1247 = arith.index_cast %parallel_loop3A_400 : i32 to index
          %parallel_loop3A_1248 = tpu.vector_load %parallel_loop3A_1244[%parallel_loop3A_1245, %parallel_loop3A_1246, %parallel_loop3A_1247] {strides = array<i32>} : memref<1x64x512xf32, #tpu.memory_space<vmem>>, vector<16xf32>,
          tpu.vector_store %parallel_loop3A_1244[%parallel_loop3A_1245, %parallel_loop3A_1246, %parallel_loop3A_1247], %parallel_loop3A_1237 {strides = array<i32>} : memref<1x64x512xf32, #tpu.memory_space<vmem>>, vector<16xf32>,
          %parallel_loop3A_1249 = arith.constant 448 : i32
          %parallel_loop3A_1250 = vector.broadcast %parallel_loop3A_1249 : i32 to vector<16xi32>
          %parallel_loop3A_1251 = arith.addi %parallel_loop3A_408, %parallel_loop3A_1250 : vector<16xi32>
          %parallel_loop3A_1252 = tpu.vector_load_idx %arg5[%parallel_loop3A_1251] : memref<512xf32, #tpu.memory_space<vmem>>[vector<16xi32>], vector<16xf32>,
          %parallel_loop3A_1253 = arith.constant 0 : i32
          %parallel_loop3A_1254 = arith.constant 56 : i32
          %parallel_loop3A_1255 = arith.constant 0 : i32
          %parallel_loop3A_1256 = arith.constant 0 : i32
          %parallel_loop3A_1257 = arith.constant 0 : i32
          %parallel_loop3A_1258 = tpu.memref_slice %run_scoped3A_8[%rem3A_314, %parallel_loop3A_1255, %parallel_loop3A_1256, %parallel_loop3A_1257] : memref<2x1x64x512xf32, #tpu.memory_space<vmem>> -> memref<1x1x64x512xf32, #tpu.memory_space<vmem>>
          %parallel_loop3A_1259 = tpu.memref_squeeze %parallel_loop3A_1258 : memref<1x1x64x512xf32, #tpu.memory_space<vmem>> -> memref<1x64x512xf32, #tpu.memory_space<vmem>>
          %parallel_loop3A_1260 = arith.index_cast %parallel_loop3A_1253 : i32 to index
          %parallel_loop3A_1261 = arith.index_cast %parallel_loop3A_1254 : i32 to index
          %parallel_loop3A_1262 = arith.index_cast %parallel_loop3A_400 : i32 to index
          %parallel_loop3A_1263 = tpu.vector_load %parallel_loop3A_1259[%parallel_loop3A_1260, %parallel_loop3A_1261, %parallel_loop3A_1262] {strides = array<i32>} : memref<1x64x512xf32, #tpu.memory_space<vmem>>, vector<16xf32>,
          tpu.vector_store %parallel_loop3A_1259[%parallel_loop3A_1260, %parallel_loop3A_1261, %parallel_loop3A_1262], %parallel_loop3A_1252 {strides = array<i32>} : memref<1x64x512xf32, #tpu.memory_space<vmem>>, vector<16xf32>,
          %parallel_loop3A_1264 = arith.constant 456 : i32
          %parallel_loop3A_1265 = vector.broadcast %parallel_loop3A_1264 : i32 to vector<16xi32>
          %parallel_loop3A_1266 = arith.addi %parallel_loop3A_408, %parallel_loop3A_1265 : vector<16xi32>
          %parallel_loop3A_1267 = tpu.vector_load_idx %arg5[%parallel_loop3A_1266] : memref<512xf32, #tpu.memory_space<vmem>>[vector<16xi32>], vector<16xf32>,
          %parallel_loop3A_1268 = arith.constant 0 : i32
          %parallel_loop3A_1269 = arith.constant 57 : i32
          %parallel_loop3A_1270 = arith.constant 0 : i32
          %parallel_loop3A_1271 = arith.constant 0 : i32
          %parallel_loop3A_1272 = arith.constant 0 : i32
          %parallel_loop3A_1273 = tpu.memref_slice %run_scoped3A_8[%rem3A_314, %parallel_loop3A_1270, %parallel_loop3A_1271, %parallel_loop3A_1272] : memref<2x1x64x512xf32, #tpu.memory_space<vmem>> -> memref<1x1x64x512xf32, #tpu.memory_space<vmem>>
          %parallel_loop3A_1274 = tpu.memref_squeeze %parallel_loop3A_1273 : memref<1x1x64x512xf32, #tpu.memory_space<vmem>> -> memref<1x64x512xf32, #tpu.memory_space<vmem>>
          %parallel_loop3A_1275 = arith.index_cast %parallel_loop3A_1268 : i32 to index
          %parallel_loop3A_1276 = arith.index_cast %parallel_loop3A_1269 : i32 to index
          %parallel_loop3A_1277 = arith.index_cast %parallel_loop3A_400 : i32 to index
          %parallel_loop3A_1278 = tpu.vector_load %parallel_loop3A_1274[%parallel_loop3A_1275, %parallel_loop3A_1276, %parallel_loop3A_1277] {strides = array<i32>} : memref<1x64x512xf32, #tpu.memory_space<vmem>>, vector<16xf32>,
          tpu.vector_store %parallel_loop3A_1274[%parallel_loop3A_1275, %parallel_loop3A_1276, %parallel_loop3A_1277], %parallel_loop3A_1267 {strides = array<i32>} : memref<1x64x512xf32, #tpu.memory_space<vmem>>, vector<16xf32>,
          %parallel_loop3A_1279 = arith.constant 464 : i32
          %parallel_loop3A_1280 = vector.broadcast %parallel_loop3A_1279 : i32 to vector<16xi32>
          %parallel_loop3A_1281 = arith.addi %parallel_loop3A_408, %parallel_loop3A_1280 : vector<16xi32>
          %parallel_loop3A_1282 = tpu.vector_load_idx %arg5[%parallel_loop3A_1281] : memref<512xf32, #tpu.memory_space<vmem>>[vector<16xi32>], vector<16xf32>,
          %parallel_loop3A_1283 = arith.constant 0 : i32
          %parallel_loop3A_1284 = arith.constant 58 : i32
          %parallel_loop3A_1285 = arith.constant 0 : i32
          %parallel_loop3A_1286 = arith.constant 0 : i32
          %parallel_loop3A_1287 = arith.constant 0 : i32
          %parallel_loop3A_1288 = tpu.memref_slice %run_scoped3A_8[%rem3A_314, %parallel_loop3A_1285, %parallel_loop3A_1286, %parallel_loop3A_1287] : memref<2x1x64x512xf32, #tpu.memory_space<vmem>> -> memref<1x1x64x512xf32, #tpu.memory_space<vmem>>
          %parallel_loop3A_1289 = tpu.memref_squeeze %parallel_loop3A_1288 : memref<1x1x64x512xf32, #tpu.memory_space<vmem>> -> memref<1x64x512xf32, #tpu.memory_space<vmem>>
          %parallel_loop3A_1290 = arith.index_cast %parallel_loop3A_1283 : i32 to index
          %parallel_loop3A_1291 = arith.index_cast %parallel_loop3A_1284 : i32 to index
          %parallel_loop3A_1292 = arith.index_cast %parallel_loop3A_400 : i32 to index
          %parallel_loop3A_1293 = tpu.vector_load %parallel_loop3A_1289[%parallel_loop3A_1290, %parallel_loop3A_1291, %parallel_loop3A_1292] {strides = array<i32>} : memref<1x64x512xf32, #tpu.memory_space<vmem>>, vector<16xf32>,
          tpu.vector_store %parallel_loop3A_1289[%parallel_loop3A_1290, %parallel_loop3A_1291, %parallel_loop3A_1292], %parallel_loop3A_1282 {strides = array<i32>} : memref<1x64x512xf32, #tpu.memory_space<vmem>>, vector<16xf32>,
          %parallel_loop3A_1294 = arith.constant 472 : i32
          %parallel_loop3A_1295 = vector.broadcast %parallel_loop3A_1294 : i32 to vector<16xi32>
          %parallel_loop3A_1296 = arith.addi %parallel_loop3A_408, %parallel_loop3A_1295 : vector<16xi32>
          %parallel_loop3A_1297 = tpu.vector_load_idx %arg5[%parallel_loop3A_1296] : memref<512xf32, #tpu.memory_space<vmem>>[vector<16xi32>], vector<16xf32>,
          %parallel_loop3A_1298 = arith.constant 0 : i32
          %parallel_loop3A_1299 = arith.constant 59 : i32
          %parallel_loop3A_1300 = arith.constant 0 : i32
          %parallel_loop3A_1301 = arith.constant 0 : i32
          %parallel_loop3A_1302 = arith.constant 0 : i32
          %parallel_loop3A_1303 = tpu.memref_slice %run_scoped3A_8[%rem3A_314, %parallel_loop3A_1300, %parallel_loop3A_1301, %parallel_loop3A_1302] : memref<2x1x64x512xf32, #tpu.memory_space<vmem>> -> memref<1x1x64x512xf32, #tpu.memory_space<vmem>>
          %parallel_loop3A_1304 = tpu.memref_squeeze %parallel_loop3A_1303 : memref<1x1x64x512xf32, #tpu.memory_space<vmem>> -> memref<1x64x512xf32, #tpu.memory_space<vmem>>
          %parallel_loop3A_1305 = arith.index_cast %parallel_loop3A_1298 : i32 to index
          %parallel_loop3A_1306 = arith.index_cast %parallel_loop3A_1299 : i32 to index
          %parallel_loop3A_1307 = arith.index_cast %parallel_loop3A_400 : i32 to index
          %parallel_loop3A_1308 = tpu.vector_load %parallel_loop3A_1304[%parallel_loop3A_1305, %parallel_loop3A_1306, %parallel_loop3A_1307] {strides = array<i32>} : memref<1x64x512xf32, #tpu.memory_space<vmem>>, vector<16xf32>,
          tpu.vector_store %parallel_loop3A_1304[%parallel_loop3A_1305, %parallel_loop3A_1306, %parallel_loop3A_1307], %parallel_loop3A_1297 {strides = array<i32>} : memref<1x64x512xf32, #tpu.memory_space<vmem>>, vector<16xf32>,
          %parallel_loop3A_1309 = arith.constant 480 : i32
          %parallel_loop3A_1310 = vector.broadcast %parallel_loop3A_1309 : i32 to vector<16xi32>
          %parallel_loop3A_1311 = arith.addi %parallel_loop3A_408, %parallel_loop3A_1310 : vector<16xi32>
          %parallel_loop3A_1312 = tpu.vector_load_idx %arg5[%parallel_loop3A_1311] : memref<512xf32, #tpu.memory_space<vmem>>[vector<16xi32>], vector<16xf32>,
          %parallel_loop3A_1313 = arith.constant 0 : i32
          %parallel_loop3A_1314 = arith.constant 60 : i32
          %parallel_loop3A_1315 = arith.constant 0 : i32
          %parallel_loop3A_1316 = arith.constant 0 : i32
          %parallel_loop3A_1317 = arith.constant 0 : i32
          %parallel_loop3A_1318 = tpu.memref_slice %run_scoped3A_8[%rem3A_314, %parallel_loop3A_1315, %parallel_loop3A_1316, %parallel_loop3A_1317] : memref<2x1x64x512xf32, #tpu.memory_space<vmem>> -> memref<1x1x64x512xf32, #tpu.memory_space<vmem>>
          %parallel_loop3A_1319 = tpu.memref_squeeze %parallel_loop3A_1318 : memref<1x1x64x512xf32, #tpu.memory_space<vmem>> -> memref<1x64x512xf32, #tpu.memory_space<vmem>>
          %parallel_loop3A_1320 = arith.index_cast %parallel_loop3A_1313 : i32 to index
          %parallel_loop3A_1321 = arith.index_cast %parallel_loop3A_1314 : i32 to index
          %parallel_loop3A_1322 = arith.index_cast %parallel_loop3A_400 : i32 to index
          %parallel_loop3A_1323 = tpu.vector_load %parallel_loop3A_1319[%parallel_loop3A_1320, %parallel_loop3A_1321, %parallel_loop3A_1322] {strides = array<i32>} : memref<1x64x512xf32, #tpu.memory_space<vmem>>, vector<16xf32>,
          tpu.vector_store %parallel_loop3A_1319[%parallel_loop3A_1320, %parallel_loop3A_1321, %parallel_loop3A_1322], %parallel_loop3A_1312 {strides = array<i32>} : memref<1x64x512xf32, #tpu.memory_space<vmem>>, vector<16xf32>,
          %parallel_loop3A_1324 = arith.constant 488 : i32
          %parallel_loop3A_1325 = vector.broadcast %parallel_loop3A_1324 : i32 to vector<16xi32>
          %parallel_loop3A_1326 = arith.addi %parallel_loop3A_408, %parallel_loop3A_1325 : vector<16xi32>
          %parallel_loop3A_1327 = tpu.vector_load_idx %arg5[%parallel_loop3A_1326] : memref<512xf32, #tpu.memory_space<vmem>>[vector<16xi32>], vector<16xf32>,
          %parallel_loop3A_1328 = arith.constant 0 : i32
          %parallel_loop3A_1329 = arith.constant 61 : i32
          %parallel_loop3A_1330 = arith.constant 0 : i32
          %parallel_loop3A_1331 = arith.constant 0 : i32
          %parallel_loop3A_1332 = arith.constant 0 : i32
          %parallel_loop3A_1333 = tpu.memref_slice %run_scoped3A_8[%rem3A_314, %parallel_loop3A_1330, %parallel_loop3A_1331, %parallel_loop3A_1332] : memref<2x1x64x512xf32, #tpu.memory_space<vmem>> -> memref<1x1x64x512xf32, #tpu.memory_space<vmem>>
          %parallel_loop3A_1334 = tpu.memref_squeeze %parallel_loop3A_1333 : memref<1x1x64x512xf32, #tpu.memory_space<vmem>> -> memref<1x64x512xf32, #tpu.memory_space<vmem>>
          %parallel_loop3A_1335 = arith.index_cast %parallel_loop3A_1328 : i32 to index
          %parallel_loop3A_1336 = arith.index_cast %parallel_loop3A_1329 : i32 to index
          %parallel_loop3A_1337 = arith.index_cast %parallel_loop3A_400 : i32 to index
          %parallel_loop3A_1338 = tpu.vector_load %parallel_loop3A_1334[%parallel_loop3A_1335, %parallel_loop3A_1336, %parallel_loop3A_1337] {strides = array<i32>} : memref<1x64x512xf32, #tpu.memory_space<vmem>>, vector<16xf32>,
          tpu.vector_store %parallel_loop3A_1334[%parallel_loop3A_1335, %parallel_loop3A_1336, %parallel_loop3A_1337], %parallel_loop3A_1327 {strides = array<i32>} : memref<1x64x512xf32, #tpu.memory_space<vmem>>, vector<16xf32>,
          %parallel_loop3A_1339 = arith.constant 496 : i32
          %parallel_loop3A_1340 = vector.broadcast %parallel_loop3A_1339 : i32 to vector<16xi32>
          %parallel_loop3A_1341 = arith.addi %parallel_loop3A_408, %parallel_loop3A_1340 : vector<16xi32>
          %parallel_loop3A_1342 = tpu.vector_load_idx %arg5[%parallel_loop3A_1341] : memref<512xf32, #tpu.memory_space<vmem>>[vector<16xi32>], vector<16xf32>,
          %parallel_loop3A_1343 = arith.constant 0 : i32
          %parallel_loop3A_1344 = arith.constant 62 : i32
          %parallel_loop3A_1345 = arith.constant 0 : i32
          %parallel_loop3A_1346 = arith.constant 0 : i32
          %parallel_loop3A_1347 = arith.constant 0 : i32
          %parallel_loop3A_1348 = tpu.memref_slice %run_scoped3A_8[%rem3A_314, %parallel_loop3A_1345, %parallel_loop3A_1346, %parallel_loop3A_1347] : memref<2x1x64x512xf32, #tpu.memory_space<vmem>> -> memref<1x1x64x512xf32, #tpu.memory_space<vmem>>
          %parallel_loop3A_1349 = tpu.memref_squeeze %parallel_loop3A_1348 : memref<1x1x64x512xf32, #tpu.memory_space<vmem>> -> memref<1x64x512xf32, #tpu.memory_space<vmem>>
          %parallel_loop3A_1350 = arith.index_cast %parallel_loop3A_1343 : i32 to index
          %parallel_loop3A_1351 = arith.index_cast %parallel_loop3A_1344 : i32 to index
          %parallel_loop3A_1352 = arith.index_cast %parallel_loop3A_400 : i32 to index
          %parallel_loop3A_1353 = tpu.vector_load %parallel_loop3A_1349[%parallel_loop3A_1350, %parallel_loop3A_1351, %parallel_loop3A_1352] {strides = array<i32>} : memref<1x64x512xf32, #tpu.memory_space<vmem>>, vector<16xf32>,
          tpu.vector_store %parallel_loop3A_1349[%parallel_loop3A_1350, %parallel_loop3A_1351, %parallel_loop3A_1352], %parallel_loop3A_1342 {strides = array<i32>} : memref<1x64x512xf32, #tpu.memory_space<vmem>>, vector<16xf32>,
          %parallel_loop3A_1354 = arith.constant 504 : i32
          %parallel_loop3A_1355 = vector.broadcast %parallel_loop3A_1354 : i32 to vector<16xi32>
          %parallel_loop3A_1356 = arith.addi %parallel_loop3A_408, %parallel_loop3A_1355 : vector<16xi32>
          %parallel_loop3A_1357 = tpu.vector_load_idx %arg5[%parallel_loop3A_1356] : memref<512xf32, #tpu.memory_space<vmem>>[vector<16xi32>], vector<16xf32>,
          %parallel_loop3A_1358 = arith.constant 0 : i32
          %parallel_loop3A_1359 = arith.constant 63 : i32
          %parallel_loop3A_1360 = arith.constant 0 : i32
          %parallel_loop3A_1361 = arith.constant 0 : i32
          %parallel_loop3A_1362 = arith.constant 0 : i32
          %parallel_loop3A_1363 = tpu.memref_slice %run_scoped3A_8[%rem3A_314, %parallel_loop3A_1360, %parallel_loop3A_1361, %parallel_loop3A_1362] : memref<2x1x64x512xf32, #tpu.memory_space<vmem>> -> memref<1x1x64x512xf32, #tpu.memory_space<vmem>>
          %parallel_loop3A_1364 = tpu.memref_squeeze %parallel_loop3A_1363 : memref<1x1x64x512xf32, #tpu.memory_space<vmem>> -> memref<1x64x512xf32, #tpu.memory_space<vmem>>
          %parallel_loop3A_1365 = arith.index_cast %parallel_loop3A_1358 : i32 to index
          %parallel_loop3A_1366 = arith.index_cast %parallel_loop3A_1359 : i32 to index
          %parallel_loop3A_1367 = arith.index_cast %parallel_loop3A_400 : i32 to index
          %parallel_loop3A_1368 = tpu.vector_load %parallel_loop3A_1364[%parallel_loop3A_1365, %parallel_loop3A_1366, %parallel_loop3A_1367] {strides = array<i32>} : memref<1x64x512xf32, #tpu.memory_space<vmem>>, vector<16xf32>,
          tpu.vector_store %parallel_loop3A_1364[%parallel_loop3A_1365, %parallel_loop3A_1366, %parallel_loop3A_1367], %parallel_loop3A_1357 {strides = array<i32>} : memref<1x64x512xf32, #tpu.memory_space<vmem>>, vector<16xf32>,
        } {sc.loop_unroll_factor = 1 : i64, sc.parallel_access}
        "tpu.trace_stop"() : () -> ()
        %ne3A_317 = arith.cmpi ne, %add3A_208, %add3A_246 : i32
        %ne3A_318 = arith.cmpi ne, %add3A_210, %add3A_248 : i32
        %or3A_319 = arith.constant false
        %or3A_320 = arith.ori %or3A_319, %ne3A_317 : i1
        %or3A_321 = arith.ori %or3A_320, %ne3A_318 : i1
        %or3A_322 = arith.ori %or3A_321, %eq3A_206 : i1
        %convert_element_type3A_323 = arith.extui %or3A_322 : i1 to i32
        %cond3A_324 = arith.constant 0 : i32
        %cond3A_325 = arith.cmpi ne, %convert_element_type3A_323, %cond3A_324 : i32
        scf.if %cond3A_325 {
        } else {
        }
        %and3A_326 = arith.constant false
        %and3A_327 = arith.andi %or3A_322, %and3A_326 : i1
        %ne3A_328 = arith.cmpi ne, %add3A_208, %add3A_246 : i32
        %ne3A_329 = arith.cmpi ne, %add3A_210, %add3A_248 : i32
        %or3A_330 = arith.constant false
        %or3A_331 = arith.ori %or3A_330, %ne3A_328 : i1
        %or3A_332 = arith.constant false
        %or3A_333 = arith.ori %or3A_331, %or3A_332 : i1
        %or3A_334 = arith.ori %or3A_333, %ne3A_329 : i1
        %or3A_335 = arith.ori %or3A_334, %eq3A_206 : i1
        %convert_element_type3A_336 = arith.extui %or3A_335 : i1 to i32
        %cond3A_337 = arith.constant 0 : i32
        %cond3A_338 = arith.cmpi ne, %convert_element_type3A_336, %cond3A_337 : i32
        scf.if %cond3A_338 {
          "tpu.trace_start"() <{level = 10 : i32, message = "ep_copy_out"}> : () -> ()
          %rem3A_400 = arith.constant 2 : i32
          %rem3A_401 = arith.remui %scan3A_199, %rem3A_400 : i32
          %mul3A_402 = arith.constant 1 : i32
          %mul3A_403 = arith.muli %mul3A_402, %add3A_208 : i32
          %mul3A_404 = arith.constant 512 : i32
          %mul3A_405 = arith.muli %mul3A_404, %add3A_210 : i32
          %dma_start3A_406 = arith.constant 0 : i32
          %dma_start3A_407 = arith.constant 0 : i32
          %dma_start3A_408 = arith.constant 0 : i32
          %dma_start3A_409 = tpu.memref_slice %run_scoped3A_8[%rem3A_401, %dma_start3A_406, %dma_start3A_407, %dma_start3A_408] : memref<2x1x64x512xf32, #tpu.memory_space<vmem>> -> memref<1x1x64x512xf32, #tpu.memory_space<vmem>>
          %dma_start3A_410 = tpu.memref_squeeze %dma_start3A_409 : memref<1x1x64x512xf32, #tpu.memory_space<vmem>> -> memref<1x64x512xf32, #tpu.memory_space<vmem>>
          %dma_start3A_411 = arith.constant 0 : i32
          %dma_start3A_412 = tpu.memref_slice %arg4[%mul3A_403, %dma_start3A_411, %mul3A_405] : memref<200x64x16384xf32, #tpu.memory_space<hbm>> -> memref<1x64x512xf32, #tpu.memory_space<hbm>>
          %dma_start3A_413 = tpu.memref_slice %run_scoped3A_9[%rem3A_401] : memref<2x!tpu.dma_semaphore, #tpu.memory_space<semaphore_mem>> -> memref<1x!tpu.dma_semaphore, #tpu.memory_space<semaphore_mem>>
          %dma_start3A_414 = tpu.memref_squeeze %dma_start3A_413 : memref<1x!tpu.dma_semaphore, #tpu.memory_space<semaphore_mem>> -> memref<!tpu.dma_semaphore, #tpu.memory_space<semaphore_mem>>
          %dma_start3A_415 = arith.constant 0 : i32
          %dma_start3A_416 = tpu.memref_slice %arg4[%mul3A_403, %dma_start3A_415, %mul3A_405] : memref<200x64x16384xf32, #tpu.memory_space<hbm>> -> memref<1x64x512xf32, #tpu.memory_space<hbm>>
          %dma_start3A_417 = arith.constant 0 : i32
          %dma_start3A_418 = arith.constant 0 : i32
          %dma_start3A_419 = arith.constant 0 : i32
          %dma_start3A_420 = tpu.memref_slice %run_scoped3A_8[%rem3A_401, %dma_start3A_417, %dma_start3A_418, %dma_start3A_419] : memref<2x1x64x512xf32, #tpu.memory_space<vmem>> -> memref<1x1x64x512xf32, #tpu.memory_space<vmem>>
          %dma_start3A_421 = tpu.memref_squeeze %dma_start3A_420 : memref<1x1x64x512xf32, #tpu.memory_space<vmem>> -> memref<1x64x512xf32, #tpu.memory_space<vmem>>
          tpu.enqueue_dma source(%dma_start3A_421 : memref<1x64x512xf32, #tpu.memory_space<vmem>>) target(%dma_start3A_416 : memref<1x64x512xf32, #tpu.memory_space<hbm>>) target_semaphore(%dma_start3A_414 : memref<!tpu.dma_semaphore, #tpu.memory_space<semaphore_mem>>)
          "tpu.trace_stop"() : () -> ()
        } else {
        }
        %and3A_339 = arith.constant true
        %and3A_340 = arith.andi %or3A_335, %and3A_339 : i1
        %add3A_341 = arith.constant 1 : i32
        %add3A_342 = arith.addi %scan3A_199, %add3A_341 : i32
        %select_n3A_343 = arith.select %and3A_340, %add3A_342, %scan3A_199 : i32
        %ne3A_344 = arith.cmpi ne, %add3A_208, %add3A_227 : i32
        %ne3A_345 = arith.cmpi ne, %add3A_210, %add3A_229 : i32
        %or3A_346 = arith.constant false
        %or3A_347 = arith.ori %or3A_346, %ne3A_344 : i1
        %or3A_348 = arith.ori %or3A_347, %ne3A_345 : i1
        %not3A_349 = arith.constant true
        %not3A_350 = arith.xori %eq3A_204, %not3A_349 : i1
        %and3A_351 = arith.andi %or3A_348, %not3A_350 : i1
        %convert_element_type3A_352 = arith.extui %and3A_351 : i1 to i32
        %cond3A_353 = arith.constant 0 : i32
        %cond3A_354 = arith.cmpi ne, %convert_element_type3A_352, %cond3A_353 : i32
        scf.if %cond3A_354 {
        } else {
        }
        %and3A_355 = arith.constant false
        %and3A_356 = arith.andi %and3A_351, %and3A_355 : i1
        %ne3A_357 = arith.cmpi ne, %add3A_208, %add3A_227 : i32
        %ne3A_358 = arith.cmpi ne, %add3A_210, %add3A_229 : i32
        %or3A_359 = arith.constant false
        %or3A_360 = arith.ori %or3A_359, %ne3A_357 : i1
        %or3A_361 = arith.constant false
        %or3A_362 = arith.ori %or3A_360, %or3A_361 : i1
        %or3A_363 = arith.ori %or3A_362, %ne3A_358 : i1
        %not3A_364 = arith.constant true
        %not3A_365 = arith.xori %eq3A_204, %not3A_364 : i1
        %and3A_366 = arith.andi %or3A_363, %not3A_365 : i1
        %convert_element_type3A_367 = arith.extui %and3A_366 : i1 to i32
        %cond3A_368 = arith.constant 0 : i32
        %cond3A_369 = arith.cmpi ne, %convert_element_type3A_367, %cond3A_368 : i32
        scf.if %cond3A_369 {
          "tpu.trace_start"() <{level = 10 : i32, message = "ep_wait_out"}> : () -> ()
          %rem3A_400 = arith.constant 2 : i32
          %rem3A_401 = arith.remui %scan3A_200, %rem3A_400 : i32
          %mul3A_402 = arith.constant 1 : i32
          %mul3A_403 = arith.muli %mul3A_402, %add3A_227 : i32
          %mul3A_404 = arith.constant 512 : i32
          %mul3A_405 = arith.muli %mul3A_404, %add3A_229 : i32
          %dma_wait3A_406 = arith.constant 0 : i32
          %dma_wait3A_407 = arith.constant 0 : i32
          %dma_wait3A_408 = arith.constant 0 : i32
          %dma_wait3A_409 = tpu.memref_slice %run_scoped3A_8[%rem3A_401, %dma_wait3A_406, %dma_wait3A_407, %dma_wait3A_408] : memref<2x1x64x512xf32, #tpu.memory_space<vmem>> -> memref<1x1x64x512xf32, #tpu.memory_space<vmem>>
          %dma_wait3A_410 = tpu.memref_squeeze %dma_wait3A_409 : memref<1x1x64x512xf32, #tpu.memory_space<vmem>> -> memref<1x64x512xf32, #tpu.memory_space<vmem>>
          %dma_wait3A_411 = arith.constant 0 : i32
          %dma_wait3A_412 = tpu.memref_slice %arg4[%mul3A_403, %dma_wait3A_411, %mul3A_405] : memref<200x64x16384xf32, #tpu.memory_space<hbm>> -> memref<1x64x512xf32, #tpu.memory_space<hbm>>
          %dma_wait3A_413 = tpu.memref_slice %run_scoped3A_9[%rem3A_401] : memref<2x!tpu.dma_semaphore, #tpu.memory_space<semaphore_mem>> -> memref<1x!tpu.dma_semaphore, #tpu.memory_space<semaphore_mem>>
          %dma_wait3A_414 = tpu.memref_squeeze %dma_wait3A_413 : memref<1x!tpu.dma_semaphore, #tpu.memory_space<semaphore_mem>> -> memref<!tpu.dma_semaphore, #tpu.memory_space<semaphore_mem>>
          %dma_wait3A_415 = arith.constant 0 : i32
          %dma_wait3A_416 = tpu.memref_slice %arg4[%mul3A_403, %dma_wait3A_415, %mul3A_405] : memref<200x64x16384xf32, #tpu.memory_space<hbm>> -> memref<1x64x512xf32, #tpu.memory_space<hbm>>
          %dma_wait3A_417 = arith.constant 0 : i32
          %dma_wait3A_418 = arith.constant 0 : i32
          %dma_wait3A_419 = arith.constant 0 : i32
          %dma_wait3A_420 = tpu.memref_slice %run_scoped3A_8[%rem3A_401, %dma_wait3A_417, %dma_wait3A_418, %dma_wait3A_419] : memref<2x1x64x512xf32, #tpu.memory_space<vmem>> -> memref<1x1x64x512xf32, #tpu.memory_space<vmem>>
          %dma_wait3A_421 = tpu.memref_squeeze %dma_wait3A_420 : memref<1x1x64x512xf32, #tpu.memory_space<vmem>> -> memref<1x64x512xf32, #tpu.memory_space<vmem>>
          tpu.wait_dma2 semaphore(%dma_wait3A_414 : memref<!tpu.dma_semaphore, #tpu.memory_space<semaphore_mem>>) src(%dma_wait3A_421 : memref<1x64x512xf32, #tpu.memory_space<vmem>>) dst(%dma_wait3A_416 : memref<1x64x512xf32, #tpu.memory_space<hbm>>)
          "tpu.trace_stop"() : () -> ()
        } else {
        }
        %and3A_370 = arith.constant true
        %and3A_371 = arith.andi %and3A_366, %and3A_370 : i1
        %add3A_372 = arith.constant 1 : i32
        %add3A_373 = arith.addi %scan3A_200, %add3A_372 : i32
        %select_n3A_374 = arith.select %and3A_371, %add3A_373, %scan3A_200 : i32
        %ne3A_375 = arith.cmpi ne, %add3A_208, %add3A_246 : i32
        %ne3A_376 = arith.cmpi ne, %add3A_210, %add3A_248 : i32
        %or3A_377 = arith.constant false
        %or3A_378 = arith.ori %or3A_377, %ne3A_375 : i1
        %or3A_379 = arith.ori %or3A_378, %ne3A_376 : i1
        %or3A_380 = arith.ori %or3A_379, %eq3A_206 : i1
        %add3A_381 = arith.constant 1 : i32
        %add3A_382 = arith.addi %scan3A_198, %add3A_381 : i32
        %select_n3A_383 = arith.select %or3A_380, %add3A_382, %scan3A_198 : i32
        %select_n3A_384 = arith.constant true
        %select_n3A_385 = arith.constant 0 : i32
        %select_n3A_386 = arith.constant 1 : i32
        %select_n3A_387 = arith.select %select_n3A_384, %select_n3A_386, %select_n3A_385 : i32
        %eq3A_388 = arith.constant 1 : i32
        %eq3A_389 = arith.cmpi eq, %select_n3A_387, %eq3A_388 : i32
        %select_n3A_390 = arith.constant 0 : i32
        %select_n3A_391 = arith.select %eq3A_389, %select_n3A_390, %select_n3A_387 : i32
        %add3A_392 = arith.constant 1 : i32
        %add3A_393 = arith.addi %scan3A_201, %add3A_392 : i32
        %select_n3A_394 = arith.select %eq3A_389, %add3A_393, %scan3A_201 : i32
        %eq3A_395 = arith.constant 200 : i32
        %eq3A_396 = arith.cmpi eq, %select_n3A_394, %eq3A_395 : i32
        %select_n3A_397 = arith.constant 0 : i32
        %select_n3A_398 = arith.select %eq3A_396, %select_n3A_397, %select_n3A_394 : i32
        %scan3A_399 = arith.constant 0 : i32
        scf.yield %select_n3A_278, %select_n3A_383, %select_n3A_343, %select_n3A_374, %select_n3A_398, %scan3A_399 : i32, i32, i32, i32, i32, i32
      }
      %scan3A_99 = arith.constant 200 : i32
      %sub3A = arith.constant 1 : i32
      %sub3A_100 = arith.subi %scan3A_98#5, %sub3A : i32
      %select_n3A_101 = arith.constant true
      %select_n3A_102 = arith.select %select_n3A_101, %sub3A_100, %scan3A_98#5 : i32
      %eq3A_103 = arith.constant -1 : i32
      %eq3A_104 = arith.cmpi eq, %select_n3A_102, %eq3A_103 : i32
      %select_n3A_105 = arith.constant 0 : i32
      %select_n3A_106 = arith.select %eq3A_104, %select_n3A_105, %select_n3A_102 : i32
      %sub3A_107 = arith.constant 1 : i32
      %sub3A_108 = arith.subi %scan3A_98#4, %sub3A_107 : i32
      %select_n3A_109 = arith.select %eq3A_104, %sub3A_108, %scan3A_98#4 : i32
      %eq3A_110 = arith.constant -1 : i32
      %eq3A_111 = arith.cmpi eq, %select_n3A_109, %eq3A_110 : i32
      %select_n3A_112 = arith.constant 199 : i32
      %select_n3A_113 = arith.select %eq3A_111, %select_n3A_112, %select_n3A_109 : i32
      %add3A_114 = arith.constant 0 : i32
      %add3A_115 = arith.addi %select_n3A_113, %add3A_114 : i32
      %add3A_116 = arith.constant 0 : i32
      %add3A_117 = arith.addi %add3A_116, %mul3A_6 : i32
      %select_n3A_118 = arith.constant true
      %select_n3A_119 = arith.constant 0 : i32
      %select_n3A_120 = arith.constant -1 : i32
      %select_n3A_121 = arith.select %select_n3A_118, %select_n3A_120, %select_n3A_119 : i32
      %eq3A_122 = arith.constant -1 : i32
      %eq3A_123 = arith.cmpi eq, %select_n3A_121, %eq3A_122 : i32
      %select_n3A_124 = arith.constant 0 : i32
      %select_n3A_125 = arith.select %eq3A_123, %select_n3A_124, %select_n3A_121 : i32
      %sub3A_126 = arith.constant 1 : i32
      %sub3A_127 = arith.subi %select_n3A_113, %sub3A_126 : i32
      %select_n3A_128 = arith.select %eq3A_123, %sub3A_127, %select_n3A_113 : i32
      %eq3A_129 = arith.constant -1 : i32
      %eq3A_130 = arith.cmpi eq, %select_n3A_128, %eq3A_129 : i32
      %select_n3A_131 = arith.constant 199 : i32
      %select_n3A_132 = arith.select %eq3A_130, %select_n3A_131, %select_n3A_128 : i32
      %add3A_133 = arith.constant 0 : i32
      %add3A_134 = arith.addi %select_n3A_132, %add3A_133 : i32
      %add3A_135 = arith.constant 0 : i32
      %add3A_136 = arith.addi %add3A_135, %mul3A_6 : i32
      %select_n3A_137 = arith.constant true
      %select_n3A_138 = arith.constant 0 : i32
      %select_n3A_139 = arith.constant 1 : i32
      %select_n3A_140 = arith.select %select_n3A_137, %select_n3A_139, %select_n3A_138 : i32
      %eq3A_141 = arith.constant 1 : i32
      %eq3A_142 = arith.cmpi eq, %select_n3A_140, %eq3A_141 : i32
      %select_n3A_143 = arith.constant 0 : i32
      %select_n3A_144 = arith.select %eq3A_142, %select_n3A_143, %select_n3A_140 : i32
      %add3A_145 = arith.constant 1 : i32
      %add3A_146 = arith.addi %select_n3A_113, %add3A_145 : i32
      %select_n3A_147 = arith.select %eq3A_142, %add3A_146, %select_n3A_113 : i32
      %eq3A_148 = arith.constant 200 : i32
      %eq3A_149 = arith.cmpi eq, %select_n3A_147, %eq3A_148 : i32
      %select_n3A_150 = arith.constant 0 : i32
      %select_n3A_151 = arith.select %eq3A_149, %select_n3A_150, %select_n3A_147 : i32
      %add3A_152 = arith.constant 0 : i32
      %add3A_153 = arith.addi %select_n3A_151, %add3A_152 : i32
      %add3A_154 = arith.constant 0 : i32
      %add3A_155 = arith.addi %add3A_154, %mul3A_6 : i32
      %select_n3A_156 = arith.constant true
      %select_n3A_157 = arith.constant 0 : i32
      %select_n3A_158 = arith.constant 1 : i32
      %select_n3A_159 = arith.select %select_n3A_156, %select_n3A_158, %select_n3A_157 : i32
      %eq3A_160 = arith.constant 1 : i32
      %eq3A_161 = arith.cmpi eq, %select_n3A_159, %eq3A_160 : i32
      %select_n3A_162 = arith.constant 0 : i32
      %select_n3A_163 = arith.select %eq3A_161, %select_n3A_162, %select_n3A_159 : i32
      %add3A_164 = arith.constant 1 : i32
      %add3A_165 = arith.addi %select_n3A_151, %add3A_164 : i32
      %select_n3A_166 = arith.select %eq3A_161, %add3A_165, %select_n3A_151 : i32
      %eq3A_167 = arith.constant 200 : i32
      %eq3A_168 = arith.cmpi eq, %select_n3A_166, %eq3A_167 : i32
      %select_n3A_169 = arith.constant 0 : i32
      %select_n3A_170 = arith.select %eq3A_168, %select_n3A_169, %select_n3A_166 : i32
      %add3A_171 = arith.constant 0 : i32
      %add3A_172 = arith.addi %select_n3A_170, %add3A_171 : i32
      %add3A_173 = arith.constant 0 : i32
      %add3A_174 = arith.addi %add3A_173, %mul3A_6 : i32
      "tpu.trace_start"() <{level = 10 : i32, message = "ep_finalize"}> : () -> ()
      %rem3A_175 = arith.constant 2 : i32
      %rem3A_176 = arith.remui %scan3A_98#3, %rem3A_175 : i32
      %mul3A_177 = arith.constant 1 : i32
      %mul3A_178 = arith.muli %mul3A_177, %add3A_115 : i32
      %mul3A_179 = arith.constant 512 : i32
      %mul3A_180 = arith.muli %mul3A_179, %add3A_117 : i32
      %dma_wait3A = arith.constant 0 : i32
      %dma_wait3A_181 = arith.constant 0 : i32
      %dma_wait3A_182 = arith.constant 0 : i32
      %dma_wait3A_183 = tpu.memref_slice %run_scoped3A_8[%rem3A_176, %dma_wait3A, %dma_wait3A_181, %dma_wait3A_182] : memref<2x1x64x512xf32, #tpu.memory_space<vmem>> -> memref<1x1x64x512xf32, #tpu.memory_space<vmem>>
      %dma_wait3A_184 = tpu.memref_squeeze %dma_wait3A_183 : memref<1x1x64x512xf32, #tpu.memory_space<vmem>> -> memref<1x64x512xf32, #tpu.memory_space<vmem>>
      %dma_wait3A_185 = arith.constant 0 : i32
      %dma_wait3A_186 = tpu.memref_slice %arg4[%mul3A_178, %dma_wait3A_185, %mul3A_180] : memref<200x64x16384xf32, #tpu.memory_space<hbm>> -> memref<1x64x512xf32, #tpu.memory_space<hbm>>
      %dma_wait3A_187 = tpu.memref_slice %run_scoped3A_9[%rem3A_176] : memref<2x!tpu.dma_semaphore, #tpu.memory_space<semaphore_mem>> -> memref<1x!tpu.dma_semaphore, #tpu.memory_space<semaphore_mem>>
      %dma_wait3A_188 = tpu.memref_squeeze %dma_wait3A_187 : memref<1x!tpu.dma_semaphore, #tpu.memory_space<semaphore_mem>> -> memref<!tpu.dma_semaphore, #tpu.memory_space<semaphore_mem>>
      %dma_wait3A_189 = arith.constant 0 : i32
      %dma_wait3A_190 = tpu.memref_slice %arg4[%mul3A_178, %dma_wait3A_189, %mul3A_180] : memref<200x64x16384xf32, #tpu.memory_space<hbm>> -> memref<1x64x512xf32, #tpu.memory_space<hbm>>
      %dma_wait3A_191 = arith.constant 0 : i32
      %dma_wait3A_192 = arith.constant 0 : i32
      %dma_wait3A_193 = arith.constant 0 : i32
      %dma_wait3A_194 = tpu.memref_slice %run_scoped3A_8[%rem3A_176, %dma_wait3A_191, %dma_wait3A_192, %dma_wait3A_193] : memref<2x1x64x512xf32, #tpu.memory_space<vmem>> -> memref<1x1x64x512xf32, #tpu.memory_space<vmem>>
      %dma_wait3A_195 = tpu.memref_squeeze %dma_wait3A_194 : memref<1x1x64x512xf32, #tpu.memory_space<vmem>> -> memref<1x64x512xf32, #tpu.memory_space<vmem>>
      tpu.wait_dma2 semaphore(%dma_wait3A_188 : memref<!tpu.dma_semaphore, #tpu.memory_space<semaphore_mem>>) src(%dma_wait3A_195 : memref<1x64x512xf32, #tpu.memory_space<vmem>>) dst(%dma_wait3A_190 : memref<1x64x512xf32, #tpu.memory_space<hbm>>)
      "tpu.trace_stop"() : () -> ()
      tpu.yield
    }) : () -> ()
    return
  }
}

</mosaic_0001>

<sc_bundles>
// kernel: kernel.3.cloned.1.call-start
scs
__scs_entry_jumppad:
0x0: {  	(pc) =	sbr.rel $0x88, $3  }
0x1: {  	(tag) =	ssettag $0x0;
	lr =	simm.s32 $0x1  }
0x2: {  	[smem:$0x3F9F] =	sst lr;
	_ =	strace $0xD0000000  }
0x3: {  	_ = 	snop  }
0x4: {  	_ = 	snop  }
0x5: {  	_ = 	snop  }
0x6: {  	_ = 	snop  }
0x7: {  	_ = 	snop  }
__scs_overlays_trampoline_lowered:
0x8: {  	[smem:$0x3FAE] =	sst s0  }
0x9: {  	[smem:$0x3FAF] =	sst s1  }
0xa: {  	[smem:$0x3FB0] =	sst s2  }
0xb: {  	[smem:$0x3FB1] =	sst s3  }
0xc: {  	[smem:$0x3FB2] =	sst s4  }
0xd: {  	[smem:$0x3FB3] =	sst s5  }
0xe: {  	[smem:$0x3FB4] =	sst s6  }
0xf: {  	[smem:$0x3FB5] =	sst s7  }
0x10: {  	[smem:$0x3FB6] =	sst s8  }
0x11: {  	[smem:$0x3FB7] =	sst s9;
	s0 =	simm.s32 @!p0 $0x0  }
0x12: {  	s1 =	sld [smem:$0x3F9D];
	s0 =	simm.s32 @p0 $0x1  }
0x13: {  	[smem:$0x3FB8] =	sst s0;
	s0 =	simm.s32 @!p1 $0x0  }
0x14: {  	s2 =	sld [smem:$0x3F9C];
	s0 =	simm.s32 @p1 $0x1  }
0x15: {  	[smem:$0x3FB9] =	sst s0;
	s0 =	simm.s32 @!p2 $0x0  }
0x16: {  	s3 =	sld [smem:$0x3FDB];
	s0 =	simm.s32 @p2 $0x1  }
0x17: {  	s4 =	simm.s32 $0x1BF5;
	[smem:$0x3FBB] =	sst s0  }
0x18: {  	s0 =	sld [smem:$0x3F9E];
	_ =	swait.ge [sflag:s4], $0x0  }
0x19: {  	s7 =	sld [smem:$0x3F9F]  }
0x1a: {  	s8 =	sadd.s32 $0xFFFFE003, lr  }
0x1b: {  	s9 =	sadd.s32 $0xFFFFFEF7, lr;
	s5 =	simm.s32 $0xFFFFFFFF;
	p2 =	slt.u32 s8, $0xFFFFF086  }
0x1c: {  	p1 =	slt.u32 s9, $0xF7A;
	s5 =	simm.s32 @!p2 $0x0  }
0x1d: {  	s5 =	simm.s32 @p1 $0x1;
	p0 =	seq.s32 s7, s2  }
0x1e: {  	s7 =	smul.u32 @!p0 $0xF7A, s2;
	p2 =	seq.s32 @!p0 s5, $0x0  }
0x1f: {  	s9 =	smul.u32 $0xF7A, s1;
	s8 =	simm.s32 @!p0 $0x1BF5;
	p2 =	por !p2, p0  }
0x20: {  	[sflag:s8] =	ssyncset.s32 @!p0 $0xFFFFF086;
	s6 =	sadd.s32 @!p0 s3, s7;
	s7 =	simm.s32 @!p0 $0x108  }
0x21: {  	s3 =	sadd.s32 s3, s9;
	s6 =	sadd.s32 @!p0 $0x88, s6;
	s7 =	simm.s32 @p2 $0x1082  }
0x22: {  	[simem:s7], [sflag:s8] =	dma.local @!p0 [hbm:s6], $0xF7A  }
0x23: {  	s9 =	sor.u32 $0xD0000000, s2;
	s6 =	simm.s32 $0x108;
	_ =	swait.ge @!p0 [sflag:s8], $0x0  }
0x24: {  	s3 =	sadd.s32 $0x88, s3;
	s6 =	simm.s32 @!p1 $0x1082;
	[sflag:s4] =	ssyncset.s32 $0xFFFFF086  }
0x25: {  	[simem:s6], [sflag:s4] =	dma.local [hbm:s3], $0xF7A  }
0x26: {  	[smem:$0x3F9F] =	sst s1;
	(tag) =	ssettag s2;
	_ =	strace s9  }
0x27: {  	s1 =	sld [smem:$0x3FAF]  }
0x28: {  	s2 =	sld [smem:$0x3FB0]  }
0x29: {  	s4 =	sld [smem:$0x3FB2]  }
0x2a: {  	p0 =	seq.s32 s5, $0x0;
	s5 =	sld [smem:$0x3FB3]  }
0x2b: {  	s6 =	sld [smem:$0x3FB4]  }
0x2c: {  	s7 =	sld [smem:$0x3FB5]  }
0x2d: {  	s3 =	simm.s32 $0x108;
	s8 =	sld [smem:$0x3FB6]  }
0x2e: {  	s3 =	simm.s32 @!p0 $0x1082;
	s9 =	sld [smem:$0x3FB7]  }
0x2f: {  	lr =	sadd.s32 s0, s3;
	s0 =	sld [smem:$0x3FAE]  }
0x30: {  	s3 =	sld [smem:$0x3FB1]  }
0x31: {  	[smem:$0x3FBA] =	sst s10  }
0x32: {  	s10 =	sld [smem:$0x3FB8];
	_ =	sdelay $0x3  }
0x33: {  	p0 =	seq.s32 s10, $0x1;
	s10 =	sld [smem:$0x3FBA];
	_ =	sdelay $0x3  }
0x34: {  	[smem:$0x3FBA] =	sst s10  }
0x35: {  	s10 =	sld [smem:$0x3FB9];
	_ =	sdelay $0x3  }
0x36: {  	p1 =	seq.s32 s10, $0x1;
	s10 =	sld [smem:$0x3FBA];
	_ =	sdelay $0x3  }
0x37: {  	[smem:$0x3FBA] =	sst s10  }
0x38: {  	s10 =	sld [smem:$0x3FBB]  }
0x39: {  	_ = 	snop;
	(pc) =	sbr.ind lr, $3  }
0x3a: {  	_ = 	snop  }
0x3b: {  	_ = 	snop  }
0x3c: {  	p2 =	seq.s32 s10, $0x1;
	s10 =	sld [smem:$0x3FBA]  }
0x3d: {  	_ =	shalt  }
0x3e: {  	_ =	shalt  }
0x3f: {  	_ =	shalt  }
0x40: {  	_ =	shalt  }
0x41: {  	_ =	shalt  }
0x42: {  	_ =	shalt  }
0x43: {  	_ =	shalt  }
0x44: {  	_ =	shalt  }
0x45: {  	_ =	shalt  }
0x46: {  	_ =	shalt  }
0x47: {  	_ =	shalt  }
0x48: {  	_ =	shalt  }
0x49: {  	_ =	shalt  }
0x4a: {  	_ =	shalt  }
0x4b: {  	_ =	shalt  }
0x4c: {  	_ =	shalt  }
0x4d: {  	_ =	shalt  }
0x4e: {  	_ =	shalt  }
0x4f: {  	_ =	shalt  }
0x50: {  	_ =	shalt  }
0x51: {  	_ =	shalt  }
0x52: {  	_ =	shalt  }
0x53: {  	_ =	shalt  }
0x54: {  	_ =	shalt  }
0x55: {  	_ =	shalt  }
0x56: {  	_ =	shalt  }
0x57: {  	_ =	shalt  }
0x58: {  	_ =	shalt  }
0x59: {  	_ =	shalt  }
0x5a: {  	_ =	shalt  }
0x5b: {  	_ =	shalt  }
0x5c: {  	_ =	shalt  }
0x5d: {  	_ =	shalt  }
0x5e: {  	_ =	shalt  }
0x5f: {  	_ =	shalt  }
0x60: {  	_ =	shalt  }
0x61: {  	_ =	shalt  }
0x62: {  	_ =	shalt  }
0x63: {  	_ =	shalt  }
0x64: {  	_ =	shalt  }
0x65: {  	_ =	shalt  }
0x66: {  	_ =	shalt  }
0x67: {  	_ =	shalt  }
0x68: {  	_ =	shalt  }
0x69: {  	_ =	shalt  }
0x6a: {  	_ =	shalt  }
0x6b: {  	_ =	shalt  }
0x6c: {  	_ =	shalt  }
0x6d: {  	_ =	shalt  }
0x6e: {  	_ =	shalt  }
0x6f: {  	_ =	shalt  }
0x70: {  	_ =	shalt  }
0x71: {  	_ =	shalt  }
0x72: {  	_ =	shalt  }
0x73: {  	_ =	shalt  }
0x74: {  	_ =	shalt  }
0x75: {  	_ =	shalt  }
0x76: {  	_ =	shalt  }
0x77: {  	_ =	shalt  }
0x78: {  	_ =	shalt  }
0x79: {  	_ =	shalt  }
0x7a: {  	_ =	shalt  }
0x7b: {  	_ =	shalt  }
0x7c: {  	_ =	shalt  }
0x7d: {  	_ =	shalt  }
0x7e: {  	_ =	shalt  }
0x7f: {  	_ =	shalt  }
0x80: {  	_ =	shalt  }
0x81: {  	_ =	shalt  }
0x82: {  	_ =	shalt  }
0x83: {  	_ =	shalt  }
0x84: {  	_ =	shalt  }
0x85: {  	_ =	shalt  }
0x86: {  	_ =	shalt  }
0x87: {  	_ =	shalt  }
.Lfunc_end0:
.L_simem_size_0:
called_computation_lowered:
.L_overlay_start_0:
0x88: {  	s2 =	sld [smem:$0x3FD9]  }
0x89: {  	s3 =	sld [smem:$0x3FFE];
	_ =	sdelay $0x1  }
0x8a: {  	s1 =	srdreg.scid  }
0x8b: {  	s0 =	sand.u32 $0x1, s1  }
0x8c: {  	s17 =	sshll.u32 s0, $0xA;
	s2 =	sadd.s32 s3, s2  }
0x8d: {  	s2 =	sadd.s32 s2, s17  }
0x8e: {  	[smem:$0x3FC6] =	sst s2  }
0x8f: {  	_ = 	snop  }
0x90: {  	s2 =	sld [smem:$0x3FC9]  }
0x91: {  	s18 =	sld [smem:$0x3FD0];
	(tm) =	ssettm $0x1  }
0x92: {  	s4 =	sld [smem:$0x3FFB];
	_ =	sdelay $0x3  }
0x93: {  	_ =	strace s4  }
0x94: {  	s4 =	sld [smem:$0x3FFC];
	_ =	sdelay $0x3  }
0x95: {  	_ =	strace s4  }
0x96: {  	s4 =	sld [smem:$0x3FFD];
	_ =	sdelay $0x3  }
0x97: {  	_ =	strace s4  }
0x98: {  	_ =	strace $0x8FFFFFFF  }
0x99: {  	s19 =	sld [smem:$0x3FDB];
	_ =	sdelay $0x1  }
0x9a: {  	s5 =	simm.s32 $_scs_section_size  }
0x9b: {  	s6 =	simm.s32 $_size__tile_overlayer_lowered;
	s7 =	simm.s32 $_tile_overlayer_lowered  }
0x9c: {  	s22 =	simm.s32 $0x1BFF;
	s21 =	sshll.u32 s7, $0x1;
	s4 =	sadd.s32 s5, s19  }
0x9d: {  	s8 =	simm.s32 $0x0;
	s20 =	sshll.u32 s6, $0x1;
	s6 =	sadd.s32 s21, s4  }
0x9e: {  	[timem:s8], [sflag:s22] =	dma.local [hbm:s6], s20  }
0x9f: {  	_ =	swait.ge [sflag:s22], s20  }
0xa0: {  	s5 =	ssub.s32 $0x0, s20;
	[sflag:s22] =	ssyncset.done $0x0  }
0xa1: {  	[sflag:s22] =	ssyncadd.s32 s5;
	_ =	sdelay $0x1  }
0xa2: {  	s23 =	simm.s32 $0x1B8B  }
0xa3: {  	_ =	swait.ge [sflag:s23], $0x1  }
0xa4: {  	[sflag:s23] =	ssyncset.done $0x0  }
0xa5: {  	s25 =	simm.s32 $0x1B8E;
	s24 =	sld [smem:$0x3FFE];
	[sflag:s23] =	ssyncadd.s32 $0xFFFFFFFF  }
0xa6: {  	s26 =	simm.s32 $execute0_lowered;
	[smem:$0x3FD2] =	sst s25  }
0xa7: {  	s6 =	sshll.u32 s26, $0x1;
	_ =	strace $0x80000046;
	[dreg:$0x1] =	wrdreg $0xFFFFFFFF  }
0xa8: {  	s28 =	simm.s32 $_size_execute0_lowered;
	s4 =	sadd.s32 s4, s6;
	[dreg:$0x0] =	wrdreg $0x0  }
0xa9: {  	s6 =	sshll.u32 s28, $0x1;
	[dreg:$0x2] =	wrdreg s4  }
0xaa: {  	[dreg:$0x3] =	wrdreg s6  }
0xab: {  	[dreg:$0x4] =	wrdreg $0xC0  }
0xac: {  	_ =	task [dreg:s8], $0x5FFFF  }
0xad: {  	[dreg:$0x1] =	wrdreg $0xFFFFFFFF  }
0xae: {  	[dreg:$0x0] =	wrdreg $0x60  }
0xaf: {  	[dreg:$0x2] =	wrdreg s24  }
0xb0: {  	[dreg:$0x3] =	wrdreg s2  }
0xb1: {  	[dreg:$0x4] =	wrdreg s18  }
0xb2: {  	[dreg:$0x5] =	wrdreg $0x9  }
0xb3: {  	_ =	task.clear_ibuf [dreg:s8], $0x6FFFF;
	_ =	strace $0x90000046  }
0xb4: {  	s29 =	simm.s32 $0x9;
	_ =	strace $0x8000004F  }
0xb5: {  	_ =	swait.ge [sflag:s29], $0x1  }
0xb6: {  	[sflag:s29] =	ssyncadd.s32 $0xFFFFFFFF  }
0xb7: {  	_ =	strace $0x9000004F  }
0xb8: {  	_ =	sfence  }
0xb9: {  	s30 =	sld [smem:$0x0];
	_ =	sdelay $0x2  }
0xba: {  	s31 =	sshll.u32 s1, $0xD;
	s1 =	sshrl.u32 s1, $0x2  }
0xbb: {  	s3 =	sand.u32 $0x4000, s31;
	s1 =	sadd.s32 s1, s30  }
0xbc: {  	s0 =	sor.u32 s3, s0;
	s1 =	sshll.u32 s1, $0x11  }
0xbd: {  	s0 =	sor.u32 s1, s0  }
0xbe: {  	s0 =	sadd.s32 $0x8F2B, s0  }
0xbf: {  	[sflag:s0] =	ssyncadd.remote.s32 $0x1  }
0xc0: {  	_ =	sfence.sel $0xFFFF  }
0xc1: {  	[dreg:$0x0] =	wrdreg $0xFFFFFFFF;
	(pc) =	sbr.abs _section_cstart, $3  }
0xc2: {  	[dreg:$0x1] =	wrdreg $0xFFFFFFFF  }
0xc3: {  	_ =	task.clear_ibuf [dreg:s8], $0x2FFFF;
	_ =	strace $0x9FFFFFFF  }
0xc4: {  	(tm) =	ssettm $0x7FFFFFFF  }
0xc5: {  	_ =	shalt  }
tec
execute0_lowered:
.L_overlay_start_1:
0x0: {  	(tag) =	ssettag $0x1  }
0x1: {  	s0 =	rddreg [dreg:$0x0]  }
0x2: {  	s2 =	rddreg [dreg:$0x1]  }
0x3: {  	s3 =	rddreg [dreg:$0x2]  }
0x4: {  	s1 =	srdreg.scid;
	s6 =	stileid.u32  }
0x5: {  	s4 =	simm.s32 $0x0;
	s12 =	simm.s32 $0x1;
	s1 =	sand.u32 $0x1, s1  }
0x6: {  	s6 =	sshll.u32 s6, $0xC;
	[smem:$0x7FF] =	sst s4;
	s5 =	sshll.u32 s1, $0x10  }
0x7: {  	s0 =	sadd.s32 $0x400, s0;
	s1 =	ssub.s32 $0x2, s1;
	s5 =	sor.u32 s6, s5  }
0x8: {  	_ =	strace $0x80000047;
	s29 =	sshrl.u32 s1, $0x1;
	s7 =	sshrl.u32 s5, $0x3  }
0x9: {  	[dreg:$0x4] =	wrdreg s0;
	s30 =	ssub.s32 s1, s29;
	s31 =	sadd.s32 s2, s7  }
0xa: {  	s13 =	simm.s32 $0x0;
	s8 =	smax.u32 s30, $0x1;
	[dreg:$0x5] =	wrdreg s31  }
.LBB2_1:
0xb: {  	s0 =	rddreg [dreg:$0x4]  }
0xc: {  	[tilespmem:s4], [sflag:$0x1] =	stream.linear.gather [hbm4b:s0+s4], $0x200, $0x38;
	[tilespmem:$0x10600] =	vst v63  }
0xd: {  	_ =	swait.ge [sflag:s12], $0x200  }
0xe: {  	s1 =	simm.s32 $0x80;
	[sflag:s12] =	ssyncset.done $0x0  }
0xf: {  	s6 =	simm.s32 $0x400;
	s7 =	simm.s32 $0x200;
	[sflag:s12] =	ssyncadd.s32 $0xFFFFFE00  }
0x10: {  	s20 =	simm.s32 $0x0;
	s14 =	simm.s32 $0x0;
	_ =	strace $0x80000048  }
0x11: {  	s15 =	simm.s32 $0x0;
	s16 =	simm.s32 $0x0;
	s31 =	rddreg [dreg:$0x5]  }
0x12: {  	[tilespmem:s7], [sflag:$0x1] =	stream.strided.gather [hbm4b:s31+s1], $0x200, s6, s1, $0x200038;
	[tilespmem:$0x10600] =	vst v63  }
0x13: {  	s17 =	simm.s32 $0x1;
	s18 =	simm.s32 $0x0;
	_ =	strace $0x90000048  }
.LBB2_2:
0x14: {  	s19 =	sadd.s32 $0x1, s20  }
0x15: {  	p0 =	seq.s32 s19, $0xC8  }
0x16: {  	s19 =	simm.s32 @p0 $0x0  }
0x17: {  	p6 =	sne.s32 s18, $0xC7;
	p1 =	sne.s32 s20, s19  }
0x18: {  	p0 =	por !p6, !p1  }
0x19: {  	p0 =	por !p0, !p0  }
0x1a: {  	s0 =	sshll.u32 @p0 s19, $0x7;
	s1 =	sshll.u32 @p0 s19, $0xE  }
0x1b: {  	s0 =	sand.u32 @p0 $0x380, s0;
	s1 =	sand.u32 @p0 $0xFFFE0000, s1  }
0x1c: {  	_ =	strace @p0 $0x80000049;
	s0 =	sor.u32 @p0 s1, s0  }
0x1d: {  	s7 =	simm.s32 @p0 $0x80;
	s1 =	sand.u32 @p0 $0x1, s17;
	s0 =	sor.u32 @p0 s5, s0  }
0x1e: {  	s9 =	simm.s32 @p0 $0x400;
	s6 =	sshll.u32 @p0 s1, $0x9;
	s0 =	sshrl.u32 @p0 s0, $0x3  }
0x1f: {  	s1 =	sadd.s32 @p0 $0x1, s1;
	s6 =	sadd.s32 @p0 $0x200, s6;
	s0 =	sadd.s32 @p0 s2, s0  }
0x20: {  	[tilespmem:s6], [sflag:s1] =	stream.strided.gather @p0 [hbm4b:s0+s7], $0x200, s9, s7, $0x200038;
	[tilespmem:$0x10600] =	vst v63  }
0x21: {  	s22 =	sand.u32 $0x1, s16;
	_ =	strace @p0 $0x90000049  }
0x22: {  	s0 =	sadd.s32 $0x1, s22;
	_ =	strace $0x8000004A  }
0x23: {  	_ =	swait.ge [sflag:s0], $0x200  }
0x24: {  	[sflag:s0] =	ssyncset.done $0x0  }
0x25: {  	s23 =	sshll.u32 s16, $0x9;
	[sflag:s0] =	ssyncadd.s32 $0xFFFFFE00  }
0x26: {  	s0 =	sand.u32 $0x200, s23;
	_ =	strace $0x9000004A  }
0x27: {  	s0 =	sadd.s32 $0x200, s0;
	_ =	strace $0x8000004B  }
0x28: {  	v8 =	vld [tilespmem:s0+$0x0];
	_ =	sdelay $0x7  }
0x29: {  	s21 =	sand.u32 $0x1, s15;
	v0 =	vld.idx.msk [tilespmem:v8+s4+$0x0], $0xffff  }
0x2a: {  	s25 =	simm.s32 $0x0;
	s24 =	sshll.u32 s21, $0xF;
	v1 =	vadd.s32 $0x8, v8  }
0x2b: {  	s26 =	simm.s32 $0x0;
	s10 =	sand.u32 $0xC00, s25;
	s22 =	sor.u32 $0x600, s24  }
0x2c: {  	s11 =	sand.u32 $0x70, s26;
	s7 =	sadd.s32 s10, s22  }
0x2d: {  	s30 =	sadd.s32 s11, s7  }
0x2e: {  	[tilespmem:s30+$0x0] =	vst v0  }
0x2f: {  	v0 =	vld.idx.msk [tilespmem:v1+s4+$0x0], $0xffff  }
0x30: {  	v1 =	vadd.s32 $0x10, v8;
	_ =	sdelay $0x3  }
0x31: {  	[tilespmem:s30+$0x80] =	vst v0  }
0x32: {  	v0 =	vld.idx.msk [tilespmem:v1+s4+$0x0], $0xffff  }
0x33: {  	v1 =	vadd.s32 $0x18, v8;
	_ =	sdelay $0x3  }
0x34: {  	[tilespmem:s30+$0x100] =	vst v0  }
0x35: {  	v0 =	vld.idx.msk [tilespmem:v1+s4+$0x0], $0xffff  }
0x36: {  	v1 =	vadd.s32 $0x20, v8;
	_ =	sdelay $0x3  }
0x37: {  	[tilespmem:s30+$0x180] =	vst v0  }
0x38: {  	v0 =	vld.idx.msk [tilespmem:v1+s4+$0x0], $0xffff  }
0x39: {  	v1 =	vadd.s32 $0x28, v8;
	_ =	sdelay $0x2  }
0x3a: {  	s0 =	sadd.s32 $0x10, s0  }
0x3b: {  	v2 =	vld [tilespmem:s0+$0x0];
	[tilespmem:s30+$0x200] =	vst v0  }
0x3c: {  	v0 =	vld.idx.msk [tilespmem:v1+s4+$0x0], $0xffff  }
0x3d: {  	v1 =	vadd.s32 $0x30, v8;
	_ =	sdelay $0x3  }
0x3e: {  	[tilespmem:s30+$0x280] =	vst v0  }
0x3f: {  	v0 =	vld.idx.msk [tilespmem:v1+s4+$0x0], $0xffff  }
0x40: {  	v1 =	vadd.s32 $0x38, v8;
	_ =	sdelay $0x3  }
0x41: {  	[tilespmem:s30+$0x300] =	vst v0  }
0x42: {  	v7 =	vmov s22;
	v0 =	vld.idx.msk [tilespmem:v1+s4+$0x0], $0xffff  }
0x43: {  	v1 =	vadd.s32 $0x40, v8;
	_ =	sdelay $0x1  }
0x44: {  	s1 =	sor.u32 s25, s26  }
0x45: {  	s1 =	sor.u32 $0x380, s1  }
0x46: {  	[tilespmem:v7+s1+$0x0 ss:$0x1] =	vst.idx.msk $0xffff, v0  }
0x47: {  	v0 =	vld.idx.msk [tilespmem:v1+s4+$0x0], $0xffff  }
0x48: {  	v1 =	vadd.s32 $0x48, v8;
	_ =	sdelay $0x3  }
0x49: {  	[tilespmem:s30+$0x1000] =	vst v0  }
0x4a: {  	v0 =	vld.idx.msk [tilespmem:v1+s4+$0x0], $0xffff  }
0x4b: {  	v3 =	vld.idx.msk [tilespmem:v2+s4+$0x0], $0xffff;
	v1 =	vadd.s32 $0x50, v8  }
0x4c: {  	s23 =	simm.s32 $0x80;
	v4 =	vadd.s32 $0x8, v2  }
0x4d: {  	s24 =	simm.s32 $0x10;
	s25 =	sand.u32 $0xC00, s23  }
0x4e: {  	s26 =	sand.u32 $0x70, s24;
	s7 =	sadd.s32 s25, s22  }
0x4f: {  	s25 =	sadd.s32 s26, s7;
	[tilespmem:s30+$0x1080] =	vst v0  }
0x50: {  	[tilespmem:s25+$0x0] =	vst v3;
	v0 =	vld.idx.msk [tilespmem:v1+s4+$0x0], $0xffff  }
0x51: {  	v3 =	vld.idx.msk [tilespmem:v4+s4+$0x0], $0xffff;
	v1 =	vadd.s32 $0x58, v8  }
0x52: {  	v4 =	vadd.s32 $0x10, v2;
	_ =	sdelay $0x2  }
0x53: {  	[tilespmem:s30+$0x1100] =	vst v0  }
0x54: {  	[tilespmem:s25+$0x80] =	vst v3;
	v0 =	vld.idx.msk [tilespmem:v1+s4+$0x0], $0xffff  }
0x55: {  	v3 =	vld.idx.msk [tilespmem:v4+s4+$0x0], $0xffff;
	v1 =	vadd.s32 $0x60, v8  }
0x56: {  	v4 =	vadd.s32 $0x18, v2;
	_ =	sdelay $0x2  }
0x57: {  	[tilespmem:s30+$0x1180] =	vst v0  }
0x58: {  	[tilespmem:s25+$0x100] =	vst v3;
	v0 =	vld.idx.msk [tilespmem:v1+s4+$0x0], $0xffff  }
0x59: {  	v3 =	vld.idx.msk [tilespmem:v4+s4+$0x0], $0xffff;
	v1 =	vadd.s32 $0x68, v8  }
0x5a: {  	v4 =	vadd.s32 $0x20, v2;
	_ =	sdelay $0x2  }
0x5b: {  	[tilespmem:s30+$0x1200] =	vst v0  }
0x5c: {  	[tilespmem:s25+$0x180] =	vst v3;
	v0 =	vld.idx.msk [tilespmem:v1+s4+$0x0], $0xffff  }
0x5d: {  	v3 =	vld.idx.msk [tilespmem:v4+s4+$0x0], $0xffff;
	v1 =	vadd.s32 $0x70, v8  }
0x5e: {  	v4 =	vadd.s32 $0x28, v2;
	_ =	sdelay $0x2  }
0x5f: {  	[tilespmem:s30+$0x1280] =	vst v0  }
0x60: {  	[tilespmem:s25+$0x200] =	vst v3;
	v0 =	vld.idx.msk [tilespmem:v1+s4+$0x0], $0xffff  }
0x61: {  	v3 =	vld.idx.msk [tilespmem:v4+s4+$0x0], $0xffff;
	v1 =	vadd.s32 $0x78, v8  }
0x62: {  	v4 =	vadd.s32 $0x30, v2;
	_ =	sdelay $0x2  }
0x63: {  	[tilespmem:s30+$0x1300] =	vst v0  }
0x64: {  	[tilespmem:s25+$0x280] =	vst v3;
	v0 =	vld.idx.msk [tilespmem:v1+s4+$0x0], $0xffff  }
0x65: {  	v3 =	vld.idx.msk [tilespmem:v4+s4+$0x0], $0xffff;
	v1 =	vadd.s32 $0x80, v8  }
0x66: {  	v4 =	vadd.s32 $0x38, v2;
	_ =	sdelay $0x2  }
0x67: {  	[tilespmem:s30+$0x1380] =	vst v0  }
0x68: {  	[tilespmem:s25+$0x300] =	vst v3;
	v0 =	vld.idx.msk [tilespmem:v1+s4+$0x0], $0xffff  }
0x69: {  	v3 =	vld.idx.msk [tilespmem:v4+s4+$0x0], $0xffff;
	v1 =	vadd.s32 $0x88, v8  }
0x6a: {  	v4 =	vadd.s32 $0x40, v2;
	_ =	sdelay $0x1  }
0x6b: {  	s1 =	sor.u32 s23, s24  }
0x6c: {  	s1 =	sor.u32 $0x380, s1;
	[tilespmem:s30+$0x2000] =	vst v0  }
0x6d: {  	[tilespmem:v7+s1+$0x0 ss:$0x1] =	vst.idx.msk $0xffff, v3;
	v1 =	vld.idx.msk [tilespmem:v1+s4+$0x0], $0xffff  }
0x6e: {  	s0 =	sadd.s32 $0x10, s0;
	v3 =	vadd.s32 $0x90, v8;
	v4 =	vld.idx.msk [tilespmem:v4+s4+$0x0], $0xffff  }
0x6f: {  	v0 =	vld [tilespmem:s0+$0x0]  }
0x70: {  	v5 =	vadd.s32 $0x48, v2;
	_ =	sdelay $0x1  }
0x71: {  	[tilespmem:s30+$0x2080] =	vst v1  }
0x72: {  	v1 =	vld.idx.msk [tilespmem:v3+s4+$0x0], $0xffff  }
0x73: {  	[tilespmem:s25+$0x1000] =	vst v4;
	v3 =	vadd.s32 $0x98, v8  }
0x74: {  	v4 =	vld.idx.msk [tilespmem:v5+s4+$0x0], $0xffff  }
0x75: {  	v5 =	vadd.s32 $0x50, v2  }
0x76: {  	v6 =	vld.idx.msk [tilespmem:v0+s4+$0x0], $0xffff  }
0x77: {  	s10 =	simm.s32 $0x100;
	v9 =	vadd.s32 $0x8, v0;
	[tilespmem:s30+$0x2100] =	vst v1  }
0x78: {  	s11 =	simm.s32 $0x20;
	s24 =	sand.u32 $0xC00, s10;
	v1 =	vld.idx.msk [tilespmem:v3+s4+$0x0], $0xffff  }
0x79: {  	s26 =	sand.u32 $0x70, s11;
	s7 =	sadd.s32 s24, s22;
	[tilespmem:s25+$0x1080] =	vst v4;
	v3 =	vadd.s32 $0xA0, v8  }
0x7a: {  	s23 =	sadd.s32 s26, s7;
	v4 =	vld.idx.msk [tilespmem:v5+s4+$0x0], $0xffff  }
0x7b: {  	v5 =	vadd.s32 $0x58, v2;
	[tilespmem:s23+$0x0] =	vst v6  }
0x7c: {  	v6 =	vld.idx.msk [tilespmem:v9+s4+$0x0], $0xffff  }
0x7d: {  	v9 =	vadd.s32 $0x10, v0;
	[tilespmem:s30+$0x2180] =	vst v1  }
0x7e: {  	v1 =	vld.idx.msk [tilespmem:v3+s4+$0x0], $0xffff  }
0x7f: {  	[tilespmem:s25+$0x1100] =	vst v4;
	v3 =	vadd.s32 $0xA8, v8  }
0x80: {  	v4 =	vld.idx.msk [tilespmem:v5+s4+$0x0], $0xffff  }
0x81: {  	v5 =	vadd.s32 $0x60, v2;
	[tilespmem:s23+$0x80] =	vst v6  }
0x82: {  	v6 =	vld.idx.msk [tilespmem:v9+s4+$0x0], $0xffff  }
0x83: {  	v9 =	vadd.s32 $0x18, v0;
	[tilespmem:s30+$0x2200] =	vst v1  }
0x84: {  	v1 =	vld.idx.msk [tilespmem:v3+s4+$0x0], $0xffff  }
0x85: {  	[tilespmem:s25+$0x1180] =	vst v4;
	v3 =	vadd.s32 $0xB0, v8  }
0x86: {  	v4 =	vld.idx.msk [tilespmem:v5+s4+$0x0], $0xffff  }
0x87: {  	v5 =	vadd.s32 $0x68, v2;
	[tilespmem:s23+$0x100] =	vst v6  }
0x88: {  	v6 =	vld.idx.msk [tilespmem:v9+s4+$0x0], $0xffff  }
0x89: {  	v9 =	vadd.s32 $0x20, v0;
	[tilespmem:s30+$0x2280] =	vst v1  }
0x8a: {  	v1 =	vld.idx.msk [tilespmem:v3+s4+$0x0], $0xffff  }
0x8b: {  	[tilespmem:s25+$0x1200] =	vst v4;
	v3 =	vadd.s32 $0xB8, v8  }
0x8c: {  	v4 =	vld.idx.msk [tilespmem:v5+s4+$0x0], $0xffff  }
0x8d: {  	v5 =	vadd.s32 $0x70, v2;
	[tilespmem:s23+$0x180] =	vst v6  }
0x8e: {  	v6 =	vld.idx.msk [tilespmem:v9+s4+$0x0], $0xffff  }
0x8f: {  	v9 =	vadd.s32 $0x28, v0;
	[tilespmem:s30+$0x2300] =	vst v1  }
0x90: {  	v1 =	vld.idx.msk [tilespmem:v3+s4+$0x0], $0xffff  }
0x91: {  	[tilespmem:s25+$0x1280] =	vst v4;
	v3 =	vadd.s32 $0xC0, v8  }
0x92: {  	v4 =	vld.idx.msk [tilespmem:v5+s4+$0x0], $0xffff  }
0x93: {  	v5 =	vadd.s32 $0x78, v2;
	[tilespmem:s23+$0x200] =	vst v6  }
0x94: {  	v6 =	vld.idx.msk [tilespmem:v9+s4+$0x0], $0xffff  }
0x95: {  	v9 =	vadd.s32 $0x30, v0;
	[tilespmem:s30+$0x2380] =	vst v1  }
0x96: {  	v1 =	vld.idx.msk [tilespmem:v3+s4+$0x0], $0xffff  }
0x97: {  	[tilespmem:s25+$0x1300] =	vst v4;
	v3 =	vadd.s32 $0xC8, v8  }
0x98: {  	v4 =	vld.idx.msk [tilespmem:v5+s4+$0x0], $0xffff  }
0x99: {  	v5 =	vadd.s32 $0x80, v2;
	[tilespmem:s23+$0x280] =	vst v6  }
0x9a: {  	v6 =	vld.idx.msk [tilespmem:v9+s4+$0x0], $0xffff  }
0x9b: {  	v9 =	vadd.s32 $0x38, v0;
	[tilespmem:s30+$0x3000] =	vst v1  }
0x9c: {  	v1 =	vld.idx.msk [tilespmem:v3+s4+$0x0], $0xffff  }
0x9d: {  	[tilespmem:s25+$0x1380] =	vst v4;
	v3 =	vadd.s32 $0xD0, v8  }
0x9e: {  	v4 =	vld.idx.msk [tilespmem:v5+s4+$0x0], $0xffff  }
0x9f: {  	v5 =	vadd.s32 $0x88, v2;
	[tilespmem:s23+$0x300] =	vst v6  }
0xa0: {  	v6 =	vld.idx.msk [tilespmem:v9+s4+$0x0], $0xffff  }
0xa1: {  	v9 =	vadd.s32 $0x40, v0;
	[tilespmem:s30+$0x3080] =	vst v1  }
0xa2: {  	v3 =	vld.idx.msk [tilespmem:v3+s4+$0x0], $0xffff  }
0xa3: {  	s1 =	sor.u32 s10, s11;
	[tilespmem:s25+$0x2000] =	vst v4;
	v4 =	vadd.s32 $0xD8, v8  }
0xa4: {  	s1 =	sor.u32 $0x380, s1;
	s0 =	sadd.s32 $0x10, s0;
	v5 =	vld.idx.msk [tilespmem:v5+s4+$0x0], $0xffff  }
0xa5: {  	v1 =	vld [tilespmem:s0+$0x0];
	[tilespmem:v7+s1+$0x0 ss:$0x1] =	vst.idx.msk $0xffff, v6;
	v6 =	vadd.s32 $0x90, v2  }
0xa6: {  	v9 =	vld.idx.msk [tilespmem:v9+s4+$0x0], $0xffff  }
0xa7: {  	v10 =	vadd.s32 $0x48, v0;
	[tilespmem:s30+$0x3100] =	vst v3  }
0xa8: {  	v3 =	vld.idx.msk [tilespmem:v4+s4+$0x0], $0xffff  }
0xa9: {  	[tilespmem:s25+$0x2080] =	vst v5;
	v4 =	vadd.s32 $0xE0, v8  }
0xaa: {  	v5 =	vld.idx.msk [tilespmem:v6+s4+$0x0], $0xffff  }
0xab: {  	v6 =	vadd.s32 $0x98, v2;
	[tilespmem:s23+$0x1000] =	vst v9  }
0xac: {  	v9 =	vld.idx.msk [tilespmem:v10+s4+$0x0], $0xffff  }
0xad: {  	v11 =	vadd.s32 $0x50, v0;
	v10 =	vld.idx.msk [tilespmem:v1+s4+$0x0], $0xffff;
	[tilespmem:s30+$0x3180] =	vst v3  }
0xae: {  	s10 =	simm.s32 $0x180;
	v3 =	vld.idx.msk [tilespmem:v4+s4+$0x0], $0xffff;
	v4 =	vadd.s32 $0x8, v1  }
0xaf: {  	s11 =	simm.s32 $0x30;
	s24 =	sand.u32 $0xC00, s10;
	[tilespmem:s25+$0x2100] =	vst v5;
	v5 =	vadd.s32 $0xE8, v8  }
0xb0: {  	s26 =	sand.u32 $0x70, s11;
	s7 =	sadd.s32 s24, s22;
	v6 =	vld.idx.msk [tilespmem:v6+s4+$0x0], $0xffff  }
0xb1: {  	s24 =	sadd.s32 s26, s7;
	[tilespmem:s23+$0x1080] =	vst v9;
	v9 =	vadd.s32 $0xA0, v2  }
0xb2: {  	[tilespmem:s24+$0x0] =	vst v10;
	v11 =	vld.idx.msk [tilespmem:v11+s4+$0x0], $0xffff  }
0xb3: {  	v10 =	vadd.s32 $0x58, v0;
	v4 =	vld.idx.msk [tilespmem:v4+s4+$0x0], $0xffff;
	[tilespmem:s30+$0x3200] =	vst v3  }
0xb4: {  	v3 =	vld.idx.msk [tilespmem:v5+s4+$0x0], $0xffff;
	v5 =	vadd.s32 $0x10, v1  }
0xb5: {  	[tilespmem:s25+$0x2180] =	vst v6;
	v6 =	vadd.s32 $0xF0, v8  }
0xb6: {  	v9 =	vld.idx.msk [tilespmem:v9+s4+$0x0], $0xffff  }
0xb7: {  	[tilespmem:s23+$0x1100] =	vst v11;
	v11 =	vadd.s32 $0xA8, v2  }
0xb8: {  	v10 =	vld.idx.msk [tilespmem:v10+s4+$0x0], $0xffff;
	[tilespmem:s24+$0x80] =	vst v4  }
0xb9: {  	v4 =	vld.idx.msk [tilespmem:v5+s4+$0x0], $0xffff;
	v5 =	vadd.s32 $0x60, v0;
	[tilespmem:s30+$0x3280] =	vst v3  }
0xba: {  	v3 =	vld.idx.msk [tilespmem:v6+s4+$0x0], $0xffff;
	v6 =	vadd.s32 $0x18, v1  }
0xbb: {  	[tilespmem:s25+$0x2200] =	vst v9;
	v9 =	vadd.s32 $0xF8, v8  }
0xbc: {  	v11 =	vld.idx.msk [tilespmem:v11+s4+$0x0], $0xffff  }
0xbd: {  	[tilespmem:s23+$0x1180] =	vst v10;
	v10 =	vadd.s32 $0xB0, v2  }
0xbe: {  	v5 =	vld.idx.msk [tilespmem:v5+s4+$0x0], $0xffff;
	[tilespmem:s24+$0x100] =	vst v4  }
0xbf: {  	v4 =	vld.idx.msk [tilespmem:v6+s4+$0x0], $0xffff;
	v6 =	vadd.s32 $0x68, v0;
	[tilespmem:s30+$0x3300] =	vst v3  }
0xc0: {  	v3 =	vld.idx.msk [tilespmem:v9+s4+$0x0], $0xffff;
	v9 =	vadd.s32 $0x20, v1  }
0xc1: {  	[tilespmem:s25+$0x2280] =	vst v11;
	v11 =	vadd.s32 $0x100, v8  }
0xc2: {  	v10 =	vld.idx.msk [tilespmem:v10+s4+$0x0], $0xffff  }
0xc3: {  	[tilespmem:s23+$0x1200] =	vst v5;
	v5 =	vadd.s32 $0xB8, v2  }
0xc4: {  	v6 =	vld.idx.msk [tilespmem:v6+s4+$0x0], $0xffff;
	[tilespmem:s24+$0x180] =	vst v4  }
0xc5: {  	v4 =	vld.idx.msk [tilespmem:v9+s4+$0x0], $0xffff;
	v9 =	vadd.s32 $0x70, v0;
	[tilespmem:s30+$0x3380] =	vst v3  }
0xc6: {  	v3 =	vld.idx.msk [tilespmem:v11+s4+$0x0], $0xffff;
	v11 =	vadd.s32 $0x28, v1  }
0xc7: {  	[tilespmem:s25+$0x2300] =	vst v10;
	v10 =	vadd.s32 $0x108, v8  }
0xc8: {  	v5 =	vld.idx.msk [tilespmem:v5+s4+$0x0], $0xffff  }
0xc9: {  	[tilespmem:s23+$0x1280] =	vst v6;
	v6 =	vadd.s32 $0xC0, v2  }
0xca: {  	v9 =	vld.idx.msk [tilespmem:v9+s4+$0x0], $0xffff;
	[tilespmem:s24+$0x200] =	vst v4  }
0xcb: {  	v4 =	vld.idx.msk [tilespmem:v11+s4+$0x0], $0xffff;
	v11 =	vadd.s32 $0x78, v0;
	[tilespmem:s30+$0x4000] =	vst v3  }
0xcc: {  	v3 =	vld.idx.msk [tilespmem:v10+s4+$0x0], $0xffff;
	v10 =	vadd.s32 $0x30, v1  }
0xcd: {  	[tilespmem:s25+$0x2380] =	vst v5;
	v5 =	vadd.s32 $0x110, v8  }
0xce: {  	v6 =	vld.idx.msk [tilespmem:v6+s4+$0x0], $0xffff  }
0xcf: {  	[tilespmem:s23+$0x1300] =	vst v9;
	v9 =	vadd.s32 $0xC8, v2  }
0xd0: {  	v11 =	vld.idx.msk [tilespmem:v11+s4+$0x0], $0xffff;
	[tilespmem:s24+$0x280] =	vst v4  }
0xd1: {  	v4 =	vld.idx.msk [tilespmem:v10+s4+$0x0], $0xffff;
	v10 =	vadd.s32 $0x80, v0;
	[tilespmem:s30+$0x4080] =	vst v3  }
0xd2: {  	v3 =	vld.idx.msk [tilespmem:v5+s4+$0x0], $0xffff;
	v5 =	vadd.s32 $0x38, v1  }
0xd3: {  	[tilespmem:s25+$0x3000] =	vst v6;
	v6 =	vadd.s32 $0x118, v8  }
0xd4: {  	v9 =	vld.idx.msk [tilespmem:v9+s4+$0x0], $0xffff  }
0xd5: {  	[tilespmem:s23+$0x1380] =	vst v11;
	v11 =	vadd.s32 $0xD0, v2  }
0xd6: {  	v10 =	vld.idx.msk [tilespmem:v10+s4+$0x0], $0xffff;
	[tilespmem:s24+$0x300] =	vst v4  }
0xd7: {  	v4 =	vld.idx.msk [tilespmem:v5+s4+$0x0], $0xffff;
	v5 =	vadd.s32 $0x88, v0;
	[tilespmem:s30+$0x4100] =	vst v3  }
0xd8: {  	v12 =	vadd.s32 $0x40, v1;
	v6 =	vld.idx.msk [tilespmem:v6+s4+$0x0], $0xffff  }
0xd9: {  	[tilespmem:s25+$0x3080] =	vst v9;
	v9 =	vadd.s32 $0x120, v8  }
0xda: {  	s0 =	sadd.s32 $0x10, s0;
	s1 =	sor.u32 s10, s11;
	v11 =	vld.idx.msk [tilespmem:v11+s4+$0x0], $0xffff  }
0xdb: {  	s1 =	sor.u32 $0x380, s1;
	v3 =	vld [tilespmem:s0+$0x0];
	[tilespmem:s23+$0x2000] =	vst v10;
	v10 =	vadd.s32 $0xD8, v2  }
0xdc: {  	v5 =	vld.idx.msk [tilespmem:v5+s4+$0x0], $0xffff;
	[tilespmem:v7+s1+$0x0 ss:$0x1] =	vst.idx.msk $0xffff, v4  }
0xdd: {  	v4 =	vld.idx.msk [tilespmem:v12+s4+$0x0], $0xffff;
	v12 =	vadd.s32 $0x90, v0;
	[tilespmem:s30+$0x4180] =	vst v6  }
0xde: {  	v6 =	vld.idx.msk [tilespmem:v9+s4+$0x0], $0xffff;
	v9 =	vadd.s32 $0x48, v1  }
0xdf: {  	[tilespmem:s25+$0x3100] =	vst v11;
	v11 =	vadd.s32 $0x128, v8  }
0xe0: {  	v10 =	vld.idx.msk [tilespmem:v10+s4+$0x0], $0xffff  }
0xe1: {  	[tilespmem:s23+$0x2080] =	vst v5;
	v5 =	vadd.s32 $0xE0, v2  }
0xe2: {  	v12 =	vld.idx.msk [tilespmem:v12+s4+$0x0], $0xffff;
	[tilespmem:s24+$0x1000] =	vst v4  }
0xe3: {  	v4 =	vld.idx.msk [tilespmem:v9+s4+$0x0], $0xffff;
	v9 =	vadd.s32 $0x98, v0;
	[tilespmem:s30+$0x4200] =	vst v6  }
0xe4: {  	v6 =	vld.idx.msk [tilespmem:v11+s4+$0x0], $0xffff;
	v11 =	vadd.s32 $0x50, v1  }
0xe5: {  	v13 =	vld.idx.msk [tilespmem:v3+s4+$0x0], $0xffff;
	[tilespmem:s25+$0x3180] =	vst v10;
	v10 =	vadd.s32 $0x130, v8  }
0xe6: {  	s6 =	simm.s32 $0x200;
	v14 =	vadd.s32 $0x8, v3;
	v5 =	vld.idx.msk [tilespmem:v5+s4+$0x0], $0xffff  }
0xe7: {  	s10 =	simm.s32 $0x40;
	s11 =	sand.u32 $0xC00, s6;
	[tilespmem:s23+$0x2100] =	vst v12;
	v12 =	vadd.s32 $0xE8, v2  }
0xe8: {  	s26 =	sand.u32 $0x70, s10;
	s7 =	sadd.s32 s11, s22;
	v9 =	vld.idx.msk [tilespmem:v9+s4+$0x0], $0xffff;
	[tilespmem:s24+$0x1080] =	vst v4  }
0xe9: {  	s26 =	sadd.s32 s26, s7;
	v4 =	vld.idx.msk [tilespmem:v11+s4+$0x0], $0xffff;
	v11 =	vadd.s32 $0xA0, v0;
	[tilespmem:s30+$0x4280] =	vst v6  }
0xea: {  	[tilespmem:s26+$0x0] =	vst v13;
	v6 =	vld.idx.msk [tilespmem:v10+s4+$0x0], $0xffff;
	v10 =	vadd.s32 $0x58, v1  }
0xeb: {  	v13 =	vld.idx.msk [tilespmem:v14+s4+$0x0], $0xffff;
	[tilespmem:s25+$0x3200] =	vst v5;
	v5 =	vadd.s32 $0x138, v8  }
0xec: {  	v14 =	vadd.s32 $0x10, v3;
	v12 =	vld.idx.msk [tilespmem:v12+s4+$0x0], $0xffff  }
0xed: {  	[tilespmem:s23+$0x2180] =	vst v9;
	v9 =	vadd.s32 $0xF0, v2  }
0xee: {  	v11 =	vld.idx.msk [tilespmem:v11+s4+$0x0], $0xffff;
	[tilespmem:s24+$0x1100] =	vst v4  }
0xef: {  	v4 =	vld.idx.msk [tilespmem:v10+s4+$0x0], $0xffff;
	v10 =	vadd.s32 $0xA8, v0;
	[tilespmem:s30+$0x4300] =	vst v6  }
0xf0: {  	[tilespmem:s26+$0x80] =	vst v13;
	v6 =	vadd.s32 $0x60, v1;
	v5 =	vld.idx.msk [tilespmem:v5+s4+$0x0], $0xffff  }
0xf1: {  	v13 =	vld.idx.msk [tilespmem:v14+s4+$0x0], $0xffff;
	[tilespmem:s25+$0x3280] =	vst v12;
	v12 =	vadd.s32 $0x140, v8  }
0xf2: {  	v14 =	vadd.s32 $0x18, v3;
	v9 =	vld.idx.msk [tilespmem:v9+s4+$0x0], $0xffff  }
0xf3: {  	[tilespmem:s23+$0x2200] =	vst v11;
	v11 =	vadd.s32 $0xF8, v2  }
0xf4: {  	v10 =	vld.idx.msk [tilespmem:v10+s4+$0x0], $0xffff;
	[tilespmem:s24+$0x1180] =	vst v4  }
0xf5: {  	v4 =	vld.idx.msk [tilespmem:v6+s4+$0x0], $0xffff;
	v6 =	vadd.s32 $0xB0, v0;
	[tilespmem:s30+$0x4380] =	vst v5  }
0xf6: {  	[tilespmem:s26+$0x100] =	vst v13;
	v5 =	vld.idx.msk [tilespmem:v12+s4+$0x0], $0xffff;
	v12 =	vadd.s32 $0x68, v1  }
0xf7: {  	v13 =	vld.idx.msk [tilespmem:v14+s4+$0x0], $0xffff;
	[tilespmem:s25+$0x3300] =	vst v9;
	v9 =	vadd.s32 $0x148, v8  }
0xf8: {  	v14 =	vadd.s32 $0x20, v3;
	v11 =	vld.idx.msk [tilespmem:v11+s4+$0x0], $0xffff  }
0xf9: {  	[tilespmem:s23+$0x2280] =	vst v10;
	v10 =	vadd.s32 $0x100, v2  }
0xfa: {  	v6 =	vld.idx.msk [tilespmem:v6+s4+$0x0], $0xffff;
	[tilespmem:s24+$0x1200] =	vst v4  }
0xfb: {  	v4 =	vld.idx.msk [tilespmem:v12+s4+$0x0], $0xffff;
	v12 =	vadd.s32 $0xB8, v0;
	[tilespmem:s30+$0x5000] =	vst v5  }
0xfc: {  	[tilespmem:s26+$0x180] =	vst v13;
	v5 =	vld.idx.msk [tilespmem:v9+s4+$0x0], $0xffff;
	v9 =	vadd.s32 $0x70, v1  }
0xfd: {  	v13 =	vld.idx.msk [tilespmem:v14+s4+$0x0], $0xffff;
	[tilespmem:s25+$0x3380] =	vst v11;
	v11 =	vadd.s32 $0x150, v8  }
0xfe: {  	v14 =	vadd.s32 $0x28, v3;
	v10 =	vld.idx.msk [tilespmem:v10+s4+$0x0], $0xffff  }
0xff: {  	[tilespmem:s23+$0x2300] =	vst v6;
	v6 =	vadd.s32 $0x108, v2  }
0x100: {  	v12 =	vld.idx.msk [tilespmem:v12+s4+$0x0], $0xffff;
	[tilespmem:s24+$0x1280] =	vst v4  }
0x101: {  	v4 =	vld.idx.msk [tilespmem:v9+s4+$0x0], $0xffff;
	v9 =	vadd.s32 $0xC0, v0;
	[tilespmem:s30+$0x5080] =	vst v5  }
0x102: {  	[tilespmem:s26+$0x200] =	vst v13;
	v5 =	vld.idx.msk [tilespmem:v11+s4+$0x0], $0xffff;
	v11 =	vadd.s32 $0x78, v1  }
0x103: {  	v13 =	vld.idx.msk [tilespmem:v14+s4+$0x0], $0xffff;
	[tilespmem:s25+$0x4000] =	vst v10;
	v10 =	vadd.s32 $0x158, v8  }
0x104: {  	v14 =	vadd.s32 $0x30, v3;
	v6 =	vld.idx.msk [tilespmem:v6+s4+$0x0], $0xffff  }
0x105: {  	[tilespmem:s23+$0x2380] =	vst v12;
	v12 =	vadd.s32 $0x110, v2  }
0x106: {  	v9 =	vld.idx.msk [tilespmem:v9+s4+$0x0], $0xffff;
	[tilespmem:s24+$0x1300] =	vst v4  }
0x107: {  	v4 =	vld.idx.msk [tilespmem:v11+s4+$0x0], $0xffff;
	v11 =	vadd.s32 $0xC8, v0;
	[tilespmem:s30+$0x5100] =	vst v5  }
0x108: {  	[tilespmem:s26+$0x280] =	vst v13;
	v5 =	vld.idx.msk [tilespmem:v10+s4+$0x0], $0xffff;
	v10 =	vadd.s32 $0x80, v1  }
0x109: {  	v13 =	vld.idx.msk [tilespmem:v14+s4+$0x0], $0xffff;
	[tilespmem:s25+$0x4080] =	vst v6;
	v6 =	vadd.s32 $0x160, v8  }
0x10a: {  	v14 =	vadd.s32 $0x38, v3;
	v12 =	vld.idx.msk [tilespmem:v12+s4+$0x0], $0xffff  }
0x10b: {  	[tilespmem:s23+$0x3000] =	vst v9;
	v9 =	vadd.s32 $0x118, v2  }
0x10c: {  	v11 =	vld.idx.msk [tilespmem:v11+s4+$0x0], $0xffff;
	[tilespmem:s24+$0x1380] =	vst v4  }
0x10d: {  	v15 =	vadd.s32 $0xD0, v0;
	v10 =	vld.idx.msk [tilespmem:v10+s4+$0x0], $0xffff;
	[tilespmem:s30+$0x5180] =	vst v5  }
0x10e: {  	[tilespmem:s26+$0x300] =	vst v13;
	v5 =	vld.idx.msk [tilespmem:v6+s4+$0x0], $0xffff;
	v6 =	vadd.s32 $0x88, v1  }
0x10f: {  	v13 =	vld.idx.msk [tilespmem:v14+s4+$0x0], $0xffff;
	[tilespmem:s25+$0x4100] =	vst v12;
	v12 =	vadd.s32 $0x168, v8  }
0x110: {  	s0 =	sadd.s32 $0x10, s0;
	v14 =	vadd.s32 $0x40, v3;
	v9 =	vld.idx.msk [tilespmem:v9+s4+$0x0], $0xffff  }
0x111: {  	v4 =	vld [tilespmem:s0+$0x0];
	[tilespmem:s23+$0x3080] =	vst v11;
	v11 =	vadd.s32 $0x120, v2  }
0x112: {  	s1 =	sor.u32 s6, s10;
	v15 =	vld.idx.msk [tilespmem:v15+s4+$0x0], $0xffff;
	[tilespmem:s24+$0x2000] =	vst v10  }
0x113: {  	s1 =	sor.u32 $0x380, s1;
	v10 =	vadd.s32 $0xD8, v0;
	v6 =	vld.idx.msk [tilespmem:v6+s4+$0x0], $0xffff;
	[tilespmem:s30+$0x5200] =	vst v5  }
0x114: {  	[tilespmem:v7+s1+$0x0 ss:$0x1] =	vst.idx.msk $0xffff, v13;
	v13 =	vadd.s32 $0x90, v1;
	v12 =	vld.idx.msk [tilespmem:v12+s4+$0x0], $0xffff  }
0x115: {  	v16 =	vadd.s32 $0x170, v8;
	v14 =	vld.idx.msk [tilespmem:v14+s4+$0x0], $0xffff;
	[tilespmem:s25+$0x4180] =	vst v9  }
0x116: {  	s0 =	sadd.s32 $0x10, s0;
	v9 =	vld.idx.msk [tilespmem:v11+s4+$0x0], $0xffff;
	v11 =	vadd.s32 $0x48, v3  }
0x117: {  	v5 =	vld [tilespmem:s0+$0x0];
	[tilespmem:s23+$0x3100] =	vst v15;
	v15 =	vadd.s32 $0x128, v2  }
0x118: {  	v10 =	vld.idx.msk [tilespmem:v10+s4+$0x0], $0xffff;
	[tilespmem:s24+$0x2080] =	vst v6  }
0x119: {  	v6 =	vld.idx.msk [tilespmem:v13+s4+$0x0], $0xffff;
	v13 =	vadd.s32 $0xE0, v0;
	[tilespmem:s30+$0x5280] =	vst v12  }
0x11a: {  	[tilespmem:s26+$0x1000] =	vst v14;
	v14 =	vadd.s32 $0x98, v1;
	v12 =	vld.idx.msk [tilespmem:v16+s4+$0x0], $0xffff  }
0x11b: {  	v11 =	vld.idx.msk [tilespmem:v11+s4+$0x0], $0xffff;
	[tilespmem:s25+$0x4200] =	vst v9;
	v9 =	vadd.s32 $0x178, v8  }
0x11c: {  	v16 =	vadd.s32 $0x50, v3;
	v15 =	vld.idx.msk [tilespmem:v15+s4+$0x0], $0xffff  }
0x11d: {  	v17 =	vld.idx.msk [tilespmem:v4+s4+$0x0], $0xffff;
	[tilespmem:s23+$0x3180] =	vst v10;
	v10 =	vadd.s32 $0x130, v2  }
0x11e: {  	s1 =	simm.s32 $0x280;
	v18 =	vadd.s32 $0x8, v4;
	v13 =	vld.idx.msk [tilespmem:v13+s4+$0x0], $0xffff;
	[tilespmem:s24+$0x2100] =	vst v6  }
0x11f: {  	s6 =	simm.s32 $0x50;
	s10 =	sand.u32 $0xC00, s1;
	v6 =	vld.idx.msk [tilespmem:v14+s4+$0x0], $0xffff;
	v14 =	vadd.s32 $0xE8, v0;
	[tilespmem:s30+$0x5300] =	vst v12  }
0x120: {  	s11 =	sand.u32 $0x70, s6;
	s7 =	sadd.s32 s10, s22;
	[tilespmem:s26+$0x1080] =	vst v11;
	v9 =	vld.idx.msk [tilespmem:v9+s4+$0x0], $0xffff;
	v11 =	vadd.s32 $0xA0, v1  }
0x121: {  	s28 =	sadd.s32 s11, s7;
	v12 =	vld.idx.msk [tilespmem:v16+s4+$0x0], $0xffff;
	[tilespmem:s25+$0x4280] =	vst v15;
	v15 =	vadd.s32 $0x180, v8  }
0x122: {  	[tilespmem:s28+$0x0] =	vst v17;
	v16 =	vadd.s32 $0x58, v3;
	v10 =	vld.idx.msk [tilespmem:v10+s4+$0x0], $0xffff  }
0x123: {  	v17 =	vld.idx.msk [tilespmem:v18+s4+$0x0], $0xffff;
	[tilespmem:s23+$0x3200] =	vst v13;
	v13 =	vadd.s32 $0x138, v2  }
0x124: {  	v18 =	vadd.s32 $0x10, v4;
	v14 =	vld.idx.msk [tilespmem:v14+s4+$0x0], $0xffff;
	[tilespmem:s24+$0x2180] =	vst v6  }
0x125: {  	v6 =	vld.idx.msk [tilespmem:v11+s4+$0x0], $0xffff;
	v11 =	vadd.s32 $0xF0, v0;
	[tilespmem:s30+$0x5380] =	vst v9  }
0x126: {  	[tilespmem:s26+$0x1100] =	vst v12;
	v9 =	vld.idx.msk [tilespmem:v15+s4+$0x0], $0xffff;
	v12 =	vadd.s32 $0xA8, v1  }
0x127: {  	v15 =	vld.idx.msk [tilespmem:v16+s4+$0x0], $0xffff;
	[tilespmem:s25+$0x4300] =	vst v10;
	v10 =	vadd.s32 $0x188, v8  }
0x128: {  	[tilespmem:s28+$0x80] =	vst v17;
	v16 =	vadd.s32 $0x60, v3;
	v13 =	vld.idx.msk [tilespmem:v13+s4+$0x0], $0xffff  }
0x129: {  	v17 =	vld.idx.msk [tilespmem:v18+s4+$0x0], $0xffff;
	[tilespmem:s23+$0x3280] =	vst v14;
	v14 =	vadd.s32 $0x140, v2  }
0x12a: {  	v18 =	vadd.s32 $0x18, v4;
	v11 =	vld.idx.msk [tilespmem:v11+s4+$0x0], $0xffff;
	[tilespmem:s24+$0x2200] =	vst v6  }
0x12b: {  	v6 =	vld.idx.msk [tilespmem:v12+s4+$0x0], $0xffff;
	v12 =	vadd.s32 $0xF8, v0;
	[tilespmem:s30+$0x6000] =	vst v9  }
0x12c: {  	[tilespmem:s26+$0x1180] =	vst v15;
	v9 =	vld.idx.msk [tilespmem:v10+s4+$0x0], $0xffff;
	v10 =	vadd.s32 $0xB0, v1  }
0x12d: {  	v15 =	vld.idx.msk [tilespmem:v16+s4+$0x0], $0xffff;
	[tilespmem:s25+$0x4380] =	vst v13;
	v13 =	vadd.s32 $0x190, v8  }
0x12e: {  	[tilespmem:s28+$0x100] =	vst v17;
	v16 =	vadd.s32 $0x68, v3;
	v14 =	vld.idx.msk [tilespmem:v14+s4+$0x0], $0xffff  }
0x12f: {  	v17 =	vld.idx.msk [tilespmem:v18+s4+$0x0], $0xffff;
	[tilespmem:s23+$0x3300] =	vst v11;
	v11 =	vadd.s32 $0x148, v2  }
0x130: {  	v18 =	vadd.s32 $0x20, v4;
	v12 =	vld.idx.msk [tilespmem:v12+s4+$0x0], $0xffff;
	[tilespmem:s24+$0x2280] =	vst v6  }
0x131: {  	v6 =	vld.idx.msk [tilespmem:v10+s4+$0x0], $0xffff;
	v10 =	vadd.s32 $0x100, v0;
	[tilespmem:s30+$0x6080] =	vst v9  }
0x132: {  	[tilespmem:s26+$0x1200] =	vst v15;
	v9 =	vld.idx.msk [tilespmem:v13+s4+$0x0], $0xffff;
	v13 =	vadd.s32 $0xB8, v1  }
0x133: {  	v15 =	vld.idx.msk [tilespmem:v16+s4+$0x0], $0xffff;
	[tilespmem:s25+$0x5000] =	vst v14;
	v14 =	vadd.s32 $0x198, v8  }
0x134: {  	[tilespmem:s28+$0x180] =	vst v17;
	v16 =	vadd.s32 $0x70, v3;
	v11 =	vld.idx.msk [tilespmem:v11+s4+$0x0], $0xffff  }
0x135: {  	v17 =	vld.idx.msk [tilespmem:v18+s4+$0x0], $0xffff;
	[tilespmem:s23+$0x3380] =	vst v12;
	v12 =	vadd.s32 $0x150, v2  }
0x136: {  	v18 =	vadd.s32 $0x28, v4;
	v10 =	vld.idx.msk [tilespmem:v10+s4+$0x0], $0xffff;
	[tilespmem:s24+$0x2300] =	vst v6  }
0x137: {  	v6 =	vld.idx.msk [tilespmem:v13+s4+$0x0], $0xffff;
	v13 =	vadd.s32 $0x108, v0;
	[tilespmem:s30+$0x6100] =	vst v9  }
0x138: {  	[tilespmem:s26+$0x1280] =	vst v15;
	v9 =	vld.idx.msk [tilespmem:v14+s4+$0x0], $0xffff;
	v14 =	vadd.s32 $0xC0, v1  }
0x139: {  	v15 =	vld.idx.msk [tilespmem:v16+s4+$0x0], $0xffff;
	[tilespmem:s25+$0x5080] =	vst v11;
	v11 =	vadd.s32 $0x1A0, v8  }
0x13a: {  	[tilespmem:s28+$0x200] =	vst v17;
	v16 =	vadd.s32 $0x78, v3;
	v12 =	vld.idx.msk [tilespmem:v12+s4+$0x0], $0xffff  }
0x13b: {  	v17 =	vld.idx.msk [tilespmem:v18+s4+$0x0], $0xffff;
	[tilespmem:s23+$0x4000] =	vst v10;
	v10 =	vadd.s32 $0x158, v2  }
0x13c: {  	v18 =	vadd.s32 $0x30, v4;
	v13 =	vld.idx.msk [tilespmem:v13+s4+$0x0], $0xffff;
	[tilespmem:s24+$0x2380] =	vst v6  }
0x13d: {  	v6 =	vld.idx.msk [tilespmem:v14+s4+$0x0], $0xffff;
	v14 =	vadd.s32 $0x110, v0;
	[tilespmem:s30+$0x6180] =	vst v9  }
0x13e: {  	[tilespmem:s26+$0x1300] =	vst v15;
	v9 =	vld.idx.msk [tilespmem:v11+s4+$0x0], $0xffff;
	v11 =	vadd.s32 $0xC8, v1  }
0x13f: {  	v15 =	vld.idx.msk [tilespmem:v16+s4+$0x0], $0xffff;
	[tilespmem:s25+$0x5100] =	vst v12;
	v12 =	vadd.s32 $0x1A8, v8  }
0x140: {  	[tilespmem:s28+$0x280] =	vst v17;
	v16 =	vadd.s32 $0x80, v3;
	v10 =	vld.idx.msk [tilespmem:v10+s4+$0x0], $0xffff  }
0x141: {  	v17 =	vld.idx.msk [tilespmem:v18+s4+$0x0], $0xffff;
	[tilespmem:s23+$0x4080] =	vst v13;
	v13 =	vadd.s32 $0x160, v2  }
0x142: {  	v18 =	vadd.s32 $0x38, v4;
	v14 =	vld.idx.msk [tilespmem:v14+s4+$0x0], $0xffff;
	[tilespmem:s24+$0x3000] =	vst v6  }
0x143: {  	v6 =	vld.idx.msk [tilespmem:v11+s4+$0x0], $0xffff;
	v11 =	vadd.s32 $0x118, v0;
	[tilespmem:s30+$0x6200] =	vst v9  }
0x144: {  	[tilespmem:s26+$0x1380] =	vst v15;
	v9 =	vld.idx.msk [tilespmem:v12+s4+$0x0], $0xffff;
	v12 =	vadd.s32 $0xD0, v1  }
0x145: {  	v15 =	vld.idx.msk [tilespmem:v16+s4+$0x0], $0xffff;
	[tilespmem:s25+$0x5180] =	vst v10;
	v10 =	vadd.s32 $0x1B0, v8  }
0x146: {  	[tilespmem:s28+$0x300] =	vst v17;
	v16 =	vadd.s32 $0x88, v3;
	v13 =	vld.idx.msk [tilespmem:v13+s4+$0x0], $0xffff  }
0x147: {  	v17 =	vld.idx.msk [tilespmem:v18+s4+$0x0], $0xffff;
	[tilespmem:s23+$0x4100] =	vst v14;
	v14 =	vadd.s32 $0x168, v2  }
0x148: {  	v18 =	vadd.s32 $0x40, v4;
	v11 =	vld.idx.msk [tilespmem:v11+s4+$0x0], $0xffff;
	[tilespmem:s24+$0x3080] =	vst v6  }
0x149: {  	v6 =	vadd.s32 $0x120, v0;
	v12 =	vld.idx.msk [tilespmem:v12+s4+$0x0], $0xffff;
	[tilespmem:s30+$0x6280] =	vst v9  }
0x14a: {  	s1 =	sor.u32 s1, s6;
	[tilespmem:s26+$0x2000] =	vst v15;
	v9 =	vld.idx.msk [tilespmem:v10+s4+$0x0], $0xffff  }
0x14b: {  	s1 =	sor.u32 $0x380, s1;
	v15 =	vadd.s32 $0xD8, v1;
	v10 =	vld.idx.msk [tilespmem:v16+s4+$0x0], $0xffff;
	[tilespmem:s25+$0x5200] =	vst v13  }
0x14c: {  	[tilespmem:v7+s1+$0x0 ss:$0x1] =	vst.idx.msk $0xffff, v17;
	v13 =	vld.idx.msk [tilespmem:v14+s4+$0x0], $0xffff;
	v14 =	vadd.s32 $0x1B8, v8  }
0x14d: {  	v17 =	vadd.s32 $0x90, v3;
	v16 =	vld.idx.msk [tilespmem:v18+s4+$0x0], $0xffff;
	[tilespmem:s23+$0x4180] =	vst v11  }
0x14e: {  	s31 =	sadd.s32 $0x10, s0;
	v19 =	vadd.s32 $0x48, v4;
	v18 =	vld.idx.msk [tilespmem:v6+s4+$0x0], $0xffff  }
0x14f: {  	v11 =	vadd.s32 $0x170, v2;
	v6 =	vld [tilespmem:s31+$0x0];
	[tilespmem:s24+$0x3100] =	vst v12  }
0x150: {  	v12 =	vld.idx.msk [tilespmem:v15+s4+$0x0], $0xffff;
	[tilespmem:s30+$0x6300] =	vst v9  }
0x151: {  	v15 =	vadd.s32 $0x128, v0;
	[tilespmem:s26+$0x2080] =	vst v10;
	v9 =	vld.idx.msk [tilespmem:v14+s4+$0x0], $0xffff  }
0x152: {  	[tilespmem:s28+$0x1000] =	vst v16;
	v10 =	vld.idx.msk [tilespmem:v17+s4+$0x0], $0xffff;
	v14 =	vadd.s32 $0xE0, v1  }
0x153: {  	[tilespmem:s25+$0x5280] =	vst v13;
	v13 =	vadd.s32 $0x1C0, v8;
	v16 =	vld.idx.msk [tilespmem:v19+s4+$0x0], $0xffff  }
0x154: {  	v17 =	vadd.s32 $0x98, v3;
	v11 =	vld.idx.msk [tilespmem:v11+s4+$0x0], $0xffff;
	[tilespmem:s23+$0x4200] =	vst v18  }
0x155: {  	v19 =	vld.idx.msk [tilespmem:v5+s4+$0x0], $0xffff;
	v18 =	vadd.s32 $0x178, v2;
	[tilespmem:s24+$0x3180] =	vst v12  }
0x156: {  	v20 =	vadd.s32 $0x50, v4;
	s1 =	simm.s32 $0x300;
	v15 =	vld.idx.msk [tilespmem:v15+s4+$0x0], $0xffff;
	[tilespmem:s30+$0x6380] =	vst v9  }
0x157: {  	s9 =	simm.s32 $0x60;
	s10 =	sand.u32 $0xC00, s1;
	v12 =	vld.idx.msk [tilespmem:v14+s4+$0x0], $0xffff;
	v14 =	vadd.s32 $0x130, v0;
	[tilespmem:s26+$0x2100] =	vst v10  }
0x158: {  	s11 =	sand.u32 $0x70, s9;
	s6 =	sadd.s32 s10, s22;
	v9 =	vadd.s32 $0x8, v5;
	[tilespmem:s28+$0x1080] =	vst v16;
	v10 =	vld.idx.msk [tilespmem:v13+s4+$0x0], $0xffff  }
0x159: {  	s29 =	sadd.s32 s11, s6;
	v13 =	vld.idx.msk [tilespmem:v17+s4+$0x0], $0xffff;
	v17 =	vadd.s32 $0xE8, v1;
	[tilespmem:s25+$0x5300] =	vst v11  }
0x15a: {  	v16 =	vadd.s32 $0x1C8, v8;
	[tilespmem:s29+$0x0] =	vst v19;
	v11 =	vld.idx.msk [tilespmem:v18+s4+$0x0], $0xffff  }
0x15b: {  	v18 =	vld.idx.msk [tilespmem:v20+s4+$0x0], $0xffff;
	v20 =	vadd.s32 $0xA0, v3;
	[tilespmem:s23+$0x4280] =	vst v15  }
0x15c: {  	v15 =	vadd.s32 $0x180, v2;
	v14 =	vld.idx.msk [tilespmem:v14+s4+$0x0], $0xffff;
	[tilespmem:s24+$0x3200] =	vst v12  }
0x15d: {  	v19 =	vadd.s32 $0x58, v4;
	v9 =	vld.idx.msk [tilespmem:v9+s4+$0x0], $0xffff;
	[tilespmem:s30+$0x7000] =	vst v10  }
0x15e: {  	v12 =	vld.idx.msk [tilespmem:v17+s4+$0x0], $0xffff;
	v17 =	vadd.s32 $0x138, v0;
	[tilespmem:s26+$0x2180] =	vst v13  }
0x15f: {  	v10 =	vadd.s32 $0x10, v5;
	v13 =	vld.idx.msk [tilespmem:v16+s4+$0x0], $0xffff;
	[tilespmem:s25+$0x5380] =	vst v11  }
0x160: {  	v16 =	vld.idx.msk [tilespmem:v20+s4+$0x0], $0xffff;
	v20 =	vadd.s32 $0xF0, v1;
	[tilespmem:s28+$0x1100] =	vst v18  }
0x161: {  	v11 =	vld.idx.msk [tilespmem:v15+s4+$0x0], $0xffff;
	v15 =	vadd.s32 $0x1D0, v8;
	[tilespmem:s23+$0x4300] =	vst v14  }
0x162: {  	v18 =	vld.idx.msk [tilespmem:v19+s4+$0x0], $0xffff;
	v19 =	vadd.s32 $0xA8, v3;
	[tilespmem:s29+$0x80] =	vst v9  }
0x163: {  	v14 =	vadd.s32 $0x188, v2;
	v9 =	vld.idx.msk [tilespmem:v17+s4+$0x0], $0xffff;
	[tilespmem:s24+$0x3280] =	vst v12  }
0x164: {  	v10 =	vld.idx.msk [tilespmem:v10+s4+$0x0], $0xffff;
	v17 =	vadd.s32 $0x60, v4;
	[tilespmem:s30+$0x7080] =	vst v13  }
0x165: {  	v12 =	vld.idx.msk [tilespmem:v20+s4+$0x0], $0xffff;
	v20 =	vadd.s32 $0x140, v0;
	[tilespmem:s26+$0x2200] =	vst v16  }
0x166: {  	v13 =	vadd.s32 $0x18, v5;
	v15 =	vld.idx.msk [tilespmem:v15+s4+$0x0], $0xffff;
	[tilespmem:s25+$0x6000] =	vst v11  }
0x167: {  	v16 =	vld.idx.msk [tilespmem:v19+s4+$0x0], $0xffff;
	v19 =	vadd.s32 $0xF8, v1;
	[tilespmem:s28+$0x1180] =	vst v18  }
0x168: {  	v18 =	vadd.s32 $0xB0, v3;
	v11 =	vld.idx.msk [tilespmem:v14+s4+$0x0], $0xffff;
	[tilespmem:s23+$0x4380] =	vst v9  }
0x169: {  	v14 =	vadd.s32 $0x1D8, v8;
	v17 =	vld.idx.msk [tilespmem:v17+s4+$0x0], $0xffff;
	[tilespmem:s29+$0x100] =	vst v10  }
0x16a: {  	v10 =	vadd.s32 $0x190, v2;
	v9 =	vld.idx.msk [tilespmem:v20+s4+$0x0], $0xffff;
	[tilespmem:s24+$0x3300] =	vst v12  }
0x16b: {  	v13 =	vld.idx.msk [tilespmem:v13+s4+$0x0], $0xffff;
	v20 =	vadd.s32 $0x68, v4;
	[tilespmem:s30+$0x7100] =	vst v15  }
0x16c: {  	v12 =	vld.idx.msk [tilespmem:v19+s4+$0x0], $0xffff;
	v19 =	vadd.s32 $0x148, v0;
	[tilespmem:s26+$0x2280] =	vst v16  }
0x16d: {  	v15 =	vadd.s32 $0x20, v5;
	v16 =	vld.idx.msk [tilespmem:v18+s4+$0x0], $0xffff;
	[tilespmem:s25+$0x6080] =	vst v11  }
0x16e: {  	v18 =	vadd.s32 $0x100, v1;
	v14 =	vld.idx.msk [tilespmem:v14+s4+$0x0], $0xffff;
	[tilespmem:s28+$0x1200] =	vst v17  }
0x16f: {  	v11 =	vadd.s32 $0x1E0, v8;
	v10 =	vld.idx.msk [tilespmem:v10+s4+$0x0], $0xffff;
	[tilespmem:s23+$0x5000] =	vst v9  }
0x170: {  	v17 =	vld.idx.msk [tilespmem:v20+s4+$0x0], $0xffff;
	v20 =	vadd.s32 $0xB8, v3;
	[tilespmem:s29+$0x180] =	vst v13  }
0x171: {  	v13 =	vadd.s32 $0x198, v2;
	v9 =	vld.idx.msk [tilespmem:v19+s4+$0x0], $0xffff;
	[tilespmem:s24+$0x3380] =	vst v12  }
0x172: {  	v15 =	vld.idx.msk [tilespmem:v15+s4+$0x0], $0xffff;
	v19 =	vadd.s32 $0x70, v4;
	[tilespmem:s26+$0x2300] =	vst v16  }
0x173: {  	v12 =	vld.idx.msk [tilespmem:v18+s4+$0x0], $0xffff;
	v18 =	vadd.s32 $0x150, v0;
	[tilespmem:s30+$0x7180] =	vst v14  }
0x174: {  	v14 =	vadd.s32 $0x28, v5;
	v11 =	vld.idx.msk [tilespmem:v11+s4+$0x0], $0xffff;
	[tilespmem:s25+$0x6100] =	vst v10  }
0x175: {  	v16 =	vld.idx.msk [tilespmem:v20+s4+$0x0], $0xffff;
	v20 =	vadd.s32 $0x108, v1;
	[tilespmem:s28+$0x1280] =	vst v17  }
0x176: {  	v10 =	vld.idx.msk [tilespmem:v13+s4+$0x0], $0xffff;
	v13 =	vadd.s32 $0x1E8, v8;
	[tilespmem:s23+$0x5080] =	vst v9  }
0x177: {  	v17 =	vld.idx.msk [tilespmem:v19+s4+$0x0], $0xffff;
	v19 =	vadd.s32 $0xC0, v3;
	[tilespmem:s29+$0x200] =	vst v15  }
0x178: {  	v15 =	vadd.s32 $0x1A0, v2;
	v9 =	vld.idx.msk [tilespmem:v18+s4+$0x0], $0xffff;
	[tilespmem:s24+$0x4000] =	vst v12  }
0x179: {  	v18 =	vadd.s32 $0x78, v4;
	v14 =	vld.idx.msk [tilespmem:v14+s4+$0x0], $0xffff;
	[tilespmem:s30+$0x7200] =	vst v11  }
0x17a: {  	v11 =	vadd.s32 $0x30, v5;
	v12 =	vld.idx.msk [tilespmem:v20+s4+$0x0], $0xffff;
	[tilespmem:s26+$0x2380] =	vst v16  }
0x17b: {  	v20 =	vadd.s32 $0x158, v0;
	v13 =	vld.idx.msk [tilespmem:v13+s4+$0x0], $0xffff;
	[tilespmem:s25+$0x6180] =	vst v10  }
0x17c: {  	v16 =	vld.idx.msk [tilespmem:v19+s4+$0x0], $0xffff;
	v19 =	vadd.s32 $0x110, v1;
	[tilespmem:s28+$0x1300] =	vst v17  }
0x17d: {  	v10 =	vld.idx.msk [tilespmem:v15+s4+$0x0], $0xffff;
	v15 =	vadd.s32 $0x1F0, v8;
	[tilespmem:s23+$0x5100] =	vst v9  }
0x17e: {  	v17 =	vld.idx.msk [tilespmem:v18+s4+$0x0], $0xffff;
	v18 =	vadd.s32 $0xC8, v3;
	[tilespmem:s29+$0x280] =	vst v14  }
0x17f: {  	v14 =	vadd.s32 $0x1A8, v2;
	v11 =	vld.idx.msk [tilespmem:v11+s4+$0x0], $0xffff;
	[tilespmem:s24+$0x4080] =	vst v12  }
0x180: {  	v9 =	vld.idx.msk [tilespmem:v20+s4+$0x0], $0xffff;
	v20 =	vadd.s32 $0x80, v4;
	[tilespmem:s30+$0x7280] =	vst v13  }
0x181: {  	v12 =	vld.idx.msk [tilespmem:v19+s4+$0x0], $0xffff;
	v19 =	vadd.s32 $0x160, v0;
	[tilespmem:s26+$0x3000] =	vst v16  }
0x182: {  	v13 =	vadd.s32 $0x38, v5;
	v15 =	vld.idx.msk [tilespmem:v15+s4+$0x0], $0xffff;
	[tilespmem:s25+$0x6200] =	vst v10  }
0x183: {  	v16 =	vld.idx.msk [tilespmem:v18+s4+$0x0], $0xffff;
	v18 =	vadd.s32 $0x118, v1;
	[tilespmem:s28+$0x1380] =	vst v17  }
0x184: {  	v8 =	vadd.s32 $0x1F8, v8;
	v10 =	vld.idx.msk [tilespmem:v14+s4+$0x0], $0xffff;
	[tilespmem:s29+$0x300] =	vst v11  }
0x185: {  	v11 =	vadd.s32 $0x1B0, v2;
	v17 =	vld.idx.msk [tilespmem:v20+s4+$0x0], $0xffff;
	[tilespmem:s23+$0x5180] =	vst v9  }
0x186: {  	v20 =	vadd.s32 $0xD0, v3;
	v9 =	vld.idx.msk [tilespmem:v19+s4+$0x0], $0xffff  }
0x187: {  	v21 =	vadd.s32 $0x88, v4;
	v19 =	vld.idx.msk [tilespmem:v13+s4+$0x0], $0xffff;
	[tilespmem:s24+$0x4100] =	vst v12  }
0x188: {  	[tilespmem:s30+$0x7300] =	vst v15;
	v24 =	vld.idx.msk [tilespmem:v18+s4+$0x0], $0xffff;
	v18 =	vadd.s32 $0x168, v0  }
0x189: {  	v25 =	vadd.s32 $0x40, v5;
	v14 =	vld.idx.msk [tilespmem:v8+s4+$0x0], $0xffff;
	[tilespmem:s25+$0x6280] =	vst v10  }
0x18a: {  	v22 =	vadd.s32 $0x120, v1;
	[tilespmem:s26+$0x3080] =	vst v16;
	v16 =	vld.idx.msk [tilespmem:v11+s4+$0x0], $0xffff  }
0x18b: {  	s0 =	sor.u32 s1, s9;
	v15 =	vld.idx.msk [tilespmem:v20+s4+$0x0], $0xffff;
	[tilespmem:s28+$0x2000] =	vst v17  }
0x18c: {  	v23 =	vadd.s32 $0xD8, v3;
	s0 =	sor.u32 $0x380, s0;
	v13 =	vadd.s32 $0x170, v0;
	v12 =	vadd.s32 $0x170, v5;
	v17 =	vld.idx.msk [tilespmem:v21+s4+$0x0], $0xffff;
	[tilespmem:s23+$0x5200] =	vst v9  }
0x18d: {  	s10 =	simm.s32 $0x70;
	s11 =	simm.s32 $0x380;
	v8 =	vadd.s32 $0x170, v4;
	v10 =	vadd.s32 $0x170, v3;
	[tilespmem:v7+s0+$0x0 ss:$0x1] =	vst.idx.msk $0xffff, v19;
	v21 =	vadd.s32 $0x1B8, v2;
	v18 =	vld.idx.msk [tilespmem:v18+s4+$0x0], $0xffff  }
0x18e: {  	s9 =	simm.s32 $0x380;
	s1 =	sand.u32 $0x70, s10;
	v11 =	vadd.s32 $0x170, v1;
	v20 =	vadd.s32 $0x90, v4;
	v9 =	vadd.s32 $0x170, v6;
	s0 =	sor.u32 s11, s10;
	v19 =	vld.idx.msk [tilespmem:v25+s4+$0x0], $0xffff;
	[tilespmem:s24+$0x4180] =	vst v24  }
.LBB2_3:
0x18f: {  	s10 =	sadd.s32 $0x10, s10;
	s11 =	sadd.s32 $0x80, s11;
	s31 =	sadd.s32 $0x10, s31;
	v22 =	vld.idx.msk [tilespmem:v22+s4+$0x0], $0xffff;
	[tilespmem:s30+$0x7380] =	vst v14  }
0x190: {  	v24 =	vadd.s32 $0x48, v5;
	s7 =	sand.u32 $0x70, s10;
	v14 =	vld [tilespmem:s31+$0x0];
	s6 =	sor.u32 s11, s10;
	p2 =	slt.u32 s10, $0x1F0;
	[tilespmem:s26+$0x3100] =	vst v15  }
0x191: {  	s30 =	smov.u32 s25;
	v15 =	vld.idx.msk [tilespmem:v23+s4+$0x0], $0xffff;
	v23 =	vadd.s32 $0x128, v1;
	[tilespmem:s25+$0x6300] =	vst v16;
	s25 =	smov.u32 s23;
	s23 =	smov.u32 s24  }
0x192: {  	s24 =	smov.u32 s26;
	s26 =	smov.u32 s28;
	[tilespmem:s28+$0x2080] =	vst v17;
	v16 =	vld.idx.msk [tilespmem:v21+s4+$0x0], $0xffff;
	s28 =	smov.u32 s29  }
0x193: {  	v17 =	vld.idx.msk [tilespmem:v20+s4+$0x0], $0xffff;
	v20 =	vadd.s32 $0xE0, v3;
	[tilespmem:s25+$0x5280] =	vst v18  }
0x194: {  	[tilespmem:s28+$0x1000] =	vst v19;
	v18 =	vld.idx.msk [tilespmem:v13+s4+$0x0], $0xffff;
	v19 =	vadd.s32 $0x1C0, v2;
	v13 =	vmovc v11;
	v11 =	vmovc v10;
	v10 =	vmov v8;
	v8 =	vmov v12  }
0x195: {  	v12 =	vmov v9;
	v21 =	vld.idx.msk [tilespmem:v24+s4+$0x0], $0xffff;
	v24 =	vadd.s32 $0x98, v4;
	[tilespmem:s23+$0x4200] =	vst v22;
	v9 =	vadd.s32 $0x170, v14  }
0x196: {  	v22 =	vld.idx.msk [tilespmem:v23+s4+$0x0], $0xffff;
	v23 =	vadd.s32 $0x178, v0  }
0x197: {  	v26 =	vadd.s32 $0x50, v5;
	v25 =	vld.idx.msk [tilespmem:v6+s4+$0x0], $0xffff;
	[tilespmem:s24+$0x3180] =	vst v15  }
0x198: {  	v15 =	vld.idx.msk [tilespmem:v20+s4+$0x0], $0xffff;
	v20 =	vadd.s32 $0x130, v1;
	[tilespmem:s30+$0x6380] =	vst v16  }
0x199: {  	v16 =	vadd.s32 $0x8, v6;
	[tilespmem:s26+$0x2100] =	vst v17;
	v17 =	vld.idx.msk [tilespmem:v19+s4+$0x0], $0xffff  }
0x19a: {  	s29 =	sand.u32 $0xC00, s9;
	s9 =	smov.u32 s11;
	v19 =	vld.idx.msk [tilespmem:v24+s4+$0x0], $0xffff;
	v24 =	vadd.s32 $0xE8, v3;
	[tilespmem:s25+$0x5300] =	vst v18  }
0x19b: {  	s29 =	sadd.s32 s29, s22;
	[tilespmem:s28+$0x1080] =	vst v21;
	v18 =	vld.idx.msk [tilespmem:v23+s4+$0x0], $0xffff;
	v21 =	vadd.s32 $0x1C8, v2  }
0x19c: {  	s29 =	sadd.s32 s1, s29;
	s1 =	smov.u32 s7;
	v23 =	vld.idx.msk [tilespmem:v26+s4+$0x0], $0xffff;
	v26 =	vadd.s32 $0xA0, v4;
	[tilespmem:s23+$0x4280] =	vst v22  }
0x19d: {  	v22 =	vadd.s32 $0x180, v0;
	[tilespmem:s29+$0x0] =	vst v25;
	v20 =	vld.idx.msk [tilespmem:v20+s4+$0x0], $0xffff  }
0x19e: {  	v25 =	vadd.s32 $0x58, v5;
	v16 =	vld.idx.msk [tilespmem:v16+s4+$0x0], $0xffff;
	[tilespmem:s24+$0x3200] =	vst v15  }
0x19f: {  	v15 =	vld.idx.msk [tilespmem:v24+s4+$0x0], $0xffff;
	v24 =	vadd.s32 $0x138, v1;
	[tilespmem:s30+$0x7000] =	vst v17  }
0x1a0: {  	v17 =	vadd.s32 $0x10, v6;
	[tilespmem:s26+$0x2180] =	vst v19;
	v19 =	vld.idx.msk [tilespmem:v21+s4+$0x0], $0xffff  }
0x1a1: {  	v21 =	vld.idx.msk [tilespmem:v26+s4+$0x0], $0xffff;
	v26 =	vadd.s32 $0xF0, v3;
	[tilespmem:s25+$0x5380] =	vst v18  }
0x1a2: {  	[tilespmem:s28+$0x1100] =	vst v23;
	v18 =	vld.idx.msk [tilespmem:v22+s4+$0x0], $0xffff;
	v22 =	vadd.s32 $0x1D0, v2  }
0x1a3: {  	v23 =	vld.idx.msk [tilespmem:v25+s4+$0x0], $0xffff;
	v25 =	vadd.s32 $0xA8, v4;
	[tilespmem:s23+$0x4300] =	vst v20  }
0x1a4: {  	v20 =	vadd.s32 $0x188, v0;
	[tilespmem:s29+$0x80] =	vst v16;
	v16 =	vld.idx.msk [tilespmem:v24+s4+$0x0], $0xffff  }
0x1a5: {  	v24 =	vadd.s32 $0x60, v5;
	v17 =	vld.idx.msk [tilespmem:v17+s4+$0x0], $0xffff;
	[tilespmem:s24+$0x3280] =	vst v15  }
0x1a6: {  	v15 =	vld.idx.msk [tilespmem:v26+s4+$0x0], $0xffff;
	v26 =	vadd.s32 $0x140, v1;
	[tilespmem:s30+$0x7080] =	vst v19  }
0x1a7: {  	v19 =	vadd.s32 $0x18, v6;
	[tilespmem:s26+$0x2200] =	vst v21;
	v21 =	vld.idx.msk [tilespmem:v22+s4+$0x0], $0xffff  }
0x1a8: {  	v22 =	vld.idx.msk [tilespmem:v25+s4+$0x0], $0xffff;
	v25 =	vadd.s32 $0xF8, v3;
	[tilespmem:s25+$0x6000] =	vst v18  }
0x1a9: {  	[tilespmem:s28+$0x1180] =	vst v23;
	v18 =	vld.idx.msk [tilespmem:v20+s4+$0x0], $0xffff;
	v20 =	vadd.s32 $0x1D8, v2  }
0x1aa: {  	v23 =	vld.idx.msk [tilespmem:v24+s4+$0x0], $0xffff;
	v24 =	vadd.s32 $0xB0, v4;
	[tilespmem:s23+$0x4380] =	vst v16  }
0x1ab: {  	[tilespmem:s29+$0x100] =	vst v17;
	v16 =	vld.idx.msk [tilespmem:v26+s4+$0x0], $0xffff;
	v17 =	vadd.s32 $0x190, v0  }
0x1ac: {  	v26 =	vadd.s32 $0x68, v5;
	v19 =	vld.idx.msk [tilespmem:v19+s4+$0x0], $0xffff;
	[tilespmem:s24+$0x3300] =	vst v15  }
0x1ad: {  	v15 =	vld.idx.msk [tilespmem:v25+s4+$0x0], $0xffff;
	v25 =	vadd.s32 $0x148, v1;
	[tilespmem:s30+$0x7100] =	vst v21  }
0x1ae: {  	v21 =	vadd.s32 $0x20, v6;
	[tilespmem:s26+$0x2280] =	vst v22;
	v20 =	vld.idx.msk [tilespmem:v20+s4+$0x0], $0xffff  }
0x1af: {  	v22 =	vld.idx.msk [tilespmem:v24+s4+$0x0], $0xffff;
	v24 =	vadd.s32 $0x100, v3;
	[tilespmem:s25+$0x6080] =	vst v18  }
0x1b0: {  	v18 =	vadd.s32 $0x1E0, v2;
	[tilespmem:s28+$0x1200] =	vst v23;
	v17 =	vld.idx.msk [tilespmem:v17+s4+$0x0], $0xffff  }
0x1b1: {  	v23 =	vld.idx.msk [tilespmem:v26+s4+$0x0], $0xffff;
	v26 =	vadd.s32 $0xB8, v4;
	[tilespmem:s23+$0x5000] =	vst v16  }
0x1b2: {  	[tilespmem:s29+$0x180] =	vst v19;
	v16 =	vld.idx.msk [tilespmem:v25+s4+$0x0], $0xffff;
	v19 =	vadd.s32 $0x198, v0  }
0x1b3: {  	v25 =	vadd.s32 $0x70, v5;
	v21 =	vld.idx.msk [tilespmem:v21+s4+$0x0], $0xffff;
	[tilespmem:s24+$0x3380] =	vst v15  }
0x1b4: {  	v15 =	vld.idx.msk [tilespmem:v24+s4+$0x0], $0xffff;
	v24 =	vadd.s32 $0x150, v1;
	[tilespmem:s30+$0x7180] =	vst v20  }
0x1b5: {  	v20 =	vadd.s32 $0x28, v6;
	[tilespmem:s26+$0x2300] =	vst v22;
	v18 =	vld.idx.msk [tilespmem:v18+s4+$0x0], $0xffff  }
0x1b6: {  	v22 =	vld.idx.msk [tilespmem:v26+s4+$0x0], $0xffff;
	v26 =	vadd.s32 $0x108, v3;
	[tilespmem:s25+$0x6100] =	vst v17  }
0x1b7: {  	[tilespmem:s28+$0x1280] =	vst v23;
	v17 =	vld.idx.msk [tilespmem:v19+s4+$0x0], $0xffff;
	v19 =	vadd.s32 $0x1E8, v2  }
0x1b8: {  	v23 =	vld.idx.msk [tilespmem:v25+s4+$0x0], $0xffff;
	v25 =	vadd.s32 $0xC0, v4;
	[tilespmem:s23+$0x5080] =	vst v16  }
0x1b9: {  	[tilespmem:s29+$0x200] =	vst v21;
	v16 =	vld.idx.msk [tilespmem:v24+s4+$0x0], $0xffff;
	v21 =	vadd.s32 $0x1A0, v0  }
0x1ba: {  	v24 =	vadd.s32 $0x78, v5;
	v20 =	vld.idx.msk [tilespmem:v20+s4+$0x0], $0xffff;
	[tilespmem:s24+$0x4000] =	vst v15  }
0x1bb: {  	v15 =	vld.idx.msk [tilespmem:v26+s4+$0x0], $0xffff;
	v26 =	vadd.s32 $0x158, v1;
	[tilespmem:s30+$0x7200] =	vst v18  }
0x1bc: {  	v18 =	vadd.s32 $0x30, v6;
	[tilespmem:s26+$0x2380] =	vst v22;
	v19 =	vld.idx.msk [tilespmem:v19+s4+$0x0], $0xffff  }
0x1bd: {  	v22 =	vld.idx.msk [tilespmem:v25+s4+$0x0], $0xffff;
	v25 =	vadd.s32 $0x110, v3;
	[tilespmem:s25+$0x6180] =	vst v17  }
0x1be: {  	[tilespmem:s28+$0x1300] =	vst v23;
	v17 =	vld.idx.msk [tilespmem:v21+s4+$0x0], $0xffff;
	v21 =	vadd.s32 $0x1F0, v2  }
0x1bf: {  	v23 =	vld.idx.msk [tilespmem:v24+s4+$0x0], $0xffff;
	v24 =	vadd.s32 $0xC8, v4;
	[tilespmem:s23+$0x5100] =	vst v16  }
0x1c0: {  	[tilespmem:s29+$0x280] =	vst v20;
	v16 =	vld.idx.msk [tilespmem:v26+s4+$0x0], $0xffff;
	v20 =	vadd.s32 $0x1A8, v0  }
0x1c1: {  	v26 =	vadd.s32 $0x80, v5;
	v18 =	vld.idx.msk [tilespmem:v18+s4+$0x0], $0xffff;
	[tilespmem:s24+$0x4080] =	vst v15  }
0x1c2: {  	v15 =	vld.idx.msk [tilespmem:v25+s4+$0x0], $0xffff;
	v25 =	vadd.s32 $0x160, v1;
	[tilespmem:s30+$0x7280] =	vst v19  }
0x1c3: {  	v19 =	vadd.s32 $0x38, v6;
	[tilespmem:s26+$0x3000] =	vst v22;
	v21 =	vld.idx.msk [tilespmem:v21+s4+$0x0], $0xffff  }
0x1c4: {  	v22 =	vld.idx.msk [tilespmem:v24+s4+$0x0], $0xffff;
	v24 =	vadd.s32 $0x118, v3;
	[tilespmem:s25+$0x6200] =	vst v17  }
0x1c5: {  	[tilespmem:s28+$0x1380] =	vst v23;
	v17 =	vld.idx.msk [tilespmem:v20+s4+$0x0], $0xffff;
	v20 =	vadd.s32 $0x1F8, v2;
	v2 =	vmovc v0;
	v0 =	vmovc v1;
	v1 =	vmov v3;
	v3 =	vmov v4  }
0x1c6: {  	v4 =	vmovc v5;
	v5 =	vmov v6;
	v6 =	vmov v14;
	v23 =	vld.idx.msk [tilespmem:v26+s4+$0x0], $0xffff;
	v26 =	vadd.s32 $0xD0, v3;
	[tilespmem:s23+$0x5180] =	vst v16  }
0x1c7: {  	v16 =	vadd.s32 $0x1B0, v2;
	[tilespmem:s29+$0x300] =	vst v18;
	v18 =	vld.idx.msk [tilespmem:v25+s4+$0x0], $0xffff  }
0x1c8: {  	v25 =	vadd.s32 $0x88, v4;
	v19 =	vld.idx.msk [tilespmem:v19+s4+$0x0], $0xffff;
	[tilespmem:s24+$0x4100] =	vst v15  }
0x1c9: {  	v27 =	vadd.s32 $0x168, v0;
	v24 =	vld.idx.msk [tilespmem:v24+s4+$0x0], $0xffff;
	[tilespmem:s30+$0x7300] =	vst v21  }
0x1ca: {  	v28 =	vadd.s32 $0x40, v5;
	[tilespmem:s26+$0x3080] =	vst v22;
	v14 =	vld.idx.msk [tilespmem:v20+s4+$0x0], $0xffff  }
.Ltmp0:
0x1cb: {  	v22 =	vadd.s32 $0x120, v1;
	v15 =	vld.idx.msk [tilespmem:v26+s4+$0x0], $0xffff;
	[tilespmem:s25+$0x6280] =	vst v17;
	(pc) =	sbr.rel @p2 .LBB2_3-.Ltmp0, $4  }
0x1cc: {  	[tilespmem:s28+$0x2000] =	vst v23;
	v16 =	vld.idx.msk [tilespmem:v16+s4+$0x0], $0xffff  }
0x1cd: {  	s7 =	sor.u32 $0x380, s0;
	s0 =	smov.u32 s6;
	v23 =	vadd.s32 $0xD8, v3;
	v17 =	vld.idx.msk [tilespmem:v25+s4+$0x0], $0xffff;
	[tilespmem:s23+$0x5200] =	vst v18  }
0x1ce: {  	v21 =	vadd.s32 $0x1B8, v2;
	[tilespmem:v7+s7+$0x0 ss:$0x1] =	vst.idx.msk $0xffff, v19;
	v18 =	vld.idx.msk [tilespmem:v27+s4+$0x0], $0xffff  }
0x1cf: {  	v20 =	vadd.s32 $0x90, v4;
	v19 =	vld.idx.msk [tilespmem:v28+s4+$0x0], $0xffff;
	[tilespmem:s24+$0x4180] =	vst v24  }
0x1d0: {  	_ =	sdelay $0x2  }
0x1d1: {  	[tilespmem:s30+$0x7380] =	vst v14  }
0x1d2: {  	v39 =	vld.idx.msk [tilespmem:v22+s4+$0x0], $0xffff;
	v40 =	vadd.s32 $0x48, v5;
	[tilespmem:s26+$0x3100] =	vst v15  }
0x1d3: {  	v23 =	vld.idx.msk [tilespmem:v23+s4+$0x0], $0xffff;
	[tilespmem:s25+$0x6300] =	vst v16  }
0x1d4: {  	v41 =	vadd.s32 $0x128, v1;
	[tilespmem:s28+$0x2080] =	vst v17;
	v16 =	vld.idx.msk [tilespmem:v21+s4+$0x0], $0xffff  }
0x1d5: {  	v42 =	vadd.s32 $0xE0, v3;
	v17 =	vld.idx.msk [tilespmem:v20+s4+$0x0], $0xffff;
	[tilespmem:s23+$0x5280] =	vst v18  }
0x1d6: {  	v43 =	vadd.s32 $0x1C0, v2;
	[tilespmem:s29+$0x1000] =	vst v19;
	v13 =	vld.idx.msk [tilespmem:v13+s4+$0x0], $0xffff  }
0x1d7: {  	v44 =	vadd.s32 $0x98, v4;
	v19 =	vld.idx.msk [tilespmem:v40+s4+$0x0], $0xffff;
	[tilespmem:s24+$0x4200] =	vst v39  }
0x1d8: {  	v45 =	vadd.s32 $0x178, v0;
	v46 =	vld.idx.msk [tilespmem:v6+s4+$0x0], $0xffff;
	[tilespmem:s26+$0x3180] =	vst v23  }
0x1d9: {  	v47 =	vadd.s32 $0x8, v6;
	v15 =	vld.idx.msk [tilespmem:v41+s4+$0x0], $0xffff;
	[tilespmem:s25+$0x6380] =	vst v16  }
0x1da: {  	s6 =	sand.u32 $0xC00, s9;
	v16 =	vld.idx.msk [tilespmem:v42+s4+$0x0], $0xffff;
	[tilespmem:s28+$0x2100] =	vst v17  }
0x1db: {  	s6 =	sadd.s32 s6, s22;
	v14 =	vld.idx.msk [tilespmem:v43+s4+$0x0], $0xffff;
	[tilespmem:s23+$0x5300] =	vst v13  }
0x1dc: {  	s31 =	sadd.s32 s1, s6;
	v17 =	vld.idx.msk [tilespmem:v44+s4+$0x0], $0xffff;
	[tilespmem:s29+$0x1080] =	vst v19  }
0x1dd: {  	v13 =	vld.idx.msk [tilespmem:v45+s4+$0x0], $0xffff;
	[tilespmem:s31+$0x0] =	vst v46  }
0x1de: {  	v48 =	vld.idx.msk [tilespmem:v47+s4+$0x0], $0xffff  }
0x1df: {  	v49 =	vadd.s32 $0x10, v6;
	_ =	sdelay $0x3  }
0x1e0: {  	[tilespmem:s31+$0x80] =	vst v48  }
0x1e1: {  	v18 =	vld.idx.msk [tilespmem:v49+s4+$0x0], $0xffff  }
0x1e2: {  	v50 =	vadd.s32 $0x18, v6;
	_ =	sdelay $0x3  }
0x1e3: {  	[tilespmem:s31+$0x100] =	vst v18  }
0x1e4: {  	v18 =	vld.idx.msk [tilespmem:v50+s4+$0x0], $0xffff  }
0x1e5: {  	v51 =	vadd.s32 $0x20, v6;
	_ =	sdelay $0x3  }
0x1e6: {  	[tilespmem:s31+$0x180] =	vst v18  }
0x1e7: {  	v18 =	vld.idx.msk [tilespmem:v51+s4+$0x0], $0xffff  }
0x1e8: {  	v52 =	vadd.s32 $0x28, v6;
	_ =	sdelay $0x3  }
0x1e9: {  	[tilespmem:s31+$0x200] =	vst v18  }
0x1ea: {  	v18 =	vld.idx.msk [tilespmem:v52+s4+$0x0], $0xffff  }
0x1eb: {  	v53 =	vadd.s32 $0x30, v6;
	_ =	sdelay $0x3  }
0x1ec: {  	[tilespmem:s31+$0x280] =	vst v18  }
0x1ed: {  	v18 =	vld.idx.msk [tilespmem:v53+s4+$0x0], $0xffff  }
0x1ee: {  	v54 =	vadd.s32 $0x38, v6;
	_ =	sdelay $0x3  }
0x1ef: {  	[tilespmem:s31+$0x300] =	vst v18  }
0x1f0: {  	v18 =	vld.idx.msk [tilespmem:v54+s4+$0x0], $0xffff  }
0x1f1: {  	v55 =	vadd.s32 $0x40, v6;
	_ =	sdelay $0x2  }
0x1f2: {  	s0 =	sor.u32 $0x380, s0  }
0x1f3: {  	[tilespmem:v7+s0+$0x0 ss:$0x1] =	vst.idx.msk $0xffff, v18  }
0x1f4: {  	v7 =	vld.idx.msk [tilespmem:v55+s4+$0x0], $0xffff  }
0x1f5: {  	v56 =	vadd.s32 $0x48, v6;
	_ =	sdelay $0x3  }
0x1f6: {  	[tilespmem:s31+$0x1000] =	vst v7  }
0x1f7: {  	v57 =	vadd.s32 $0x50, v5;
	v18 =	vld.idx.msk [tilespmem:v56+s4+$0x0], $0xffff  }
0x1f8: {  	v58 =	vadd.s32 $0x50, v6;
	_ =	sdelay $0x3  }
0x1f9: {  	v7 =	vld.idx.msk [tilespmem:v57+s4+$0x0], $0xffff;
	[tilespmem:s31+$0x1080] =	vst v18  }
0x1fa: {  	v59 =	vadd.s32 $0x58, v5;
	v19 =	vld.idx.msk [tilespmem:v58+s4+$0x0], $0xffff  }
0x1fb: {  	v60 =	vadd.s32 $0x58, v6;
	_ =	sdelay $0x2  }
0x1fc: {  	[tilespmem:s29+$0x1100] =	vst v7  }
0x1fd: {  	v7 =	vld.idx.msk [tilespmem:v59+s4+$0x0], $0xffff;
	[tilespmem:s31+$0x1100] =	vst v19  }
0x1fe: {  	v61 =	vadd.s32 $0x60, v5;
	v19 =	vld.idx.msk [tilespmem:v60+s4+$0x0], $0xffff  }
0x1ff: {  	v62 =	vadd.s32 $0x60, v6;
	_ =	sdelay $0x2  }
0x200: {  	[tilespmem:s29+$0x1180] =	vst v7  }
0x201: {  	v7 =	vld.idx.msk [tilespmem:v61+s4+$0x0], $0xffff;
	[tilespmem:s31+$0x1180] =	vst v19  }
0x202: {  	v63 =	vadd.s32 $0x68, v5;
	v19 =	vld.idx.msk [tilespmem:v62+s4+$0x0], $0xffff  }
0x203: {  	v24 =	vadd.s32 $0x68, v6;
	_ =	sdelay $0x2  }
0x204: {  	[tilespmem:s29+$0x1200] =	vst v7  }
0x205: {  	v7 =	vld.idx.msk [tilespmem:v63+s4+$0x0], $0xffff;
	[tilespmem:s31+$0x1200] =	vst v19  }
0x206: {  	v25 =	vadd.s32 $0x70, v5;
	v19 =	vld.idx.msk [tilespmem:v24+s4+$0x0], $0xffff  }
0x207: {  	v26 =	vadd.s32 $0x70, v6;
	_ =	sdelay $0x2  }
0x208: {  	[tilespmem:s29+$0x1280] =	vst v7  }
0x209: {  	v7 =	vld.idx.msk [tilespmem:v25+s4+$0x0], $0xffff;
	[tilespmem:s31+$0x1280] =	vst v19  }
0x20a: {  	v27 =	vadd.s32 $0x78, v5;
	v19 =	vld.idx.msk [tilespmem:v26+s4+$0x0], $0xffff  }
0x20b: {  	v28 =	vadd.s32 $0x78, v6;
	_ =	sdelay $0x2  }
0x20c: {  	[tilespmem:s29+$0x1300] =	vst v7  }
0x20d: {  	v7 =	vld.idx.msk [tilespmem:v27+s4+$0x0], $0xffff;
	[tilespmem:s31+$0x1300] =	vst v19  }
0x20e: {  	v29 =	vadd.s32 $0x80, v5;
	v19 =	vld.idx.msk [tilespmem:v28+s4+$0x0], $0xffff  }
0x20f: {  	v30 =	vadd.s32 $0x80, v6;
	_ =	sdelay $0x2  }
0x210: {  	[tilespmem:s29+$0x1380] =	vst v7  }
0x211: {  	v7 =	vld.idx.msk [tilespmem:v29+s4+$0x0], $0xffff;
	[tilespmem:s31+$0x1380] =	vst v19  }
0x212: {  	v31 =	vadd.s32 $0x88, v5;
	v19 =	vld.idx.msk [tilespmem:v30+s4+$0x0], $0xffff  }
0x213: {  	v32 =	vadd.s32 $0x88, v6;
	_ =	sdelay $0x2  }
0x214: {  	[tilespmem:s29+$0x2000] =	vst v7  }
0x215: {  	v7 =	vld.idx.msk [tilespmem:v31+s4+$0x0], $0xffff;
	[tilespmem:s31+$0x2000] =	vst v19  }
0x216: {  	v33 =	vadd.s32 $0x90, v5;
	v19 =	vld.idx.msk [tilespmem:v32+s4+$0x0], $0xffff  }
0x217: {  	v34 =	vadd.s32 $0x90, v6;
	_ =	sdelay $0x2  }
0x218: {  	[tilespmem:s29+$0x2080] =	vst v7  }
0x219: {  	v7 =	vld.idx.msk [tilespmem:v33+s4+$0x0], $0xffff;
	[tilespmem:s31+$0x2080] =	vst v19  }
0x21a: {  	v35 =	vadd.s32 $0x98, v5;
	v19 =	vld.idx.msk [tilespmem:v34+s4+$0x0], $0xffff  }
0x21b: {  	v36 =	vadd.s32 $0x98, v6;
	_ =	sdelay $0x2  }
0x21c: {  	[tilespmem:s29+$0x2100] =	vst v7  }
0x21d: {  	v37 =	vadd.s32 $0xA0, v4;
	v18 =	vld.idx.msk [tilespmem:v35+s4+$0x0], $0xffff;
	[tilespmem:s31+$0x2100] =	vst v19  }
0x21e: {  	v38 =	vadd.s32 $0xA0, v5;
	v20 =	vld.idx.msk [tilespmem:v36+s4+$0x0], $0xffff  }
0x21f: {  	v39 =	vadd.s32 $0xA0, v6;
	_ =	sdelay $0x1  }
0x220: {  	[tilespmem:s28+$0x2180] =	vst v17  }
0x221: {  	v7 =	vld.idx.msk [tilespmem:v37+s4+$0x0], $0xffff;
	[tilespmem:s29+$0x2180] =	vst v18  }
0x222: {  	v40 =	vadd.s32 $0xA8, v4;
	v18 =	vld.idx.msk [tilespmem:v38+s4+$0x0], $0xffff;
	[tilespmem:s31+$0x2180] =	vst v20  }
0x223: {  	v41 =	vadd.s32 $0xA8, v5;
	v20 =	vld.idx.msk [tilespmem:v39+s4+$0x0], $0xffff  }
0x224: {  	v42 =	vadd.s32 $0xA8, v6;
	_ =	sdelay $0x1  }
0x225: {  	[tilespmem:s28+$0x2200] =	vst v7  }
0x226: {  	v7 =	vld.idx.msk [tilespmem:v40+s4+$0x0], $0xffff;
	[tilespmem:s29+$0x2200] =	vst v18  }
0x227: {  	v43 =	vadd.s32 $0xB0, v4;
	v18 =	vld.idx.msk [tilespmem:v41+s4+$0x0], $0xffff;
	[tilespmem:s31+$0x2200] =	vst v20  }
0x228: {  	v44 =	vadd.s32 $0xB0, v5;
	v20 =	vld.idx.msk [tilespmem:v42+s4+$0x0], $0xffff  }
0x229: {  	v45 =	vadd.s32 $0xB0, v6;
	_ =	sdelay $0x1  }
0x22a: {  	[tilespmem:s28+$0x2280] =	vst v7  }
0x22b: {  	v7 =	vld.idx.msk [tilespmem:v43+s4+$0x0], $0xffff;
	[tilespmem:s29+$0x2280] =	vst v18  }
0x22c: {  	v46 =	vadd.s32 $0xB8, v4;
	v18 =	vld.idx.msk [tilespmem:v44+s4+$0x0], $0xffff;
	[tilespmem:s31+$0x2280] =	vst v20  }
0x22d: {  	v47 =	vadd.s32 $0xB8, v5;
	v20 =	vld.idx.msk [tilespmem:v45+s4+$0x0], $0xffff  }
0x22e: {  	v48 =	vadd.s32 $0xB8, v6;
	_ =	sdelay $0x1  }
0x22f: {  	[tilespmem:s28+$0x2300] =	vst v7  }
0x230: {  	v7 =	vld.idx.msk [tilespmem:v46+s4+$0x0], $0xffff;
	[tilespmem:s29+$0x2300] =	vst v18  }
0x231: {  	v49 =	vadd.s32 $0xC0, v4;
	v18 =	vld.idx.msk [tilespmem:v47+s4+$0x0], $0xffff;
	[tilespmem:s31+$0x2300] =	vst v20  }
0x232: {  	v50 =	vadd.s32 $0xC0, v5;
	v20 =	vld.idx.msk [tilespmem:v48+s4+$0x0], $0xffff  }
0x233: {  	v51 =	vadd.s32 $0xC0, v6;
	_ =	sdelay $0x1  }
0x234: {  	[tilespmem:s28+$0x2380] =	vst v7  }
0x235: {  	v7 =	vld.idx.msk [tilespmem:v49+s4+$0x0], $0xffff;
	[tilespmem:s29+$0x2380] =	vst v18  }
0x236: {  	v52 =	vadd.s32 $0xC8, v4;
	v18 =	vld.idx.msk [tilespmem:v50+s4+$0x0], $0xffff;
	[tilespmem:s31+$0x2380] =	vst v20  }
0x237: {  	v53 =	vadd.s32 $0xC8, v5;
	v20 =	vld.idx.msk [tilespmem:v51+s4+$0x0], $0xffff  }
0x238: {  	v54 =	vadd.s32 $0xC8, v6;
	_ =	sdelay $0x1  }
0x239: {  	[tilespmem:s28+$0x3000] =	vst v7  }
0x23a: {  	v7 =	vld.idx.msk [tilespmem:v52+s4+$0x0], $0xffff;
	[tilespmem:s29+$0x3000] =	vst v18  }
0x23b: {  	v55 =	vadd.s32 $0xD0, v4;
	v18 =	vld.idx.msk [tilespmem:v53+s4+$0x0], $0xffff;
	[tilespmem:s31+$0x3000] =	vst v20  }
0x23c: {  	v56 =	vadd.s32 $0xD0, v5;
	v20 =	vld.idx.msk [tilespmem:v54+s4+$0x0], $0xffff  }
0x23d: {  	v57 =	vadd.s32 $0xD0, v6;
	_ =	sdelay $0x1  }
0x23e: {  	[tilespmem:s28+$0x3080] =	vst v7  }
0x23f: {  	v7 =	vld.idx.msk [tilespmem:v55+s4+$0x0], $0xffff;
	[tilespmem:s29+$0x3080] =	vst v18  }
0x240: {  	v58 =	vadd.s32 $0xD8, v4;
	v18 =	vld.idx.msk [tilespmem:v56+s4+$0x0], $0xffff;
	[tilespmem:s31+$0x3080] =	vst v20  }
0x241: {  	v59 =	vadd.s32 $0xD8, v5;
	v20 =	vld.idx.msk [tilespmem:v57+s4+$0x0], $0xffff  }
0x242: {  	v60 =	vadd.s32 $0xD8, v6;
	_ =	sdelay $0x1  }
0x243: {  	[tilespmem:s28+$0x3100] =	vst v7  }
0x244: {  	v7 =	vld.idx.msk [tilespmem:v58+s4+$0x0], $0xffff;
	[tilespmem:s29+$0x3100] =	vst v18  }
0x245: {  	v61 =	vadd.s32 $0xE0, v4;
	v18 =	vld.idx.msk [tilespmem:v59+s4+$0x0], $0xffff;
	[tilespmem:s31+$0x3100] =	vst v20  }
0x246: {  	v62 =	vadd.s32 $0xE0, v5;
	v20 =	vld.idx.msk [tilespmem:v60+s4+$0x0], $0xffff  }
0x247: {  	v63 =	vadd.s32 $0xE0, v6;
	_ =	sdelay $0x1  }
0x248: {  	[tilespmem:s28+$0x3180] =	vst v7  }
0x249: {  	v24 =	vadd.s32 $0xE8, v3;
	v17 =	vld.idx.msk [tilespmem:v61+s4+$0x0], $0xffff;
	[tilespmem:s29+$0x3180] =	vst v18  }
0x24a: {  	v25 =	vadd.s32 $0xE8, v4;
	v19 =	vld.idx.msk [tilespmem:v62+s4+$0x0], $0xffff;
	[tilespmem:s31+$0x3180] =	vst v20  }
0x24b: {  	v26 =	vadd.s32 $0xE8, v5;
	v21 =	vld.idx.msk [tilespmem:v63+s4+$0x0], $0xffff  }
0x24c: {  	v27 =	vadd.s32 $0xE8, v6  }
0x24d: {  	[tilespmem:s26+$0x3200] =	vst v16  }
0x24e: {  	v7 =	vld.idx.msk [tilespmem:v24+s4+$0x0], $0xffff;
	[tilespmem:s28+$0x3200] =	vst v17  }
0x24f: {  	v28 =	vadd.s32 $0xF0, v3;
	v17 =	vld.idx.msk [tilespmem:v25+s4+$0x0], $0xffff;
	[tilespmem:s29+$0x3200] =	vst v19  }
0x250: {  	v29 =	vadd.s32 $0xF0, v4;
	v19 =	vld.idx.msk [tilespmem:v26+s4+$0x0], $0xffff;
	[tilespmem:s31+$0x3200] =	vst v21  }
0x251: {  	v30 =	vadd.s32 $0xF0, v5;
	v21 =	vld.idx.msk [tilespmem:v27+s4+$0x0], $0xffff  }
0x252: {  	v31 =	vadd.s32 $0xF0, v6  }
0x253: {  	[tilespmem:s26+$0x3280] =	vst v7  }
0x254: {  	v7 =	vld.idx.msk [tilespmem:v28+s4+$0x0], $0xffff;
	[tilespmem:s28+$0x3280] =	vst v17  }
0x255: {  	v32 =	vadd.s32 $0xF8, v3;
	v17 =	vld.idx.msk [tilespmem:v29+s4+$0x0], $0xffff;
	[tilespmem:s29+$0x3280] =	vst v19  }
0x256: {  	v33 =	vadd.s32 $0xF8, v4;
	v19 =	vld.idx.msk [tilespmem:v30+s4+$0x0], $0xffff;
	[tilespmem:s31+$0x3280] =	vst v21  }
0x257: {  	v34 =	vadd.s32 $0xF8, v5;
	v21 =	vld.idx.msk [tilespmem:v31+s4+$0x0], $0xffff  }
0x258: {  	v35 =	vadd.s32 $0xF8, v6  }
0x259: {  	[tilespmem:s26+$0x3300] =	vst v7  }
0x25a: {  	v7 =	vld.idx.msk [tilespmem:v32+s4+$0x0], $0xffff;
	[tilespmem:s28+$0x3300] =	vst v17  }
0x25b: {  	v36 =	vadd.s32 $0x100, v3;
	v17 =	vld.idx.msk [tilespmem:v33+s4+$0x0], $0xffff;
	[tilespmem:s29+$0x3300] =	vst v19  }
0x25c: {  	v37 =	vadd.s32 $0x100, v4;
	v19 =	vld.idx.msk [tilespmem:v34+s4+$0x0], $0xffff;
	[tilespmem:s31+$0x3300] =	vst v21  }
0x25d: {  	v38 =	vadd.s32 $0x100, v5;
	v21 =	vld.idx.msk [tilespmem:v35+s4+$0x0], $0xffff  }
0x25e: {  	v39 =	vadd.s32 $0x100, v6  }
0x25f: {  	[tilespmem:s26+$0x3380] =	vst v7  }
0x260: {  	v7 =	vld.idx.msk [tilespmem:v36+s4+$0x0], $0xffff;
	[tilespmem:s28+$0x3380] =	vst v17  }
0x261: {  	v40 =	vadd.s32 $0x108, v3;
	v17 =	vld.idx.msk [tilespmem:v37+s4+$0x0], $0xffff;
	[tilespmem:s29+$0x3380] =	vst v19  }
0x262: {  	v41 =	vadd.s32 $0x108, v4;
	v19 =	vld.idx.msk [tilespmem:v38+s4+$0x0], $0xffff;
	[tilespmem:s31+$0x3380] =	vst v21  }
0x263: {  	v42 =	vadd.s32 $0x108, v5;
	v21 =	vld.idx.msk [tilespmem:v39+s4+$0x0], $0xffff  }
0x264: {  	v43 =	vadd.s32 $0x108, v6  }
0x265: {  	[tilespmem:s26+$0x4000] =	vst v7  }
0x266: {  	v7 =	vld.idx.msk [tilespmem:v40+s4+$0x0], $0xffff;
	[tilespmem:s28+$0x4000] =	vst v17  }
0x267: {  	v44 =	vadd.s32 $0x110, v3;
	v17 =	vld.idx.msk [tilespmem:v41+s4+$0x0], $0xffff;
	[tilespmem:s29+$0x4000] =	vst v19  }
0x268: {  	v45 =	vadd.s32 $0x110, v4;
	v19 =	vld.idx.msk [tilespmem:v42+s4+$0x0], $0xffff;
	[tilespmem:s31+$0x4000] =	vst v21  }
0x269: {  	v46 =	vadd.s32 $0x110, v5;
	v21 =	vld.idx.msk [tilespmem:v43+s4+$0x0], $0xffff  }
0x26a: {  	v47 =	vadd.s32 $0x110, v6  }
0x26b: {  	[tilespmem:s26+$0x4080] =	vst v7  }
0x26c: {  	v7 =	vld.idx.msk [tilespmem:v44+s4+$0x0], $0xffff;
	[tilespmem:s28+$0x4080] =	vst v17  }
0x26d: {  	v48 =	vadd.s32 $0x118, v3;
	v17 =	vld.idx.msk [tilespmem:v45+s4+$0x0], $0xffff;
	[tilespmem:s29+$0x4080] =	vst v19  }
0x26e: {  	v49 =	vadd.s32 $0x118, v4;
	v19 =	vld.idx.msk [tilespmem:v46+s4+$0x0], $0xffff;
	[tilespmem:s31+$0x4080] =	vst v21  }
0x26f: {  	v50 =	vadd.s32 $0x118, v5;
	v21 =	vld.idx.msk [tilespmem:v47+s4+$0x0], $0xffff  }
0x270: {  	v51 =	vadd.s32 $0x118, v6  }
0x271: {  	[tilespmem:s26+$0x4100] =	vst v7  }
0x272: {  	v7 =	vld.idx.msk [tilespmem:v48+s4+$0x0], $0xffff;
	[tilespmem:s28+$0x4100] =	vst v17  }
0x273: {  	v52 =	vadd.s32 $0x120, v3;
	v17 =	vld.idx.msk [tilespmem:v49+s4+$0x0], $0xffff;
	[tilespmem:s29+$0x4100] =	vst v19  }
0x274: {  	v53 =	vadd.s32 $0x120, v4;
	v19 =	vld.idx.msk [tilespmem:v50+s4+$0x0], $0xffff;
	[tilespmem:s31+$0x4100] =	vst v21  }
0x275: {  	v54 =	vadd.s32 $0x120, v5;
	v21 =	vld.idx.msk [tilespmem:v51+s4+$0x0], $0xffff  }
0x276: {  	v55 =	vadd.s32 $0x120, v6  }
0x277: {  	[tilespmem:s26+$0x4180] =	vst v7  }
0x278: {  	v7 =	vld.idx.msk [tilespmem:v52+s4+$0x0], $0xffff;
	[tilespmem:s28+$0x4180] =	vst v17  }
0x279: {  	v56 =	vadd.s32 $0x128, v3;
	v17 =	vld.idx.msk [tilespmem:v53+s4+$0x0], $0xffff;
	[tilespmem:s29+$0x4180] =	vst v19  }
0x27a: {  	v57 =	vadd.s32 $0x128, v4;
	v19 =	vld.idx.msk [tilespmem:v54+s4+$0x0], $0xffff;
	[tilespmem:s31+$0x4180] =	vst v21  }
0x27b: {  	v58 =	vadd.s32 $0x128, v5;
	v21 =	vld.idx.msk [tilespmem:v55+s4+$0x0], $0xffff  }
0x27c: {  	v59 =	vadd.s32 $0x128, v6  }
0x27d: {  	[tilespmem:s26+$0x4200] =	vst v7  }
0x27e: {  	v60 =	vadd.s32 $0x130, v1;
	v16 =	vld.idx.msk [tilespmem:v56+s4+$0x0], $0xffff;
	[tilespmem:s28+$0x4200] =	vst v17  }
0x27f: {  	v61 =	vadd.s32 $0x130, v3;
	v18 =	vld.idx.msk [tilespmem:v57+s4+$0x0], $0xffff;
	[tilespmem:s29+$0x4200] =	vst v19  }
0x280: {  	v62 =	vadd.s32 $0x130, v4;
	v20 =	vld.idx.msk [tilespmem:v58+s4+$0x0], $0xffff;
	[tilespmem:s31+$0x4200] =	vst v21  }
0x281: {  	v63 =	vadd.s32 $0x130, v5;
	v22 =	vld.idx.msk [tilespmem:v59+s4+$0x0], $0xffff  }
0x282: {  	[tilespmem:s24+$0x4280] =	vst v15;
	v24 =	vadd.s32 $0x130, v6  }
0x283: {  	v7 =	vld.idx.msk [tilespmem:v60+s4+$0x0], $0xffff;
	[tilespmem:s26+$0x4280] =	vst v16  }
0x284: {  	v25 =	vadd.s32 $0x138, v1;
	v17 =	vld.idx.msk [tilespmem:v61+s4+$0x0], $0xffff;
	[tilespmem:s28+$0x4280] =	vst v18  }
0x285: {  	v26 =	vadd.s32 $0x138, v3;
	v19 =	vld.idx.msk [tilespmem:v62+s4+$0x0], $0xffff;
	[tilespmem:s29+$0x4280] =	vst v20  }
0x286: {  	v27 =	vadd.s32 $0x138, v4;
	v21 =	vld.idx.msk [tilespmem:v63+s4+$0x0], $0xffff;
	[tilespmem:s31+$0x4280] =	vst v22  }
0x287: {  	v28 =	vadd.s32 $0x138, v5;
	v15 =	vld.idx.msk [tilespmem:v24+s4+$0x0], $0xffff  }
0x288: {  	v29 =	vadd.s32 $0x138, v6;
	[tilespmem:s24+$0x4300] =	vst v7  }
0x289: {  	v16 =	vld.idx.msk [tilespmem:v25+s4+$0x0], $0xffff;
	[tilespmem:s26+$0x4300] =	vst v17  }
0x28a: {  	v30 =	vadd.s32 $0x140, v1;
	v18 =	vld.idx.msk [tilespmem:v26+s4+$0x0], $0xffff;
	[tilespmem:s28+$0x4300] =	vst v19  }
0x28b: {  	v31 =	vadd.s32 $0x140, v3;
	v20 =	vld.idx.msk [tilespmem:v27+s4+$0x0], $0xffff;
	[tilespmem:s29+$0x4300] =	vst v21  }
0x28c: {  	v32 =	vadd.s32 $0x140, v4;
	v22 =	vld.idx.msk [tilespmem:v28+s4+$0x0], $0xffff;
	[tilespmem:s31+$0x4300] =	vst v15  }
0x28d: {  	[tilespmem:s25+$0x7000] =	vst v14;
	v33 =	vadd.s32 $0x140, v5;
	v7 =	vld.idx.msk [tilespmem:v29+s4+$0x0], $0xffff  }
0x28e: {  	v34 =	vadd.s32 $0x140, v6;
	[tilespmem:s24+$0x4380] =	vst v16  }
0x28f: {  	v35 =	vadd.s32 $0x1C8, v2;
	v17 =	vld.idx.msk [tilespmem:v30+s4+$0x0], $0xffff;
	[tilespmem:s26+$0x4380] =	vst v18  }
0x290: {  	v36 =	vadd.s32 $0x148, v1;
	v19 =	vld.idx.msk [tilespmem:v31+s4+$0x0], $0xffff;
	[tilespmem:s28+$0x4380] =	vst v20  }
0x291: {  	v37 =	vadd.s32 $0x148, v3;
	v21 =	vld.idx.msk [tilespmem:v32+s4+$0x0], $0xffff;
	[tilespmem:s29+$0x4380] =	vst v22  }
0x292: {  	v38 =	vadd.s32 $0x148, v4;
	v14 =	vld.idx.msk [tilespmem:v33+s4+$0x0], $0xffff;
	[tilespmem:s31+$0x4380] =	vst v7  }
0x293: {  	[tilespmem:s23+$0x5380] =	vst v13;
	v39 =	vadd.s32 $0x148, v5;
	v40 =	vld.idx.msk [tilespmem:v34+s4+$0x0], $0xffff  }
0x294: {  	v41 =	vld.idx.msk [tilespmem:v35+s4+$0x0], $0xffff;
	v42 =	vadd.s32 $0x148, v6;
	[tilespmem:s24+$0x5000] =	vst v17  }
0x295: {  	v43 =	vadd.s32 $0x180, v0;
	v18 =	vld.idx.msk [tilespmem:v36+s4+$0x0], $0xffff;
	[tilespmem:s26+$0x5000] =	vst v19  }
0x296: {  	v44 =	vadd.s32 $0x150, v1;
	v20 =	vld.idx.msk [tilespmem:v37+s4+$0x0], $0xffff;
	[tilespmem:s28+$0x5000] =	vst v21  }
0x297: {  	v45 =	vadd.s32 $0x150, v3;
	v22 =	vld.idx.msk [tilespmem:v38+s4+$0x0], $0xffff;
	[tilespmem:s29+$0x5000] =	vst v14  }
0x298: {  	v46 =	vadd.s32 $0x150, v4;
	v7 =	vld.idx.msk [tilespmem:v39+s4+$0x0], $0xffff;
	[tilespmem:s31+$0x5000] =	vst v40  }
0x299: {  	[tilespmem:s25+$0x7080] =	vst v41;
	v47 =	vadd.s32 $0x150, v5;
	v48 =	vld.idx.msk [tilespmem:v42+s4+$0x0], $0xffff  }
0x29a: {  	v49 =	vld.idx.msk [tilespmem:v43+s4+$0x0], $0xffff;
	v50 =	vadd.s32 $0x150, v6;
	[tilespmem:s24+$0x5080] =	vst v18  }
0x29b: {  	v51 =	vadd.s32 $0x1D0, v2;
	v19 =	vld.idx.msk [tilespmem:v44+s4+$0x0], $0xffff;
	[tilespmem:s26+$0x5080] =	vst v20  }
0x29c: {  	v52 =	vadd.s32 $0x158, v1;
	v21 =	vld.idx.msk [tilespmem:v45+s4+$0x0], $0xffff;
	[tilespmem:s28+$0x5080] =	vst v22  }
0x29d: {  	v53 =	vadd.s32 $0x158, v3;
	v14 =	vld.idx.msk [tilespmem:v46+s4+$0x0], $0xffff;
	[tilespmem:s29+$0x5080] =	vst v7  }
0x29e: {  	v54 =	vadd.s32 $0x158, v4;
	v13 =	vld.idx.msk [tilespmem:v47+s4+$0x0], $0xffff;
	[tilespmem:s31+$0x5080] =	vst v48  }
0x29f: {  	[tilespmem:s23+$0x6000] =	vst v49;
	v55 =	vadd.s32 $0x158, v5;
	v56 =	vld.idx.msk [tilespmem:v50+s4+$0x0], $0xffff  }
0x2a0: {  	v57 =	vld.idx.msk [tilespmem:v51+s4+$0x0], $0xffff;
	v58 =	vadd.s32 $0x158, v6;
	[tilespmem:s24+$0x5100] =	vst v19  }
0x2a1: {  	v59 =	vadd.s32 $0x188, v0;
	v20 =	vld.idx.msk [tilespmem:v52+s4+$0x0], $0xffff;
	[tilespmem:s26+$0x5100] =	vst v21  }
0x2a2: {  	v60 =	vadd.s32 $0x160, v1;
	v22 =	vld.idx.msk [tilespmem:v53+s4+$0x0], $0xffff;
	[tilespmem:s28+$0x5100] =	vst v14  }
0x2a3: {  	v61 =	vadd.s32 $0x160, v3;
	v7 =	vld.idx.msk [tilespmem:v54+s4+$0x0], $0xffff;
	[tilespmem:s29+$0x5100] =	vst v13  }
0x2a4: {  	v62 =	vadd.s32 $0x160, v4;
	v15 =	vld.idx.msk [tilespmem:v55+s4+$0x0], $0xffff;
	[tilespmem:s31+$0x5100] =	vst v56  }
0x2a5: {  	[tilespmem:s25+$0x7100] =	vst v57;
	v63 =	vadd.s32 $0x160, v5;
	v24 =	vld.idx.msk [tilespmem:v58+s4+$0x0], $0xffff  }
0x2a6: {  	v26 =	vadd.s32 $0x160, v6;
	v25 =	vld.idx.msk [tilespmem:v59+s4+$0x0], $0xffff;
	[tilespmem:s24+$0x5180] =	vst v20  }
0x2a7: {  	v27 =	vadd.s32 $0x1D8, v2;
	v21 =	vld.idx.msk [tilespmem:v60+s4+$0x0], $0xffff;
	[tilespmem:s26+$0x5180] =	vst v22  }
0x2a8: {  	v28 =	vadd.s32 $0x168, v1;
	v14 =	vld.idx.msk [tilespmem:v61+s4+$0x0], $0xffff;
	[tilespmem:s28+$0x5180] =	vst v7  }
0x2a9: {  	v29 =	vadd.s32 $0x168, v3;
	v13 =	vld.idx.msk [tilespmem:v62+s4+$0x0], $0xffff;
	[tilespmem:s29+$0x5180] =	vst v15  }
0x2aa: {  	v30 =	vadd.s32 $0x168, v4;
	v16 =	vld.idx.msk [tilespmem:v63+s4+$0x0], $0xffff;
	[tilespmem:s31+$0x5180] =	vst v24  }
0x2ab: {  	v31 =	vadd.s32 $0x168, v5;
	[tilespmem:s23+$0x6080] =	vst v25;
	v32 =	vld.idx.msk [tilespmem:v26+s4+$0x0], $0xffff  }
0x2ac: {  	v33 =	vld.idx.msk [tilespmem:v27+s4+$0x0], $0xffff;
	v34 =	vadd.s32 $0x168, v6;
	[tilespmem:s24+$0x5200] =	vst v21  }
0x2ad: {  	v35 =	vadd.s32 $0x190, v0;
	v22 =	vld.idx.msk [tilespmem:v28+s4+$0x0], $0xffff;
	[tilespmem:s26+$0x5200] =	vst v14  }
0x2ae: {  	v7 =	vld.idx.msk [tilespmem:v29+s4+$0x0], $0xffff;
	[tilespmem:s28+$0x5200] =	vst v13  }
0x2af: {  	v13 =	vld.idx.msk [tilespmem:v30+s4+$0x0], $0xffff;
	[tilespmem:s29+$0x5200] =	vst v16  }
0x2b0: {  	v36 =	vld.idx.msk [tilespmem:v31+s4+$0x0], $0xffff;
	[tilespmem:s31+$0x5200] =	vst v32  }
0x2b1: {  	[tilespmem:s25+$0x7180] =	vst v33;
	v37 =	vld.idx.msk [tilespmem:v34+s4+$0x0], $0xffff  }
0x2b2: {  	v38 =	vld.idx.msk [tilespmem:v35+s4+$0x0], $0xffff;
	[tilespmem:s24+$0x5280] =	vst v22  }
0x2b3: {  	v46 =	vadd.s32 $0x198, v0;
	v11 =	vld.idx.msk [tilespmem:v11+s4+$0x0], $0xffff;
	[tilespmem:s26+$0x5280] =	vst v7  }
0x2b4: {  	v40 =	vadd.s32 $0x178, v1;
	v10 =	vld.idx.msk [tilespmem:v10+s4+$0x0], $0xffff;
	[tilespmem:s28+$0x5280] =	vst v13  }
0x2b5: {  	v41 =	vadd.s32 $0x178, v3;
	v8 =	vld.idx.msk [tilespmem:v8+s4+$0x0], $0xffff;
	[tilespmem:s29+$0x5280] =	vst v36  }
0x2b6: {  	v42 =	vadd.s32 $0x178, v4;
	v12 =	vld.idx.msk [tilespmem:v12+s4+$0x0], $0xffff;
	[tilespmem:s31+$0x5280] =	vst v37  }
0x2b7: {  	v43 =	vadd.s32 $0x178, v5;
	[tilespmem:s23+$0x6100] =	vst v38;
	v9 =	vld.idx.msk [tilespmem:v9+s4+$0x0], $0xffff  }
0x2b8: {  	v45 =	vadd.s32 $0x178, v6;
	v51 =	vld.idx.msk [tilespmem:v46+s4+$0x0], $0xffff;
	[tilespmem:s24+$0x5300] =	vst v11  }
0x2b9: {  	v39 =	vadd.s32 $0x1E0, v2;
	v7 =	vld.idx.msk [tilespmem:v40+s4+$0x0], $0xffff;
	[tilespmem:s26+$0x5300] =	vst v10  }
0x2ba: {  	v47 =	vadd.s32 $0x180, v1;
	v13 =	vld.idx.msk [tilespmem:v41+s4+$0x0], $0xffff;
	[tilespmem:s28+$0x5300] =	vst v8  }
0x2bb: {  	v48 =	vadd.s32 $0x180, v3;
	v14 =	vld.idx.msk [tilespmem:v42+s4+$0x0], $0xffff;
	[tilespmem:s29+$0x5300] =	vst v12  }
0x2bc: {  	v49 =	vadd.s32 $0x180, v4;
	v15 =	vld.idx.msk [tilespmem:v43+s4+$0x0], $0xffff;
	[tilespmem:s31+$0x5300] =	vst v9  }
0x2bd: {  	[tilespmem:s23+$0x6180] =	vst v51;
	v50 =	vadd.s32 $0x180, v5;
	v11 =	vld.idx.msk [tilespmem:v45+s4+$0x0], $0xffff  }
0x2be: {  	v52 =	vadd.s32 $0x180, v6;
	v44 =	vld.idx.msk [tilespmem:v39+s4+$0x0], $0xffff;
	[tilespmem:s24+$0x5380] =	vst v7  }
0x2bf: {  	v60 =	vadd.s32 $0x1A0, v0;
	v10 =	vld.idx.msk [tilespmem:v47+s4+$0x0], $0xffff;
	[tilespmem:s26+$0x5380] =	vst v13  }
0x2c0: {  	v54 =	vadd.s32 $0x188, v1;
	v8 =	vld.idx.msk [tilespmem:v48+s4+$0x0], $0xffff;
	[tilespmem:s28+$0x5380] =	vst v14  }
0x2c1: {  	v55 =	vadd.s32 $0x188, v3;
	v12 =	vld.idx.msk [tilespmem:v49+s4+$0x0], $0xffff;
	[tilespmem:s29+$0x5380] =	vst v15  }
0x2c2: {  	v56 =	vadd.s32 $0x188, v4;
	v9 =	vld.idx.msk [tilespmem:v50+s4+$0x0], $0xffff;
	[tilespmem:s31+$0x5380] =	vst v11  }
0x2c3: {  	v57 =	vadd.s32 $0x188, v5;
	[tilespmem:s25+$0x7200] =	vst v44;
	v7 =	vld.idx.msk [tilespmem:v52+s4+$0x0], $0xffff  }
0x2c4: {  	v59 =	vadd.s32 $0x188, v6;
	v21 =	vld.idx.msk [tilespmem:v60+s4+$0x0], $0xffff;
	[tilespmem:s24+$0x6000] =	vst v10  }
0x2c5: {  	v53 =	vadd.s32 $0x1E8, v2;
	v13 =	vld.idx.msk [tilespmem:v54+s4+$0x0], $0xffff;
	[tilespmem:s26+$0x6000] =	vst v8  }
0x2c6: {  	v61 =	vadd.s32 $0x190, v1;
	v14 =	vld.idx.msk [tilespmem:v55+s4+$0x0], $0xffff;
	[tilespmem:s28+$0x6000] =	vst v12  }
0x2c7: {  	v62 =	vadd.s32 $0x190, v3;
	v15 =	vld.idx.msk [tilespmem:v56+s4+$0x0], $0xffff;
	[tilespmem:s29+$0x6000] =	vst v9  }
0x2c8: {  	v63 =	vadd.s32 $0x190, v4;
	v11 =	vld.idx.msk [tilespmem:v57+s4+$0x0], $0xffff;
	[tilespmem:s31+$0x6000] =	vst v7  }
0x2c9: {  	v20 =	vadd.s32 $0x190, v5;
	[tilespmem:s23+$0x6200] =	vst v21;
	v10 =	vld.idx.msk [tilespmem:v59+s4+$0x0], $0xffff  }
0x2ca: {  	v22 =	vadd.s32 $0x190, v6;
	v58 =	vld.idx.msk [tilespmem:v53+s4+$0x0], $0xffff;
	[tilespmem:s24+$0x6080] =	vst v13  }
0x2cb: {  	v30 =	vadd.s32 $0x1A8, v0;
	v8 =	vld.idx.msk [tilespmem:v61+s4+$0x0], $0xffff;
	[tilespmem:s26+$0x6080] =	vst v14  }
0x2cc: {  	v24 =	vadd.s32 $0x198, v1;
	v12 =	vld.idx.msk [tilespmem:v62+s4+$0x0], $0xffff;
	[tilespmem:s28+$0x6080] =	vst v15  }
0x2cd: {  	v25 =	vadd.s32 $0x198, v3;
	v9 =	vld.idx.msk [tilespmem:v63+s4+$0x0], $0xffff;
	[tilespmem:s29+$0x6080] =	vst v11  }
0x2ce: {  	v26 =	vadd.s32 $0x198, v4;
	v7 =	vld.idx.msk [tilespmem:v20+s4+$0x0], $0xffff;
	[tilespmem:s31+$0x6080] =	vst v10  }
0x2cf: {  	v27 =	vadd.s32 $0x198, v5;
	[tilespmem:s25+$0x7280] =	vst v58;
	v13 =	vld.idx.msk [tilespmem:v22+s4+$0x0], $0xffff  }
0x2d0: {  	v29 =	vadd.s32 $0x198, v6;
	v35 =	vld.idx.msk [tilespmem:v30+s4+$0x0], $0xffff;
	[tilespmem:s24+$0x6100] =	vst v8  }
0x2d1: {  	v23 =	vadd.s32 $0x1F0, v2;
	v14 =	vld.idx.msk [tilespmem:v24+s4+$0x0], $0xffff;
	[tilespmem:s26+$0x6100] =	vst v12  }
0x2d2: {  	v31 =	vadd.s32 $0x1A0, v1;
	v15 =	vld.idx.msk [tilespmem:v25+s4+$0x0], $0xffff;
	[tilespmem:s28+$0x6100] =	vst v9  }
0x2d3: {  	v32 =	vadd.s32 $0x1A0, v3;
	v11 =	vld.idx.msk [tilespmem:v26+s4+$0x0], $0xffff;
	[tilespmem:s29+$0x6100] =	vst v7  }
0x2d4: {  	v33 =	vadd.s32 $0x1A0, v4;
	v10 =	vld.idx.msk [tilespmem:v27+s4+$0x0], $0xffff;
	[tilespmem:s31+$0x6100] =	vst v13  }
0x2d5: {  	[tilespmem:s23+$0x6280] =	vst v35;
	v34 =	vadd.s32 $0x1A0, v5;
	v8 =	vld.idx.msk [tilespmem:v29+s4+$0x0], $0xffff  }
0x2d6: {  	v28 =	vld.idx.msk [tilespmem:v23+s4+$0x0], $0xffff;
	v36 =	vadd.s32 $0x1A0, v6;
	[tilespmem:s24+$0x6180] =	vst v14  }
0x2d7: {  	v37 =	vadd.s32 $0x1F8, v2;
	v12 =	vld.idx.msk [tilespmem:v31+s4+$0x0], $0xffff;
	[tilespmem:s26+$0x6180] =	vst v15  }
0x2d8: {  	v38 =	vadd.s32 $0x1A8, v1;
	v9 =	vld.idx.msk [tilespmem:v32+s4+$0x0], $0xffff;
	[tilespmem:s28+$0x6180] =	vst v11  }
0x2d9: {  	v39 =	vadd.s32 $0x1A8, v3;
	v7 =	vld.idx.msk [tilespmem:v33+s4+$0x0], $0xffff;
	[tilespmem:s29+$0x6180] =	vst v10  }
0x2da: {  	v40 =	vadd.s32 $0x1A8, v4;
	v13 =	vld.idx.msk [tilespmem:v34+s4+$0x0], $0xffff;
	[tilespmem:s31+$0x6180] =	vst v8  }
0x2db: {  	v41 =	vadd.s32 $0x1A8, v5;
	[tilespmem:s25+$0x7300] =	vst v28;
	v14 =	vld.idx.msk [tilespmem:v36+s4+$0x0], $0xffff  }
0x2dc: {  	v42 =	vadd.s32 $0x1A8, v6;
	v2 =	vld.idx.msk [tilespmem:v37+s4+$0x0], $0xffff;
	[tilespmem:s24+$0x6200] =	vst v12  }
0x2dd: {  	v43 =	vadd.s32 $0x1B0, v0;
	v15 =	vld.idx.msk [tilespmem:v38+s4+$0x0], $0xffff;
	[tilespmem:s26+$0x6200] =	vst v9  }
0x2de: {  	v44 =	vadd.s32 $0x1B0, v1;
	v11 =	vld.idx.msk [tilespmem:v39+s4+$0x0], $0xffff;
	[tilespmem:s28+$0x6200] =	vst v7  }
0x2df: {  	v45 =	vadd.s32 $0x1B0, v3;
	v10 =	vld.idx.msk [tilespmem:v40+s4+$0x0], $0xffff;
	[tilespmem:s29+$0x6200] =	vst v13  }
0x2e0: {  	v46 =	vadd.s32 $0x1B0, v4;
	v8 =	vld.idx.msk [tilespmem:v41+s4+$0x0], $0xffff;
	[tilespmem:s31+$0x6200] =	vst v14  }
0x2e1: {  	v47 =	vadd.s32 $0x1B0, v5;
	[tilespmem:s25+$0x7380] =	vst v2;
	v12 =	vld.idx.msk [tilespmem:v42+s4+$0x0], $0xffff  }
0x2e2: {  	v49 =	vadd.s32 $0x1B0, v6;
	v48 =	vld.idx.msk [tilespmem:v43+s4+$0x0], $0xffff;
	[tilespmem:s24+$0x6280] =	vst v15  }
0x2e3: {  	v50 =	vadd.s32 $0x1B8, v0;
	v9 =	vld.idx.msk [tilespmem:v44+s4+$0x0], $0xffff;
	[tilespmem:s26+$0x6280] =	vst v11  }
0x2e4: {  	v51 =	vadd.s32 $0x1B8, v1;
	v7 =	vld.idx.msk [tilespmem:v45+s4+$0x0], $0xffff;
	[tilespmem:s28+$0x6280] =	vst v10  }
0x2e5: {  	v52 =	vadd.s32 $0x1B8, v3;
	v13 =	vld.idx.msk [tilespmem:v46+s4+$0x0], $0xffff;
	[tilespmem:s29+$0x6280] =	vst v8  }
0x2e6: {  	v53 =	vadd.s32 $0x1B8, v4;
	v2 =	vld.idx.msk [tilespmem:v47+s4+$0x0], $0xffff;
	[tilespmem:s31+$0x6280] =	vst v12  }
0x2e7: {  	v54 =	vadd.s32 $0x1B8, v5;
	[tilespmem:s23+$0x6300] =	vst v48;
	v55 =	vld.idx.msk [tilespmem:v49+s4+$0x0], $0xffff  }
0x2e8: {  	v56 =	vld.idx.msk [tilespmem:v50+s4+$0x0], $0xffff;
	v57 =	vadd.s32 $0x1B8, v6;
	[tilespmem:s24+$0x6300] =	vst v9  }
0x2e9: {  	v58 =	vadd.s32 $0x1C0, v0;
	v11 =	vld.idx.msk [tilespmem:v51+s4+$0x0], $0xffff;
	[tilespmem:s26+$0x6300] =	vst v7  }
0x2ea: {  	v59 =	vadd.s32 $0x1C0, v1;
	v10 =	vld.idx.msk [tilespmem:v52+s4+$0x0], $0xffff;
	[tilespmem:s28+$0x6300] =	vst v13  }
0x2eb: {  	v60 =	vadd.s32 $0x1C0, v3;
	v8 =	vld.idx.msk [tilespmem:v53+s4+$0x0], $0xffff;
	[tilespmem:s29+$0x6300] =	vst v2  }
0x2ec: {  	v61 =	vadd.s32 $0x1C0, v4;
	v12 =	vld.idx.msk [tilespmem:v54+s4+$0x0], $0xffff;
	[tilespmem:s31+$0x6300] =	vst v55  }
0x2ed: {  	v62 =	vadd.s32 $0x1C0, v5;
	[tilespmem:s23+$0x6380] =	vst v56;
	v9 =	vld.idx.msk [tilespmem:v57+s4+$0x0], $0xffff  }
0x2ee: {  	v63 =	vadd.s32 $0x1C0, v6;
	v15 =	vld.idx.msk [tilespmem:v58+s4+$0x0], $0xffff;
	[tilespmem:s24+$0x6380] =	vst v11  }
0x2ef: {  	v20 =	vadd.s32 $0x1C8, v0;
	v7 =	vld.idx.msk [tilespmem:v59+s4+$0x0], $0xffff;
	[tilespmem:s26+$0x6380] =	vst v10  }
0x2f0: {  	v21 =	vadd.s32 $0x1C8, v1;
	v13 =	vld.idx.msk [tilespmem:v60+s4+$0x0], $0xffff;
	[tilespmem:s28+$0x6380] =	vst v8  }
0x2f1: {  	v22 =	vadd.s32 $0x1C8, v3;
	v2 =	vld.idx.msk [tilespmem:v61+s4+$0x0], $0xffff;
	[tilespmem:s29+$0x6380] =	vst v12  }
0x2f2: {  	v23 =	vadd.s32 $0x1C8, v4;
	v14 =	vld.idx.msk [tilespmem:v62+s4+$0x0], $0xffff;
	[tilespmem:s31+$0x6380] =	vst v9  }
0x2f3: {  	v24 =	vadd.s32 $0x1C8, v5;
	[tilespmem:s23+$0x7000] =	vst v15;
	v11 =	vld.idx.msk [tilespmem:v63+s4+$0x0], $0xffff  }
0x2f4: {  	v25 =	vadd.s32 $0x1C8, v6;
	v15 =	vld.idx.msk [tilespmem:v20+s4+$0x0], $0xffff;
	[tilespmem:s24+$0x7000] =	vst v7  }
0x2f5: {  	v26 =	vadd.s32 $0x1D0, v0;
	v10 =	vld.idx.msk [tilespmem:v21+s4+$0x0], $0xffff;
	[tilespmem:s26+$0x7000] =	vst v13  }
0x2f6: {  	v27 =	vadd.s32 $0x1D0, v1;
	v8 =	vld.idx.msk [tilespmem:v22+s4+$0x0], $0xffff;
	[tilespmem:s28+$0x7000] =	vst v2  }
0x2f7: {  	v28 =	vadd.s32 $0x1D0, v3;
	v12 =	vld.idx.msk [tilespmem:v23+s4+$0x0], $0xffff;
	[tilespmem:s29+$0x7000] =	vst v14  }
0x2f8: {  	v29 =	vadd.s32 $0x1D0, v4;
	v9 =	vld.idx.msk [tilespmem:v24+s4+$0x0], $0xffff;
	[tilespmem:s31+$0x7000] =	vst v11  }
0x2f9: {  	v30 =	vadd.s32 $0x1D0, v5;
	[tilespmem:s23+$0x7080] =	vst v15;
	v7 =	vld.idx.msk [tilespmem:v25+s4+$0x0], $0xffff  }
0x2fa: {  	v31 =	vadd.s32 $0x1D0, v6;
	v15 =	vld.idx.msk [tilespmem:v26+s4+$0x0], $0xffff;
	[tilespmem:s24+$0x7080] =	vst v10  }
0x2fb: {  	v32 =	vadd.s32 $0x1D8, v0;
	v13 =	vld.idx.msk [tilespmem:v27+s4+$0x0], $0xffff;
	[tilespmem:s26+$0x7080] =	vst v8  }
0x2fc: {  	v33 =	vadd.s32 $0x1D8, v1;
	v2 =	vld.idx.msk [tilespmem:v28+s4+$0x0], $0xffff;
	[tilespmem:s28+$0x7080] =	vst v12  }
0x2fd: {  	v34 =	vadd.s32 $0x1D8, v3;
	v14 =	vld.idx.msk [tilespmem:v29+s4+$0x0], $0xffff;
	[tilespmem:s29+$0x7080] =	vst v9  }
0x2fe: {  	v35 =	vadd.s32 $0x1D8, v4;
	v11 =	vld.idx.msk [tilespmem:v30+s4+$0x0], $0xffff;
	[tilespmem:s31+$0x7080] =	vst v7  }
0x2ff: {  	[tilespmem:s23+$0x7100] =	vst v15;
	v36 =	vadd.s32 $0x1D8, v5;
	v10 =	vld.idx.msk [tilespmem:v31+s4+$0x0], $0xffff  }
0x300: {  	v37 =	vadd.s32 $0x1D8, v6;
	v15 =	vld.idx.msk [tilespmem:v32+s4+$0x0], $0xffff;
	[tilespmem:s24+$0x7100] =	vst v13  }
0x301: {  	v38 =	vadd.s32 $0x1E0, v0;
	v8 =	vld.idx.msk [tilespmem:v33+s4+$0x0], $0xffff;
	[tilespmem:s26+$0x7100] =	vst v2  }
0x302: {  	v39 =	vadd.s32 $0x1E0, v1;
	v12 =	vld.idx.msk [tilespmem:v34+s4+$0x0], $0xffff;
	[tilespmem:s28+$0x7100] =	vst v14  }
0x303: {  	v40 =	vadd.s32 $0x1E0, v3;
	v9 =	vld.idx.msk [tilespmem:v35+s4+$0x0], $0xffff;
	[tilespmem:s29+$0x7100] =	vst v11  }
0x304: {  	v41 =	vadd.s32 $0x1E0, v4;
	v7 =	vld.idx.msk [tilespmem:v36+s4+$0x0], $0xffff;
	[tilespmem:s31+$0x7100] =	vst v10  }
0x305: {  	[tilespmem:s23+$0x7180] =	vst v15;
	v42 =	vadd.s32 $0x1E0, v5;
	v13 =	vld.idx.msk [tilespmem:v37+s4+$0x0], $0xffff  }
0x306: {  	v43 =	vadd.s32 $0x1E0, v6;
	v15 =	vld.idx.msk [tilespmem:v38+s4+$0x0], $0xffff;
	[tilespmem:s24+$0x7180] =	vst v8  }
0x307: {  	v44 =	vadd.s32 $0x1E8, v0;
	v2 =	vld.idx.msk [tilespmem:v39+s4+$0x0], $0xffff;
	[tilespmem:s26+$0x7180] =	vst v12  }
0x308: {  	v45 =	vadd.s32 $0x1E8, v1;
	v14 =	vld.idx.msk [tilespmem:v40+s4+$0x0], $0xffff;
	[tilespmem:s28+$0x7180] =	vst v9  }
0x309: {  	v46 =	vadd.s32 $0x1E8, v3;
	v11 =	vld.idx.msk [tilespmem:v41+s4+$0x0], $0xffff;
	[tilespmem:s29+$0x7180] =	vst v7  }
0x30a: {  	v47 =	vadd.s32 $0x1E8, v4;
	v10 =	vld.idx.msk [tilespmem:v42+s4+$0x0], $0xffff;
	[tilespmem:s31+$0x7180] =	vst v13  }
0x30b: {  	v48 =	vadd.s32 $0x1E8, v5;
	[tilespmem:s23+$0x7200] =	vst v15;
	v8 =	vld.idx.msk [tilespmem:v43+s4+$0x0], $0xffff  }
0x30c: {  	v49 =	vadd.s32 $0x1E8, v6;
	v15 =	vld.idx.msk [tilespmem:v44+s4+$0x0], $0xffff;
	[tilespmem:s24+$0x7200] =	vst v2  }
0x30d: {  	v50 =	vadd.s32 $0x1F0, v0;
	v12 =	vld.idx.msk [tilespmem:v45+s4+$0x0], $0xffff;
	[tilespmem:s26+$0x7200] =	vst v14  }
0x30e: {  	v51 =	vadd.s32 $0x1F0, v1;
	v9 =	vld.idx.msk [tilespmem:v46+s4+$0x0], $0xffff;
	[tilespmem:s28+$0x7200] =	vst v11  }
0x30f: {  	v52 =	vadd.s32 $0x1F0, v3;
	v7 =	vld.idx.msk [tilespmem:v47+s4+$0x0], $0xffff;
	[tilespmem:s29+$0x7200] =	vst v10  }
0x310: {  	v53 =	vadd.s32 $0x1F0, v4;
	v13 =	vld.idx.msk [tilespmem:v48+s4+$0x0], $0xffff;
	[tilespmem:s31+$0x7200] =	vst v8  }
0x311: {  	v54 =	vadd.s32 $0x1F0, v5;
	[tilespmem:s23+$0x7280] =	vst v15;
	v2 =	vld.idx.msk [tilespmem:v49+s4+$0x0], $0xffff  }
0x312: {  	v55 =	vadd.s32 $0x1F0, v6;
	v15 =	vld.idx.msk [tilespmem:v50+s4+$0x0], $0xffff;
	[tilespmem:s24+$0x7280] =	vst v12  }
0x313: {  	v56 =	vadd.s32 $0x1F8, v0;
	v14 =	vld.idx.msk [tilespmem:v51+s4+$0x0], $0xffff;
	[tilespmem:s26+$0x7280] =	vst v9  }
0x314: {  	v57 =	vadd.s32 $0x1F8, v1;
	v9 =	vld.idx.msk [tilespmem:v52+s4+$0x0], $0xffff;
	[tilespmem:s28+$0x7280] =	vst v7  }
0x315: {  	v58 =	vadd.s32 $0x1F8, v3;
	v7 =	vld.idx.msk [tilespmem:v53+s4+$0x0], $0xffff;
	[tilespmem:s29+$0x7280] =	vst v13  }
0x316: {  	v59 =	vadd.s32 $0x1F8, v4;
	v8 =	vld.idx.msk [tilespmem:v54+s4+$0x0], $0xffff;
	[tilespmem:s31+$0x7280] =	vst v2  }
0x317: {  	v60 =	vadd.s32 $0x1F8, v5;
	[tilespmem:s23+$0x7300] =	vst v15;
	v61 =	vld.idx.msk [tilespmem:v55+s4+$0x0], $0xffff  }
0x318: {  	v62 =	vadd.s32 $0x1F8, v6;
	v0 =	vld.idx.msk [tilespmem:v56+s4+$0x0], $0xffff;
	[tilespmem:s24+$0x7300] =	vst v14  }
0x319: {  	v1 =	vld.idx.msk [tilespmem:v57+s4+$0x0], $0xffff;
	[tilespmem:s26+$0x7300] =	vst v9  }
0x31a: {  	v3 =	vld.idx.msk [tilespmem:v58+s4+$0x0], $0xffff;
	[tilespmem:s28+$0x7300] =	vst v7  }
0x31b: {  	v4 =	vld.idx.msk [tilespmem:v59+s4+$0x0], $0xffff;
	[tilespmem:s29+$0x7300] =	vst v8  }
0x31c: {  	v2 =	vld.idx.msk [tilespmem:v60+s4+$0x0], $0xffff;
	[tilespmem:s31+$0x7300] =	vst v61  }
0x31d: {  	[tilespmem:s23+$0x7380] =	vst v0;
	v63 =	vld.idx.msk [tilespmem:v62+s4+$0x0], $0xffff  }
0x31e: {  	p2 =	seq.s32 s18, $0xC7;
	[tilespmem:s24+$0x7380] =	vst v1  }
0x31f: {  	p1 =	por p2, p1;
	[tilespmem:s26+$0x7380] =	vst v3  }
0x320: {  	s1 =	sshll.u32 @p1 s20, $0x14;
	[tilespmem:s28+$0x7380] =	vst v4  }
0x321: {  	s6 =	sadd.s32 @p1 $0x3, s21;
	s7 =	simm.s32 @p1 $0x1000;
	s1 =	sor.u32 @p1 s5, s1;
	[tilespmem:s29+$0x7380] =	vst v2  }
0x322: {  	s9 =	simm.s32 @p1 $0x20000;
	s1 =	sshrl.u32 @p1 s1, $0x3;
	s0 =	simm.s32 $0x1;
	[tilespmem:s31+$0x7380] =	vst v63  }
0x323: {  	s1 =	sadd.s32 @p1 s3, s1;
	s0 =	simm.s32 @!p0 $0x0;
	_ =	strace $0x9000004B  }
0x324: {  	s17 =	sadd.s32 s0, s17;
	s0 =	simm.s32 $0x1;
	_ =	strace @p1 $0x8000004C  }
0x325: {  	[hbm4b:s1+s7] =	stream.strided.scatter @p1 [tilespmem:s22], [sflag:s6], $0x8000, s9, s7, $0x200038;
	[tilespmem:$0x10600] =	vst v63  }
0x326: {  	p0 =	seq.s32 s18, $0x0;
	s0 =	simm.s32 @!p1 $0x0;
	s6 =	simm.s32 $0x1  }
0x327: {  	_ =	strace @p1 $0x9000004C;
	p1 =	sne.s32 s18, $0x0;
	s18 =	sadd.s32 $0x1, s18  }
0x328: {  	s1 =	sand.u32 @!p0 $0x1, s14;
	s6 =	simm.s32 @!p1 $0x0;
	p1 =	sne.s32 s18, $0xC8  }
.Ltmp1:
0x329: {  	s1 =	sadd.s32 @!p0 $0x3, s1;
	_ =	strace @!p0 $0x8000004D;
	(pc) =	sbr.rel @p1 .LBB2_2-.Ltmp1, $4  }
0x32a: {  	_ =	swait.ge @!p0 [sflag:s1], $0x8000  }
0x32b: {  	[sflag:s1] =	ssyncset.done @!p0 $0x0  }
0x32c: {  	s20 =	smov.u32 s19;
	s15 =	sadd.s32 s0, s15;
	[sflag:s1] =	ssyncadd.s32 @!p0 $0xFFFF8000  }
0x32d: {  	s16 =	sadd.s32 s0, s16;
	s14 =	sadd.s32 s6, s14;
	_ =	strace @!p0 $0x9000004D  }
0x32e: {  	s13 =	sadd.s32 $0x1, s13  }
0x32f: {  	s0 =	sand.u32 $0x1, s14;
	p0 =	sne.s32 s13, s8  }
.Ltmp2:
0x330: {  	_ =	strace $0x8000004E;
	s0 =	sadd.s32 $0x3, s0;
	(pc) =	sbr.rel @p0 .LBB2_1-.Ltmp2, $4  }
0x331: {  	_ =	swait.ge [sflag:s0], $0x8000  }
0x332: {  	[sflag:s0] =	ssyncset.done $0x0  }
0x333: {  	[sflag:s0] =	ssyncadd.s32 $0xFFFF8000  }
0x334: {  	_ =	strace $0x9000004E  }
0x335: {  	_ =	sfence.sel $0x180000  }
0x336: {  	[bflag:$0x0] =	sbarrier.arrive $0xFFFF  }
0x337: {  	_ =	strace $0x90000047  }
0x338: {  	s0 =	stileid.u32;
	[bflag:$0x2] =	sbarrier.arrive $0xFFFF  }
0x339: {  	p0 =	sne.s32 s0, $0x0;
	s0 =	rddreg [dreg:$0x3]  }
0x33a: {  	s0 =	sadd.s32 @!p0 $0x100000, s0  }
0x33b: {  	[sflag:s0] =	ssyncadd.tile.s32 @!p0 $0x1;
	_ =	shalt  }
.Lfunc_end2:
_tile_overlayer_lowered:
.L_overlay_start_2:
0x33c: {  	(tag) =	ssettag $0x2  }
0x33d: {  	s0 =	rddreg [dreg:$0x0];
	s2 =	stileid.u32  }
0x33e: {  	s1 =	rddreg [dreg:$0x1];
	p0 =	sne.s32 s2, $0x0  }
0x33f: {  	s3 =	rddreg [dreg:$0x2];
	[bflag:$0x3] =	sbarrier.arrive $0xFFFF;
	s2 =	simm.s32 @!p0 $0x1C01  }
0x340: {  	[timem:s3], [sflag:s2] =	dma.local @!p0 [hbm:s0], s1  }
0x341: {  	s0 =	simm.s32 @!p0 $0x1  }
0x342: {  	_ =	swait.ge @!p0 [sflag:s0], s1  }
0x343: {  	s1 =	ssub.s32 @!p0 $0x0, s1;
	[sflag:s0] =	ssyncset.done @!p0 $0x0  }
0x344: {  	[sflag:s0] =	ssyncadd.s32 @!p0 s1  }
0x345: {  	[bflag:$0x3] =	sbarrier.arrive $0xFFFF  }
0x346: {  	_ =	shalt  }

</sc_bundles>
